<compile_context>
chip_gen: v7x
topology: tpu7x:2x2x1
jax: 0.10.2.dev20260603
libtpu: 0.0.44.dev20260713+nightly
codegen_flags: <defaults>
</compile_context>

<pallas_src>
import functools

import jax
import jax.numpy as jnp
from jax import lax
from jax.experimental import pallas as pl
from jax.experimental.pallas import tpu as pltpu
from jax.experimental.pallas import tpu_sc as plsc

D_MODEL = 1024
MAXLEN = 8192
SEQ = 16383

NW = 32
SEQ_PAD = 16384
BW = SEQ_PAD // NW
K = 32
NCH = BW // K
LANES = 16

_mesh = plsc.VectorSubcoreMesh(core_axis_name="c", subcore_axis_name="s")


@functools.partial(
    pl.kernel,
    mesh=_mesh,
    out_type=jax.ShapeDtypeStruct((SEQ, D_MODEL), jnp.float32),
    scratch_types=[
        pltpu.VMEM((BW,), jnp.int32),
        pltpu.VMEM((NCH, K), jnp.int32),
        pltpu.VMEM((K, D_MODEL), jnp.float32),
        pltpu.VMEM((K, D_MODEL), jnp.float32),
        pltpu.VMEM((K, D_MODEL), jnp.float32),
        pltpu.SemaphoreType.DMA,
        pltpu.SemaphoreType.DMA,
        pltpu.SemaphoreType.DMA,
        pltpu.SemaphoreType.DMA,
        pltpu.SemaphoreType.DMA,
        pltpu.SemaphoreType.DMA,
    ],
)
def _gather_rows(table_hbm, idx_hbm, out_hbm, idx_stage, idx2d,
                 buf0, buf1, buf2, gsem0, gsem1, gsem2, ssem0, ssem1, ssem2):
    wid = lax.axis_index("s") * 2 + lax.axis_index("c")
    base = wid * BW
    is_last = wid == NW - 1

    @pl.when(is_last)
    def _():
        pltpu.sync_copy(idx_hbm.at[pl.ds(base, BW - 1)],
                        idx_stage.at[pl.ds(0, BW - 1)])

    @pl.when(jnp.logical_not(is_last))
    def _():
        pltpu.sync_copy(idx_hbm.at[pl.ds(base, BW)], idx_stage)

    per_row = K // LANES
    lane = lax.iota(jnp.int32, LANES)
    for j in range(BW // LANES):
        v = idx_stage[pl.ds(j * LANES, LANES)]
        c = jnp.minimum(jnp.maximum(v, -MAXLEN), MAXLEN - 1) + MAXLEN
        idx2d[j // per_row, pl.ds((j % per_row) * LANES, LANES)] = c

    bufs = (buf0, buf1, buf2)
    gsems = (gsem0, gsem1, gsem2)
    ssems = (ssem0, ssem1, ssem2)
    gathers = [None] * NCH
    scatters = [None] * NCH

    def start_gather(g):
        gathers[g] = pltpu.async_copy(
            table_hbm.at[idx2d.at[g]], bufs[g % 3], gsems[g % 3])

    def start_scatter(g):
        scatters[g] = pltpu.async_copy(
            bufs[g % 3], out_hbm.at[pl.ds(base + g * K, K)], ssems[g % 3])

    start_gather(0)
    start_gather(1)
    for g in range(NCH):
        gathers[g].wait()
        if g == NCH - 1:
            @pl.when(is_last)
            def _():
                b = bufs[g % 3]
                for l in range(D_MODEL // LANES):
                    b[K - 1, pl.ds(l * LANES, LANES)] = (
                        b[K - 2, pl.ds(l * LANES, LANES)])
                pltpu.sync_copy(b.at[pl.ds(0, 24)],
                                out_hbm.at[pl.ds(base + g * K, 24)])
                tail_ids = jnp.minimum(SEQ - (LANES - 1) + lane, SEQ - 1)
                pltpu.sync_copy(b.at[pl.ds(LANES, LANES)],
                                out_hbm.at[tail_ids])

            @pl.when(jnp.logical_not(is_last))
            def _():
                pltpu.sync_copy(bufs[g % 3], out_hbm.at[pl.ds(base + g * K, K)])
        else:
            start_scatter(g)
        nxt = g + 2
        if nxt < NCH:
            if nxt - 3 >= 0:
                scatters[nxt - 3].wait()
            start_gather(nxt)
    for g in range(NCH - 3, NCH - 1):
        scatters[g].wait()


def kernel(pos_seq, pe_k):
    out_k = _gather_rows(pe_k, pos_seq.astype(jnp.int32))
    return (out_k, None)

# --- scband reference (transcript-rebuilt; emitter-appended) ---
"""Pipeline reference for scband-relative-positional-encoding-32418413150686 (READ-ONLY COPY).

The authoritative reference and input builder live on the scoring server;
editing this copy changes nothing except your own understanding.
"""

import jax, jax.numpy as jnp
import numpy as np

D_MODEL = 1024
MAXLEN = 8192
SEQ = 16383


def setup_inputs(seed: int = 0) -> dict:
    key = jax.random.key(seed)
    k1, k2 = jax.random.split(key)
    pos_seq = jax.random.randint(k1, (SEQ,), 0, 8191, dtype=jnp.int64 if jax.config.jax_enable_x64 else jnp.int32)
    pe_k = jax.random.normal(k2, (2 * MAXLEN, D_MODEL), dtype=jnp.float32)
    return {"pos_seq": pos_seq, "pe_k": pe_k}


def reference(pos_seq, pe_k):
    # faithful translation of RelativePositionalEncoding.forward (embed_v=False)
    ps = jnp.clip(pos_seq, -MAXLEN, MAXLEN - 1)
    ps = ps + MAXLEN
    out_k = jnp.take(pe_k, ps, axis=0)
    return (out_k, None)

if __name__ == "__main__":
    import jax
    _d = setup_inputs()
    print(jax.jit(kernel)(*tuple(_d.values())))

</pallas_src>

<mosaic_0001>
#map = affine_map<(d0, d1) -> (0, 0)>
#map1 = affine_map<(d0, d1) -> (0)>
module attributes {stable_mosaic.version = 14 : i64} {
  func.func @_gather_rows(%arg0: i32, %arg1: i32, %arg2: memref<16384x1024xf32, #tpu.memory_space<hbm>>, %arg3: memref<16383xi32, #tpu.memory_space<hbm>>, %arg4: memref<16383x1024xf32, #tpu.memory_space<hbm>>, %arg5: memref<512xi32, #tpu.memory_space<vmem>>, %arg6: memref<16x32xi32, #tpu.memory_space<vmem>>, %arg7: memref<32x1024xf32, #tpu.memory_space<vmem>>, %arg8: memref<32x1024xf32, #tpu.memory_space<vmem>>, %arg9: memref<32x1024xf32, #tpu.memory_space<vmem>>, %arg10: memref<!tpu.dma_semaphore, #tpu.memory_space<semaphore_mem>>, %arg11: memref<!tpu.dma_semaphore, #tpu.memory_space<semaphore_mem>>, %arg12: memref<!tpu.dma_semaphore, #tpu.memory_space<semaphore_mem>>, %arg13: memref<!tpu.dma_semaphore, #tpu.memory_space<semaphore_mem>>, %arg14: memref<!tpu.dma_semaphore, #tpu.memory_space<semaphore_mem>>, %arg15: memref<!tpu.dma_semaphore, #tpu.memory_space<semaphore_mem>>) attributes {dimension_semantics = [#tpu.dimension_semantics<core_parallel>, #tpu.dimension_semantics<subcore_parallel>], iteration_bounds = array<i64: 2, 16>, scalar_prefetch = 0 : i64, scratch_operands = 11 : i64, tpu.core_type = #tpu.core_type<sc_vector_subcore>, window_params = [{transform_indices = #map}, {transform_indices = #map1}, {transform_indices = #map}]} {
    %mul3A = arith.constant 2 : i32
    %mul3A_0 = arith.muli %arg1, %mul3A : i32
    %add3A = arith.addi %mul3A_0, %arg0 : i32
    %mul3A_1 = arith.constant 512 : i32
    %mul3A_2 = arith.muli %add3A, %mul3A_1 : i32
    %eq3A = arith.constant 31 : i32
    %eq3A_3 = arith.cmpi eq, %add3A, %eq3A : i32
    %convert_element_type3A = arith.extui %eq3A_3 : i1 to i32
    %cond3A = arith.constant 0 : i32
    %cond3A_4 = arith.cmpi ne, %convert_element_type3A, %cond3A : i32
    scf.if %cond3A_4 {
      "tpu.region"() ({
        %run_scoped3A = tpu.sem_alloc : memref<!tpu.dma_semaphore, #tpu.memory_space<semaphore_mem>>
        %dma_start3A_961 = arith.constant 0 : i32
        %dma_start3A_962 = tpu.memref_slice %arg5[%dma_start3A_961] : memref<512xi32, #tpu.memory_space<vmem>> -> memref<511xi32, #tpu.memory_space<vmem>>
        %dma_start3A_963 = tpu.memref_slice %arg3[%mul3A_2] : memref<16383xi32, #tpu.memory_space<hbm>> -> memref<511xi32, #tpu.memory_space<hbm>>
        %dma_start3A_964 = arith.constant 0 : i32
        %dma_start3A_965 = tpu.memref_slice %arg5[%dma_start3A_964] : memref<512xi32, #tpu.memory_space<vmem>> -> memref<511xi32, #tpu.memory_space<vmem>>
        %dma_start3A_966 = tpu.memref_slice %arg3[%mul3A_2] : memref<16383xi32, #tpu.memory_space<hbm>> -> memref<511xi32, #tpu.memory_space<hbm>>
        tpu.enqueue_dma source(%dma_start3A_966 : memref<511xi32, #tpu.memory_space<hbm>>) target(%dma_start3A_965 : memref<511xi32, #tpu.memory_space<vmem>>) target_semaphore(%run_scoped3A : memref<!tpu.dma_semaphore, #tpu.memory_space<semaphore_mem>>)
        %dma_wait3A_967 = arith.constant 0 : i32
        %dma_wait3A_968 = tpu.memref_slice %arg5[%dma_wait3A_967] : memref<512xi32, #tpu.memory_space<vmem>> -> memref<511xi32, #tpu.memory_space<vmem>>
        %dma_wait3A_969 = tpu.memref_slice %arg3[%mul3A_2] : memref<16383xi32, #tpu.memory_space<hbm>> -> memref<511xi32, #tpu.memory_space<hbm>>
        %dma_wait3A_970 = arith.constant 0 : i32
        %dma_wait3A_971 = tpu.memref_slice %arg5[%dma_wait3A_970] : memref<512xi32, #tpu.memory_space<vmem>> -> memref<511xi32, #tpu.memory_space<vmem>>
        %dma_wait3A_972 = tpu.memref_slice %arg3[%mul3A_2] : memref<16383xi32, #tpu.memory_space<hbm>> -> memref<511xi32, #tpu.memory_space<hbm>>
        tpu.wait_dma2 semaphore(%run_scoped3A : memref<!tpu.dma_semaphore, #tpu.memory_space<semaphore_mem>>) src(%dma_wait3A_972 : memref<511xi32, #tpu.memory_space<hbm>>) dst(%dma_wait3A_971 : memref<511xi32, #tpu.memory_space<vmem>>)
        tpu.yield
      }) : () -> ()
    } else {
    }
    %not3A = arith.constant true
    %not3A_5 = arith.xori %eq3A_3, %not3A : i1
    %convert_element_type3A_6 = arith.extui %not3A_5 : i1 to i32
    %cond3A_7 = arith.constant 0 : i32
    %cond3A_8 = arith.cmpi ne, %convert_element_type3A_6, %cond3A_7 : i32
    scf.if %cond3A_8 {
      "tpu.region"() ({
        %run_scoped3A = tpu.sem_alloc : memref<!tpu.dma_semaphore, #tpu.memory_space<semaphore_mem>>
        %dma_start3A_961 = tpu.memref_slice %arg3[%mul3A_2] : memref<16383xi32, #tpu.memory_space<hbm>> -> memref<512xi32, #tpu.memory_space<hbm>>
        %dma_start3A_962 = tpu.memref_slice %arg3[%mul3A_2] : memref<16383xi32, #tpu.memory_space<hbm>> -> memref<512xi32, #tpu.memory_space<hbm>>
        tpu.enqueue_dma source(%dma_start3A_962 : memref<512xi32, #tpu.memory_space<hbm>>) target(%arg5 : memref<512xi32, #tpu.memory_space<vmem>>) target_semaphore(%run_scoped3A : memref<!tpu.dma_semaphore, #tpu.memory_space<semaphore_mem>>)
        %dma_wait3A_963 = tpu.memref_slice %arg3[%mul3A_2] : memref<16383xi32, #tpu.memory_space<hbm>> -> memref<512xi32, #tpu.memory_space<hbm>>
        %dma_wait3A_964 = tpu.memref_slice %arg3[%mul3A_2] : memref<16383xi32, #tpu.memory_space<hbm>> -> memref<512xi32, #tpu.memory_space<hbm>>
        tpu.wait_dma2 semaphore(%run_scoped3A : memref<!tpu.dma_semaphore, #tpu.memory_space<semaphore_mem>>) src(%dma_wait3A_964 : memref<512xi32, #tpu.memory_space<hbm>>) dst(%arg5 : memref<512xi32, #tpu.memory_space<vmem>>)
        tpu.yield
      }) : () -> ()
    } else {
    }
    %iota3A = tpu.iota {dimensions = array<i32: 0>} : vector<16xi32>
    %get3A = arith.constant 0 : index
    %get3A_9 = tpu.vector_load %arg5[%get3A] {strides = array<i32>} : memref<512xi32, #tpu.memory_space<vmem>>, vector<16xi32>,
    %get3A_10 = vector.shape_cast %get3A_9 : vector<16xi32> to vector<16xi32>
    %max3A = arith.constant -8192 : i32
    %max3A_11 = vector.broadcast %max3A : i32 to vector<16xi32>
    %max3A_12 = arith.maxsi %get3A_10, %max3A_11 : vector<16xi32>
    %min3A = arith.constant 8191 : i32
    %min3A_13 = vector.broadcast %min3A : i32 to vector<16xi32>
    %min3A_14 = arith.minsi %max3A_12, %min3A_13 : vector<16xi32>
    %add3A_15 = arith.constant 8192 : i32
    %add3A_16 = vector.broadcast %add3A_15 : i32 to vector<16xi32>
    %add3A_17 = arith.addi %min3A_14, %add3A_16 : vector<16xi32>
    %swap3A = arith.constant 0 : i32
    %swap3A_18 = arith.index_cast %swap3A : i32 to index
    %swap3A_19 = arith.constant 0 : index
    %swap3A_20 = tpu.vector_load %arg6[%swap3A_18, %swap3A_19] {strides = array<i32>} : memref<16x32xi32, #tpu.memory_space<vmem>>, vector<1x16xi32>,
    %swap3A_21 = vector.shape_cast %swap3A_20 : vector<1x16xi32> to vector<16xi32>
    %swap3A_22 = vector.shape_cast %add3A_17 : vector<16xi32> to vector<1x16xi32>
    tpu.vector_store %arg6[%swap3A_18, %swap3A_19], %swap3A_22 {strides = array<i32>} : memref<16x32xi32, #tpu.memory_space<vmem>>, vector<1x16xi32>,
    %get3A_23 = arith.constant 16 : index
    %get3A_24 = tpu.vector_load %arg5[%get3A_23] {strides = array<i32>} : memref<512xi32, #tpu.memory_space<vmem>>, vector<16xi32>,
    %get3A_25 = vector.shape_cast %get3A_24 : vector<16xi32> to vector<16xi32>
    %max3A_26 = arith.constant -8192 : i32
    %max3A_27 = vector.broadcast %max3A_26 : i32 to vector<16xi32>
    %max3A_28 = arith.maxsi %get3A_25, %max3A_27 : vector<16xi32>
    %min3A_29 = arith.constant 8191 : i32
    %min3A_30 = vector.broadcast %min3A_29 : i32 to vector<16xi32>
    %min3A_31 = arith.minsi %max3A_28, %min3A_30 : vector<16xi32>
    %add3A_32 = arith.constant 8192 : i32
    %add3A_33 = vector.broadcast %add3A_32 : i32 to vector<16xi32>
    %add3A_34 = arith.addi %min3A_31, %add3A_33 : vector<16xi32>
    %swap3A_35 = arith.constant 0 : i32
    %swap3A_36 = arith.index_cast %swap3A_35 : i32 to index
    %swap3A_37 = arith.constant 16 : index
    %swap3A_38 = tpu.vector_load %arg6[%swap3A_36, %swap3A_37] {strides = array<i32>} : memref<16x32xi32, #tpu.memory_space<vmem>>, vector<1x16xi32>,
    %swap3A_39 = vector.shape_cast %swap3A_38 : vector<1x16xi32> to vector<16xi32>
    %swap3A_40 = vector.shape_cast %add3A_34 : vector<16xi32> to vector<1x16xi32>
    tpu.vector_store %arg6[%swap3A_36, %swap3A_37], %swap3A_40 {strides = array<i32>} : memref<16x32xi32, #tpu.memory_space<vmem>>, vector<1x16xi32>,
    %get3A_41 = arith.constant 32 : index
    %get3A_42 = tpu.vector_load %arg5[%get3A_41] {strides = array<i32>} : memref<512xi32, #tpu.memory_space<vmem>>, vector<16xi32>,
    %get3A_43 = vector.shape_cast %get3A_42 : vector<16xi32> to vector<16xi32>
    %max3A_44 = arith.constant -8192 : i32
    %max3A_45 = vector.broadcast %max3A_44 : i32 to vector<16xi32>
    %max3A_46 = arith.maxsi %get3A_43, %max3A_45 : vector<16xi32>
    %min3A_47 = arith.constant 8191 : i32
    %min3A_48 = vector.broadcast %min3A_47 : i32 to vector<16xi32>
    %min3A_49 = arith.minsi %max3A_46, %min3A_48 : vector<16xi32>
    %add3A_50 = arith.constant 8192 : i32
    %add3A_51 = vector.broadcast %add3A_50 : i32 to vector<16xi32>
    %add3A_52 = arith.addi %min3A_49, %add3A_51 : vector<16xi32>
    %swap3A_53 = arith.constant 1 : i32
    %swap3A_54 = arith.index_cast %swap3A_53 : i32 to index
    %swap3A_55 = arith.constant 0 : index
    %swap3A_56 = tpu.vector_load %arg6[%swap3A_54, %swap3A_55] {strides = array<i32>} : memref<16x32xi32, #tpu.memory_space<vmem>>, vector<1x16xi32>,
    %swap3A_57 = vector.shape_cast %swap3A_56 : vector<1x16xi32> to vector<16xi32>
    %swap3A_58 = vector.shape_cast %add3A_52 : vector<16xi32> to vector<1x16xi32>
    tpu.vector_store %arg6[%swap3A_54, %swap3A_55], %swap3A_58 {strides = array<i32>} : memref<16x32xi32, #tpu.memory_space<vmem>>, vector<1x16xi32>,
    %get3A_59 = arith.constant 48 : index
    %get3A_60 = tpu.vector_load %arg5[%get3A_59] {strides = array<i32>} : memref<512xi32, #tpu.memory_space<vmem>>, vector<16xi32>,
    %get3A_61 = vector.shape_cast %get3A_60 : vector<16xi32> to vector<16xi32>
    %max3A_62 = arith.constant -8192 : i32
    %max3A_63 = vector.broadcast %max3A_62 : i32 to vector<16xi32>
    %max3A_64 = arith.maxsi %get3A_61, %max3A_63 : vector<16xi32>
    %min3A_65 = arith.constant 8191 : i32
    %min3A_66 = vector.broadcast %min3A_65 : i32 to vector<16xi32>
    %min3A_67 = arith.minsi %max3A_64, %min3A_66 : vector<16xi32>
    %add3A_68 = arith.constant 8192 : i32
    %add3A_69 = vector.broadcast %add3A_68 : i32 to vector<16xi32>
    %add3A_70 = arith.addi %min3A_67, %add3A_69 : vector<16xi32>
    %swap3A_71 = arith.constant 1 : i32
    %swap3A_72 = arith.index_cast %swap3A_71 : i32 to index
    %swap3A_73 = arith.constant 16 : index
    %swap3A_74 = tpu.vector_load %arg6[%swap3A_72, %swap3A_73] {strides = array<i32>} : memref<16x32xi32, #tpu.memory_space<vmem>>, vector<1x16xi32>,
    %swap3A_75 = vector.shape_cast %swap3A_74 : vector<1x16xi32> to vector<16xi32>
    %swap3A_76 = vector.shape_cast %add3A_70 : vector<16xi32> to vector<1x16xi32>
    tpu.vector_store %arg6[%swap3A_72, %swap3A_73], %swap3A_76 {strides = array<i32>} : memref<16x32xi32, #tpu.memory_space<vmem>>, vector<1x16xi32>,
    %get3A_77 = arith.constant 64 : index
    %get3A_78 = tpu.vector_load %arg5[%get3A_77] {strides = array<i32>} : memref<512xi32, #tpu.memory_space<vmem>>, vector<16xi32>,
    %get3A_79 = vector.shape_cast %get3A_78 : vector<16xi32> to vector<16xi32>
    %max3A_80 = arith.constant -8192 : i32
    %max3A_81 = vector.broadcast %max3A_80 : i32 to vector<16xi32>
    %max3A_82 = arith.maxsi %get3A_79, %max3A_81 : vector<16xi32>
    %min3A_83 = arith.constant 8191 : i32
    %min3A_84 = vector.broadcast %min3A_83 : i32 to vector<16xi32>
    %min3A_85 = arith.minsi %max3A_82, %min3A_84 : vector<16xi32>
    %add3A_86 = arith.constant 8192 : i32
    %add3A_87 = vector.broadcast %add3A_86 : i32 to vector<16xi32>
    %add3A_88 = arith.addi %min3A_85, %add3A_87 : vector<16xi32>
    %swap3A_89 = arith.constant 2 : i32
    %swap3A_90 = arith.index_cast %swap3A_89 : i32 to index
    %swap3A_91 = arith.constant 0 : index
    %swap3A_92 = tpu.vector_load %arg6[%swap3A_90, %swap3A_91] {strides = array<i32>} : memref<16x32xi32, #tpu.memory_space<vmem>>, vector<1x16xi32>,
    %swap3A_93 = vector.shape_cast %swap3A_92 : vector<1x16xi32> to vector<16xi32>
    %swap3A_94 = vector.shape_cast %add3A_88 : vector<16xi32> to vector<1x16xi32>
    tpu.vector_store %arg6[%swap3A_90, %swap3A_91], %swap3A_94 {strides = array<i32>} : memref<16x32xi32, #tpu.memory_space<vmem>>, vector<1x16xi32>,
    %get3A_95 = arith.constant 80 : index
    %get3A_96 = tpu.vector_load %arg5[%get3A_95] {strides = array<i32>} : memref<512xi32, #tpu.memory_space<vmem>>, vector<16xi32>,
    %get3A_97 = vector.shape_cast %get3A_96 : vector<16xi32> to vector<16xi32>
    %max3A_98 = arith.constant -8192 : i32
    %max3A_99 = vector.broadcast %max3A_98 : i32 to vector<16xi32>
    %max3A_100 = arith.maxsi %get3A_97, %max3A_99 : vector<16xi32>
    %min3A_101 = arith.constant 8191 : i32
    %min3A_102 = vector.broadcast %min3A_101 : i32 to vector<16xi32>
    %min3A_103 = arith.minsi %max3A_100, %min3A_102 : vector<16xi32>
    %add3A_104 = arith.constant 8192 : i32
    %add3A_105 = vector.broadcast %add3A_104 : i32 to vector<16xi32>
    %add3A_106 = arith.addi %min3A_103, %add3A_105 : vector<16xi32>
    %swap3A_107 = arith.constant 2 : i32
    %swap3A_108 = arith.index_cast %swap3A_107 : i32 to index
    %swap3A_109 = arith.constant 16 : index
    %swap3A_110 = tpu.vector_load %arg6[%swap3A_108, %swap3A_109] {strides = array<i32>} : memref<16x32xi32, #tpu.memory_space<vmem>>, vector<1x16xi32>,
    %swap3A_111 = vector.shape_cast %swap3A_110 : vector<1x16xi32> to vector<16xi32>
    %swap3A_112 = vector.shape_cast %add3A_106 : vector<16xi32> to vector<1x16xi32>
    tpu.vector_store %arg6[%swap3A_108, %swap3A_109], %swap3A_112 {strides = array<i32>} : memref<16x32xi32, #tpu.memory_space<vmem>>, vector<1x16xi32>,
    %get3A_113 = arith.constant 96 : index
    %get3A_114 = tpu.vector_load %arg5[%get3A_113] {strides = array<i32>} : memref<512xi32, #tpu.memory_space<vmem>>, vector<16xi32>,
    %get3A_115 = vector.shape_cast %get3A_114 : vector<16xi32> to vector<16xi32>
    %max3A_116 = arith.constant -8192 : i32
    %max3A_117 = vector.broadcast %max3A_116 : i32 to vector<16xi32>
    %max3A_118 = arith.maxsi %get3A_115, %max3A_117 : vector<16xi32>
    %min3A_119 = arith.constant 8191 : i32
    %min3A_120 = vector.broadcast %min3A_119 : i32 to vector<16xi32>
    %min3A_121 = arith.minsi %max3A_118, %min3A_120 : vector<16xi32>
    %add3A_122 = arith.constant 8192 : i32
    %add3A_123 = vector.broadcast %add3A_122 : i32 to vector<16xi32>
    %add3A_124 = arith.addi %min3A_121, %add3A_123 : vector<16xi32>
    %swap3A_125 = arith.constant 3 : i32
    %swap3A_126 = arith.index_cast %swap3A_125 : i32 to index
    %swap3A_127 = arith.constant 0 : index
    %swap3A_128 = tpu.vector_load %arg6[%swap3A_126, %swap3A_127] {strides = array<i32>} : memref<16x32xi32, #tpu.memory_space<vmem>>, vector<1x16xi32>,
    %swap3A_129 = vector.shape_cast %swap3A_128 : vector<1x16xi32> to vector<16xi32>
    %swap3A_130 = vector.shape_cast %add3A_124 : vector<16xi32> to vector<1x16xi32>
    tpu.vector_store %arg6[%swap3A_126, %swap3A_127], %swap3A_130 {strides = array<i32>} : memref<16x32xi32, #tpu.memory_space<vmem>>, vector<1x16xi32>,
    %get3A_131 = arith.constant 112 : index
    %get3A_132 = tpu.vector_load %arg5[%get3A_131] {strides = array<i32>} : memref<512xi32, #tpu.memory_space<vmem>>, vector<16xi32>,
    %get3A_133 = vector.shape_cast %get3A_132 : vector<16xi32> to vector<16xi32>
    %max3A_134 = arith.constant -8192 : i32
    %max3A_135 = vector.broadcast %max3A_134 : i32 to vector<16xi32>
    %max3A_136 = arith.maxsi %get3A_133, %max3A_135 : vector<16xi32>
    %min3A_137 = arith.constant 8191 : i32
    %min3A_138 = vector.broadcast %min3A_137 : i32 to vector<16xi32>
    %min3A_139 = arith.minsi %max3A_136, %min3A_138 : vector<16xi32>
    %add3A_140 = arith.constant 8192 : i32
    %add3A_141 = vector.broadcast %add3A_140 : i32 to vector<16xi32>
    %add3A_142 = arith.addi %min3A_139, %add3A_141 : vector<16xi32>
    %swap3A_143 = arith.constant 3 : i32
    %swap3A_144 = arith.index_cast %swap3A_143 : i32 to index
    %swap3A_145 = arith.constant 16 : index
    %swap3A_146 = tpu.vector_load %arg6[%swap3A_144, %swap3A_145] {strides = array<i32>} : memref<16x32xi32, #tpu.memory_space<vmem>>, vector<1x16xi32>,
    %swap3A_147 = vector.shape_cast %swap3A_146 : vector<1x16xi32> to vector<16xi32>
    %swap3A_148 = vector.shape_cast %add3A_142 : vector<16xi32> to vector<1x16xi32>
    tpu.vector_store %arg6[%swap3A_144, %swap3A_145], %swap3A_148 {strides = array<i32>} : memref<16x32xi32, #tpu.memory_space<vmem>>, vector<1x16xi32>,
    %get3A_149 = arith.constant 128 : index
    %get3A_150 = tpu.vector_load %arg5[%get3A_149] {strides = array<i32>} : memref<512xi32, #tpu.memory_space<vmem>>, vector<16xi32>,
    %get3A_151 = vector.shape_cast %get3A_150 : vector<16xi32> to vector<16xi32>
    %max3A_152 = arith.constant -8192 : i32
    %max3A_153 = vector.broadcast %max3A_152 : i32 to vector<16xi32>
    %max3A_154 = arith.maxsi %get3A_151, %max3A_153 : vector<16xi32>
    %min3A_155 = arith.constant 8191 : i32
    %min3A_156 = vector.broadcast %min3A_155 : i32 to vector<16xi32>
    %min3A_157 = arith.minsi %max3A_154, %min3A_156 : vector<16xi32>
    %add3A_158 = arith.constant 8192 : i32
    %add3A_159 = vector.broadcast %add3A_158 : i32 to vector<16xi32>
    %add3A_160 = arith.addi %min3A_157, %add3A_159 : vector<16xi32>
    %swap3A_161 = arith.constant 4 : i32
    %swap3A_162 = arith.index_cast %swap3A_161 : i32 to index
    %swap3A_163 = arith.constant 0 : index
    %swap3A_164 = tpu.vector_load %arg6[%swap3A_162, %swap3A_163] {strides = array<i32>} : memref<16x32xi32, #tpu.memory_space<vmem>>, vector<1x16xi32>,
    %swap3A_165 = vector.shape_cast %swap3A_164 : vector<1x16xi32> to vector<16xi32>
    %swap3A_166 = vector.shape_cast %add3A_160 : vector<16xi32> to vector<1x16xi32>
    tpu.vector_store %arg6[%swap3A_162, %swap3A_163], %swap3A_166 {strides = array<i32>} : memref<16x32xi32, #tpu.memory_space<vmem>>, vector<1x16xi32>,
    %get3A_167 = arith.constant 144 : index
    %get3A_168 = tpu.vector_load %arg5[%get3A_167] {strides = array<i32>} : memref<512xi32, #tpu.memory_space<vmem>>, vector<16xi32>,
    %get3A_169 = vector.shape_cast %get3A_168 : vector<16xi32> to vector<16xi32>
    %max3A_170 = arith.constant -8192 : i32
    %max3A_171 = vector.broadcast %max3A_170 : i32 to vector<16xi32>
    %max3A_172 = arith.maxsi %get3A_169, %max3A_171 : vector<16xi32>
    %min3A_173 = arith.constant 8191 : i32
    %min3A_174 = vector.broadcast %min3A_173 : i32 to vector<16xi32>
    %min3A_175 = arith.minsi %max3A_172, %min3A_174 : vector<16xi32>
    %add3A_176 = arith.constant 8192 : i32
    %add3A_177 = vector.broadcast %add3A_176 : i32 to vector<16xi32>
    %add3A_178 = arith.addi %min3A_175, %add3A_177 : vector<16xi32>
    %swap3A_179 = arith.constant 4 : i32
    %swap3A_180 = arith.index_cast %swap3A_179 : i32 to index
    %swap3A_181 = arith.constant 16 : index
    %swap3A_182 = tpu.vector_load %arg6[%swap3A_180, %swap3A_181] {strides = array<i32>} : memref<16x32xi32, #tpu.memory_space<vmem>>, vector<1x16xi32>,
    %swap3A_183 = vector.shape_cast %swap3A_182 : vector<1x16xi32> to vector<16xi32>
    %swap3A_184 = vector.shape_cast %add3A_178 : vector<16xi32> to vector<1x16xi32>
    tpu.vector_store %arg6[%swap3A_180, %swap3A_181], %swap3A_184 {strides = array<i32>} : memref<16x32xi32, #tpu.memory_space<vmem>>, vector<1x16xi32>,
    %get3A_185 = arith.constant 160 : index
    %get3A_186 = tpu.vector_load %arg5[%get3A_185] {strides = array<i32>} : memref<512xi32, #tpu.memory_space<vmem>>, vector<16xi32>,
    %get3A_187 = vector.shape_cast %get3A_186 : vector<16xi32> to vector<16xi32>
    %max3A_188 = arith.constant -8192 : i32
    %max3A_189 = vector.broadcast %max3A_188 : i32 to vector<16xi32>
    %max3A_190 = arith.maxsi %get3A_187, %max3A_189 : vector<16xi32>
    %min3A_191 = arith.constant 8191 : i32
    %min3A_192 = vector.broadcast %min3A_191 : i32 to vector<16xi32>
    %min3A_193 = arith.minsi %max3A_190, %min3A_192 : vector<16xi32>
    %add3A_194 = arith.constant 8192 : i32
    %add3A_195 = vector.broadcast %add3A_194 : i32 to vector<16xi32>
    %add3A_196 = arith.addi %min3A_193, %add3A_195 : vector<16xi32>
    %swap3A_197 = arith.constant 5 : i32
    %swap3A_198 = arith.index_cast %swap3A_197 : i32 to index
    %swap3A_199 = arith.constant 0 : index
    %swap3A_200 = tpu.vector_load %arg6[%swap3A_198, %swap3A_199] {strides = array<i32>} : memref<16x32xi32, #tpu.memory_space<vmem>>, vector<1x16xi32>,
    %swap3A_201 = vector.shape_cast %swap3A_200 : vector<1x16xi32> to vector<16xi32>
    %swap3A_202 = vector.shape_cast %add3A_196 : vector<16xi32> to vector<1x16xi32>
    tpu.vector_store %arg6[%swap3A_198, %swap3A_199], %swap3A_202 {strides = array<i32>} : memref<16x32xi32, #tpu.memory_space<vmem>>, vector<1x16xi32>,
    %get3A_203 = arith.constant 176 : index
    %get3A_204 = tpu.vector_load %arg5[%get3A_203] {strides = array<i32>} : memref<512xi32, #tpu.memory_space<vmem>>, vector<16xi32>,
    %get3A_205 = vector.shape_cast %get3A_204 : vector<16xi32> to vector<16xi32>
    %max3A_206 = arith.constant -8192 : i32
    %max3A_207 = vector.broadcast %max3A_206 : i32 to vector<16xi32>
    %max3A_208 = arith.maxsi %get3A_205, %max3A_207 : vector<16xi32>
    %min3A_209 = arith.constant 8191 : i32
    %min3A_210 = vector.broadcast %min3A_209 : i32 to vector<16xi32>
    %min3A_211 = arith.minsi %max3A_208, %min3A_210 : vector<16xi32>
    %add3A_212 = arith.constant 8192 : i32
    %add3A_213 = vector.broadcast %add3A_212 : i32 to vector<16xi32>
    %add3A_214 = arith.addi %min3A_211, %add3A_213 : vector<16xi32>
    %swap3A_215 = arith.constant 5 : i32
    %swap3A_216 = arith.index_cast %swap3A_215 : i32 to index
    %swap3A_217 = arith.constant 16 : index
    %swap3A_218 = tpu.vector_load %arg6[%swap3A_216, %swap3A_217] {strides = array<i32>} : memref<16x32xi32, #tpu.memory_space<vmem>>, vector<1x16xi32>,
    %swap3A_219 = vector.shape_cast %swap3A_218 : vector<1x16xi32> to vector<16xi32>
    %swap3A_220 = vector.shape_cast %add3A_214 : vector<16xi32> to vector<1x16xi32>
    tpu.vector_store %arg6[%swap3A_216, %swap3A_217], %swap3A_220 {strides = array<i32>} : memref<16x32xi32, #tpu.memory_space<vmem>>, vector<1x16xi32>,
    %get3A_221 = arith.constant 192 : index
    %get3A_222 = tpu.vector_load %arg5[%get3A_221] {strides = array<i32>} : memref<512xi32, #tpu.memory_space<vmem>>, vector<16xi32>,
    %get3A_223 = vector.shape_cast %get3A_222 : vector<16xi32> to vector<16xi32>
    %max3A_224 = arith.constant -8192 : i32
    %max3A_225 = vector.broadcast %max3A_224 : i32 to vector<16xi32>
    %max3A_226 = arith.maxsi %get3A_223, %max3A_225 : vector<16xi32>
    %min3A_227 = arith.constant 8191 : i32
    %min3A_228 = vector.broadcast %min3A_227 : i32 to vector<16xi32>
    %min3A_229 = arith.minsi %max3A_226, %min3A_228 : vector<16xi32>
    %add3A_230 = arith.constant 8192 : i32
    %add3A_231 = vector.broadcast %add3A_230 : i32 to vector<16xi32>
    %add3A_232 = arith.addi %min3A_229, %add3A_231 : vector<16xi32>
    %swap3A_233 = arith.constant 6 : i32
    %swap3A_234 = arith.index_cast %swap3A_233 : i32 to index
    %swap3A_235 = arith.constant 0 : index
    %swap3A_236 = tpu.vector_load %arg6[%swap3A_234, %swap3A_235] {strides = array<i32>} : memref<16x32xi32, #tpu.memory_space<vmem>>, vector<1x16xi32>,
    %swap3A_237 = vector.shape_cast %swap3A_236 : vector<1x16xi32> to vector<16xi32>
    %swap3A_238 = vector.shape_cast %add3A_232 : vector<16xi32> to vector<1x16xi32>
    tpu.vector_store %arg6[%swap3A_234, %swap3A_235], %swap3A_238 {strides = array<i32>} : memref<16x32xi32, #tpu.memory_space<vmem>>, vector<1x16xi32>,
    %get3A_239 = arith.constant 208 : index
    %get3A_240 = tpu.vector_load %arg5[%get3A_239] {strides = array<i32>} : memref<512xi32, #tpu.memory_space<vmem>>, vector<16xi32>,
    %get3A_241 = vector.shape_cast %get3A_240 : vector<16xi32> to vector<16xi32>
    %max3A_242 = arith.constant -8192 : i32
    %max3A_243 = vector.broadcast %max3A_242 : i32 to vector<16xi32>
    %max3A_244 = arith.maxsi %get3A_241, %max3A_243 : vector<16xi32>
    %min3A_245 = arith.constant 8191 : i32
    %min3A_246 = vector.broadcast %min3A_245 : i32 to vector<16xi32>
    %min3A_247 = arith.minsi %max3A_244, %min3A_246 : vector<16xi32>
    %add3A_248 = arith.constant 8192 : i32
    %add3A_249 = vector.broadcast %add3A_248 : i32 to vector<16xi32>
    %add3A_250 = arith.addi %min3A_247, %add3A_249 : vector<16xi32>
    %swap3A_251 = arith.constant 6 : i32
    %swap3A_252 = arith.index_cast %swap3A_251 : i32 to index
    %swap3A_253 = arith.constant 16 : index
    %swap3A_254 = tpu.vector_load %arg6[%swap3A_252, %swap3A_253] {strides = array<i32>} : memref<16x32xi32, #tpu.memory_space<vmem>>, vector<1x16xi32>,
    %swap3A_255 = vector.shape_cast %swap3A_254 : vector<1x16xi32> to vector<16xi32>
    %swap3A_256 = vector.shape_cast %add3A_250 : vector<16xi32> to vector<1x16xi32>
    tpu.vector_store %arg6[%swap3A_252, %swap3A_253], %swap3A_256 {strides = array<i32>} : memref<16x32xi32, #tpu.memory_space<vmem>>, vector<1x16xi32>,
    %get3A_257 = arith.constant 224 : index
    %get3A_258 = tpu.vector_load %arg5[%get3A_257] {strides = array<i32>} : memref<512xi32, #tpu.memory_space<vmem>>, vector<16xi32>,
    %get3A_259 = vector.shape_cast %get3A_258 : vector<16xi32> to vector<16xi32>
    %max3A_260 = arith.constant -8192 : i32
    %max3A_261 = vector.broadcast %max3A_260 : i32 to vector<16xi32>
    %max3A_262 = arith.maxsi %get3A_259, %max3A_261 : vector<16xi32>
    %min3A_263 = arith.constant 8191 : i32
    %min3A_264 = vector.broadcast %min3A_263 : i32 to vector<16xi32>
    %min3A_265 = arith.minsi %max3A_262, %min3A_264 : vector<16xi32>
    %add3A_266 = arith.constant 8192 : i32
    %add3A_267 = vector.broadcast %add3A_266 : i32 to vector<16xi32>
    %add3A_268 = arith.addi %min3A_265, %add3A_267 : vector<16xi32>
    %swap3A_269 = arith.constant 7 : i32
    %swap3A_270 = arith.index_cast %swap3A_269 : i32 to index
    %swap3A_271 = arith.constant 0 : index
    %swap3A_272 = tpu.vector_load %arg6[%swap3A_270, %swap3A_271] {strides = array<i32>} : memref<16x32xi32, #tpu.memory_space<vmem>>, vector<1x16xi32>,
    %swap3A_273 = vector.shape_cast %swap3A_272 : vector<1x16xi32> to vector<16xi32>
    %swap3A_274 = vector.shape_cast %add3A_268 : vector<16xi32> to vector<1x16xi32>
    tpu.vector_store %arg6[%swap3A_270, %swap3A_271], %swap3A_274 {strides = array<i32>} : memref<16x32xi32, #tpu.memory_space<vmem>>, vector<1x16xi32>,
    %get3A_275 = arith.constant 240 : index
    %get3A_276 = tpu.vector_load %arg5[%get3A_275] {strides = array<i32>} : memref<512xi32, #tpu.memory_space<vmem>>, vector<16xi32>,
    %get3A_277 = vector.shape_cast %get3A_276 : vector<16xi32> to vector<16xi32>
    %max3A_278 = arith.constant -8192 : i32
    %max3A_279 = vector.broadcast %max3A_278 : i32 to vector<16xi32>
    %max3A_280 = arith.maxsi %get3A_277, %max3A_279 : vector<16xi32>
    %min3A_281 = arith.constant 8191 : i32
    %min3A_282 = vector.broadcast %min3A_281 : i32 to vector<16xi32>
    %min3A_283 = arith.minsi %max3A_280, %min3A_282 : vector<16xi32>
    %add3A_284 = arith.constant 8192 : i32
    %add3A_285 = vector.broadcast %add3A_284 : i32 to vector<16xi32>
    %add3A_286 = arith.addi %min3A_283, %add3A_285 : vector<16xi32>
    %swap3A_287 = arith.constant 7 : i32
    %swap3A_288 = arith.index_cast %swap3A_287 : i32 to index
    %swap3A_289 = arith.constant 16 : index
    %swap3A_290 = tpu.vector_load %arg6[%swap3A_288, %swap3A_289] {strides = array<i32>} : memref<16x32xi32, #tpu.memory_space<vmem>>, vector<1x16xi32>,
    %swap3A_291 = vector.shape_cast %swap3A_290 : vector<1x16xi32> to vector<16xi32>
    %swap3A_292 = vector.shape_cast %add3A_286 : vector<16xi32> to vector<1x16xi32>
    tpu.vector_store %arg6[%swap3A_288, %swap3A_289], %swap3A_292 {strides = array<i32>} : memref<16x32xi32, #tpu.memory_space<vmem>>, vector<1x16xi32>,
    %get3A_293 = arith.constant 256 : index
    %get3A_294 = tpu.vector_load %arg5[%get3A_293] {strides = array<i32>} : memref<512xi32, #tpu.memory_space<vmem>>, vector<16xi32>,
    %get3A_295 = vector.shape_cast %get3A_294 : vector<16xi32> to vector<16xi32>
    %max3A_296 = arith.constant -8192 : i32
    %max3A_297 = vector.broadcast %max3A_296 : i32 to vector<16xi32>
    %max3A_298 = arith.maxsi %get3A_295, %max3A_297 : vector<16xi32>
    %min3A_299 = arith.constant 8191 : i32
    %min3A_300 = vector.broadcast %min3A_299 : i32 to vector<16xi32>
    %min3A_301 = arith.minsi %max3A_298, %min3A_300 : vector<16xi32>
    %add3A_302 = arith.constant 8192 : i32
    %add3A_303 = vector.broadcast %add3A_302 : i32 to vector<16xi32>
    %add3A_304 = arith.addi %min3A_301, %add3A_303 : vector<16xi32>
    %swap3A_305 = arith.constant 8 : i32
    %swap3A_306 = arith.index_cast %swap3A_305 : i32 to index
    %swap3A_307 = arith.constant 0 : index
    %swap3A_308 = tpu.vector_load %arg6[%swap3A_306, %swap3A_307] {strides = array<i32>} : memref<16x32xi32, #tpu.memory_space<vmem>>, vector<1x16xi32>,
    %swap3A_309 = vector.shape_cast %swap3A_308 : vector<1x16xi32> to vector<16xi32>
    %swap3A_310 = vector.shape_cast %add3A_304 : vector<16xi32> to vector<1x16xi32>
    tpu.vector_store %arg6[%swap3A_306, %swap3A_307], %swap3A_310 {strides = array<i32>} : memref<16x32xi32, #tpu.memory_space<vmem>>, vector<1x16xi32>,
    %get3A_311 = arith.constant 272 : index
    %get3A_312 = tpu.vector_load %arg5[%get3A_311] {strides = array<i32>} : memref<512xi32, #tpu.memory_space<vmem>>, vector<16xi32>,
    %get3A_313 = vector.shape_cast %get3A_312 : vector<16xi32> to vector<16xi32>
    %max3A_314 = arith.constant -8192 : i32
    %max3A_315 = vector.broadcast %max3A_314 : i32 to vector<16xi32>
    %max3A_316 = arith.maxsi %get3A_313, %max3A_315 : vector<16xi32>
    %min3A_317 = arith.constant 8191 : i32
    %min3A_318 = vector.broadcast %min3A_317 : i32 to vector<16xi32>
    %min3A_319 = arith.minsi %max3A_316, %min3A_318 : vector<16xi32>
    %add3A_320 = arith.constant 8192 : i32
    %add3A_321 = vector.broadcast %add3A_320 : i32 to vector<16xi32>
    %add3A_322 = arith.addi %min3A_319, %add3A_321 : vector<16xi32>
    %swap3A_323 = arith.constant 8 : i32
    %swap3A_324 = arith.index_cast %swap3A_323 : i32 to index
    %swap3A_325 = arith.constant 16 : index
    %swap3A_326 = tpu.vector_load %arg6[%swap3A_324, %swap3A_325] {strides = array<i32>} : memref<16x32xi32, #tpu.memory_space<vmem>>, vector<1x16xi32>,
    %swap3A_327 = vector.shape_cast %swap3A_326 : vector<1x16xi32> to vector<16xi32>
    %swap3A_328 = vector.shape_cast %add3A_322 : vector<16xi32> to vector<1x16xi32>
    tpu.vector_store %arg6[%swap3A_324, %swap3A_325], %swap3A_328 {strides = array<i32>} : memref<16x32xi32, #tpu.memory_space<vmem>>, vector<1x16xi32>,
    %get3A_329 = arith.constant 288 : index
    %get3A_330 = tpu.vector_load %arg5[%get3A_329] {strides = array<i32>} : memref<512xi32, #tpu.memory_space<vmem>>, vector<16xi32>,
    %get3A_331 = vector.shape_cast %get3A_330 : vector<16xi32> to vector<16xi32>
    %max3A_332 = arith.constant -8192 : i32
    %max3A_333 = vector.broadcast %max3A_332 : i32 to vector<16xi32>
    %max3A_334 = arith.maxsi %get3A_331, %max3A_333 : vector<16xi32>
    %min3A_335 = arith.constant 8191 : i32
    %min3A_336 = vector.broadcast %min3A_335 : i32 to vector<16xi32>
    %min3A_337 = arith.minsi %max3A_334, %min3A_336 : vector<16xi32>
    %add3A_338 = arith.constant 8192 : i32
    %add3A_339 = vector.broadcast %add3A_338 : i32 to vector<16xi32>
    %add3A_340 = arith.addi %min3A_337, %add3A_339 : vector<16xi32>
    %swap3A_341 = arith.constant 9 : i32
    %swap3A_342 = arith.index_cast %swap3A_341 : i32 to index
    %swap3A_343 = arith.constant 0 : index
    %swap3A_344 = tpu.vector_load %arg6[%swap3A_342, %swap3A_343] {strides = array<i32>} : memref<16x32xi32, #tpu.memory_space<vmem>>, vector<1x16xi32>,
    %swap3A_345 = vector.shape_cast %swap3A_344 : vector<1x16xi32> to vector<16xi32>
    %swap3A_346 = vector.shape_cast %add3A_340 : vector<16xi32> to vector<1x16xi32>
    tpu.vector_store %arg6[%swap3A_342, %swap3A_343], %swap3A_346 {strides = array<i32>} : memref<16x32xi32, #tpu.memory_space<vmem>>, vector<1x16xi32>,
    %get3A_347 = arith.constant 304 : index
    %get3A_348 = tpu.vector_load %arg5[%get3A_347] {strides = array<i32>} : memref<512xi32, #tpu.memory_space<vmem>>, vector<16xi32>,
    %get3A_349 = vector.shape_cast %get3A_348 : vector<16xi32> to vector<16xi32>
    %max3A_350 = arith.constant -8192 : i32
    %max3A_351 = vector.broadcast %max3A_350 : i32 to vector<16xi32>
    %max3A_352 = arith.maxsi %get3A_349, %max3A_351 : vector<16xi32>
    %min3A_353 = arith.constant 8191 : i32
    %min3A_354 = vector.broadcast %min3A_353 : i32 to vector<16xi32>
    %min3A_355 = arith.minsi %max3A_352, %min3A_354 : vector<16xi32>
    %add3A_356 = arith.constant 8192 : i32
    %add3A_357 = vector.broadcast %add3A_356 : i32 to vector<16xi32>
    %add3A_358 = arith.addi %min3A_355, %add3A_357 : vector<16xi32>
    %swap3A_359 = arith.constant 9 : i32
    %swap3A_360 = arith.index_cast %swap3A_359 : i32 to index
    %swap3A_361 = arith.constant 16 : index
    %swap3A_362 = tpu.vector_load %arg6[%swap3A_360, %swap3A_361] {strides = array<i32>} : memref<16x32xi32, #tpu.memory_space<vmem>>, vector<1x16xi32>,
    %swap3A_363 = vector.shape_cast %swap3A_362 : vector<1x16xi32> to vector<16xi32>
    %swap3A_364 = vector.shape_cast %add3A_358 : vector<16xi32> to vector<1x16xi32>
    tpu.vector_store %arg6[%swap3A_360, %swap3A_361], %swap3A_364 {strides = array<i32>} : memref<16x32xi32, #tpu.memory_space<vmem>>, vector<1x16xi32>,
    %get3A_365 = arith.constant 320 : index
    %get3A_366 = tpu.vector_load %arg5[%get3A_365] {strides = array<i32>} : memref<512xi32, #tpu.memory_space<vmem>>, vector<16xi32>,
    %get3A_367 = vector.shape_cast %get3A_366 : vector<16xi32> to vector<16xi32>
    %max3A_368 = arith.constant -8192 : i32
    %max3A_369 = vector.broadcast %max3A_368 : i32 to vector<16xi32>
    %max3A_370 = arith.maxsi %get3A_367, %max3A_369 : vector<16xi32>
    %min3A_371 = arith.constant 8191 : i32
    %min3A_372 = vector.broadcast %min3A_371 : i32 to vector<16xi32>
    %min3A_373 = arith.minsi %max3A_370, %min3A_372 : vector<16xi32>
    %add3A_374 = arith.constant 8192 : i32
    %add3A_375 = vector.broadcast %add3A_374 : i32 to vector<16xi32>
    %add3A_376 = arith.addi %min3A_373, %add3A_375 : vector<16xi32>
    %swap3A_377 = arith.constant 10 : i32
    %swap3A_378 = arith.index_cast %swap3A_377 : i32 to index
    %swap3A_379 = arith.constant 0 : index
    %swap3A_380 = tpu.vector_load %arg6[%swap3A_378, %swap3A_379] {strides = array<i32>} : memref<16x32xi32, #tpu.memory_space<vmem>>, vector<1x16xi32>,
    %swap3A_381 = vector.shape_cast %swap3A_380 : vector<1x16xi32> to vector<16xi32>
    %swap3A_382 = vector.shape_cast %add3A_376 : vector<16xi32> to vector<1x16xi32>
    tpu.vector_store %arg6[%swap3A_378, %swap3A_379], %swap3A_382 {strides = array<i32>} : memref<16x32xi32, #tpu.memory_space<vmem>>, vector<1x16xi32>,
    %get3A_383 = arith.constant 336 : index
    %get3A_384 = tpu.vector_load %arg5[%get3A_383] {strides = array<i32>} : memref<512xi32, #tpu.memory_space<vmem>>, vector<16xi32>,
    %get3A_385 = vector.shape_cast %get3A_384 : vector<16xi32> to vector<16xi32>
    %max3A_386 = arith.constant -8192 : i32
    %max3A_387 = vector.broadcast %max3A_386 : i32 to vector<16xi32>
    %max3A_388 = arith.maxsi %get3A_385, %max3A_387 : vector<16xi32>
    %min3A_389 = arith.constant 8191 : i32
    %min3A_390 = vector.broadcast %min3A_389 : i32 to vector<16xi32>
    %min3A_391 = arith.minsi %max3A_388, %min3A_390 : vector<16xi32>
    %add3A_392 = arith.constant 8192 : i32
    %add3A_393 = vector.broadcast %add3A_392 : i32 to vector<16xi32>
    %add3A_394 = arith.addi %min3A_391, %add3A_393 : vector<16xi32>
    %swap3A_395 = arith.constant 10 : i32
    %swap3A_396 = arith.index_cast %swap3A_395 : i32 to index
    %swap3A_397 = arith.constant 16 : index
    %swap3A_398 = tpu.vector_load %arg6[%swap3A_396, %swap3A_397] {strides = array<i32>} : memref<16x32xi32, #tpu.memory_space<vmem>>, vector<1x16xi32>,
    %swap3A_399 = vector.shape_cast %swap3A_398 : vector<1x16xi32> to vector<16xi32>
    %swap3A_400 = vector.shape_cast %add3A_394 : vector<16xi32> to vector<1x16xi32>
    tpu.vector_store %arg6[%swap3A_396, %swap3A_397], %swap3A_400 {strides = array<i32>} : memref<16x32xi32, #tpu.memory_space<vmem>>, vector<1x16xi32>,
    %get3A_401 = arith.constant 352 : index
    %get3A_402 = tpu.vector_load %arg5[%get3A_401] {strides = array<i32>} : memref<512xi32, #tpu.memory_space<vmem>>, vector<16xi32>,
    %get3A_403 = vector.shape_cast %get3A_402 : vector<16xi32> to vector<16xi32>
    %max3A_404 = arith.constant -8192 : i32
    %max3A_405 = vector.broadcast %max3A_404 : i32 to vector<16xi32>
    %max3A_406 = arith.maxsi %get3A_403, %max3A_405 : vector<16xi32>
    %min3A_407 = arith.constant 8191 : i32
    %min3A_408 = vector.broadcast %min3A_407 : i32 to vector<16xi32>
    %min3A_409 = arith.minsi %max3A_406, %min3A_408 : vector<16xi32>
    %add3A_410 = arith.constant 8192 : i32
    %add3A_411 = vector.broadcast %add3A_410 : i32 to vector<16xi32>
    %add3A_412 = arith.addi %min3A_409, %add3A_411 : vector<16xi32>
    %swap3A_413 = arith.constant 11 : i32
    %swap3A_414 = arith.index_cast %swap3A_413 : i32 to index
    %swap3A_415 = arith.constant 0 : index
    %swap3A_416 = tpu.vector_load %arg6[%swap3A_414, %swap3A_415] {strides = array<i32>} : memref<16x32xi32, #tpu.memory_space<vmem>>, vector<1x16xi32>,
    %swap3A_417 = vector.shape_cast %swap3A_416 : vector<1x16xi32> to vector<16xi32>
    %swap3A_418 = vector.shape_cast %add3A_412 : vector<16xi32> to vector<1x16xi32>
    tpu.vector_store %arg6[%swap3A_414, %swap3A_415], %swap3A_418 {strides = array<i32>} : memref<16x32xi32, #tpu.memory_space<vmem>>, vector<1x16xi32>,
    %get3A_419 = arith.constant 368 : index
    %get3A_420 = tpu.vector_load %arg5[%get3A_419] {strides = array<i32>} : memref<512xi32, #tpu.memory_space<vmem>>, vector<16xi32>,
    %get3A_421 = vector.shape_cast %get3A_420 : vector<16xi32> to vector<16xi32>
    %max3A_422 = arith.constant -8192 : i32
    %max3A_423 = vector.broadcast %max3A_422 : i32 to vector<16xi32>
    %max3A_424 = arith.maxsi %get3A_421, %max3A_423 : vector<16xi32>
    %min3A_425 = arith.constant 8191 : i32
    %min3A_426 = vector.broadcast %min3A_425 : i32 to vector<16xi32>
    %min3A_427 = arith.minsi %max3A_424, %min3A_426 : vector<16xi32>
    %add3A_428 = arith.constant 8192 : i32
    %add3A_429 = vector.broadcast %add3A_428 : i32 to vector<16xi32>
    %add3A_430 = arith.addi %min3A_427, %add3A_429 : vector<16xi32>
    %swap3A_431 = arith.constant 11 : i32
    %swap3A_432 = arith.index_cast %swap3A_431 : i32 to index
    %swap3A_433 = arith.constant 16 : index
    %swap3A_434 = tpu.vector_load %arg6[%swap3A_432, %swap3A_433] {strides = array<i32>} : memref<16x32xi32, #tpu.memory_space<vmem>>, vector<1x16xi32>,
    %swap3A_435 = vector.shape_cast %swap3A_434 : vector<1x16xi32> to vector<16xi32>
    %swap3A_436 = vector.shape_cast %add3A_430 : vector<16xi32> to vector<1x16xi32>
    tpu.vector_store %arg6[%swap3A_432, %swap3A_433], %swap3A_436 {strides = array<i32>} : memref<16x32xi32, #tpu.memory_space<vmem>>, vector<1x16xi32>,
    %get3A_437 = arith.constant 384 : index
    %get3A_438 = tpu.vector_load %arg5[%get3A_437] {strides = array<i32>} : memref<512xi32, #tpu.memory_space<vmem>>, vector<16xi32>,
    %get3A_439 = vector.shape_cast %get3A_438 : vector<16xi32> to vector<16xi32>
    %max3A_440 = arith.constant -8192 : i32
    %max3A_441 = vector.broadcast %max3A_440 : i32 to vector<16xi32>
    %max3A_442 = arith.maxsi %get3A_439, %max3A_441 : vector<16xi32>
    %min3A_443 = arith.constant 8191 : i32
    %min3A_444 = vector.broadcast %min3A_443 : i32 to vector<16xi32>
    %min3A_445 = arith.minsi %max3A_442, %min3A_444 : vector<16xi32>
    %add3A_446 = arith.constant 8192 : i32
    %add3A_447 = vector.broadcast %add3A_446 : i32 to vector<16xi32>
    %add3A_448 = arith.addi %min3A_445, %add3A_447 : vector<16xi32>
    %swap3A_449 = arith.constant 12 : i32
    %swap3A_450 = arith.index_cast %swap3A_449 : i32 to index
    %swap3A_451 = arith.constant 0 : index
    %swap3A_452 = tpu.vector_load %arg6[%swap3A_450, %swap3A_451] {strides = array<i32>} : memref<16x32xi32, #tpu.memory_space<vmem>>, vector<1x16xi32>,
    %swap3A_453 = vector.shape_cast %swap3A_452 : vector<1x16xi32> to vector<16xi32>
    %swap3A_454 = vector.shape_cast %add3A_448 : vector<16xi32> to vector<1x16xi32>
    tpu.vector_store %arg6[%swap3A_450, %swap3A_451], %swap3A_454 {strides = array<i32>} : memref<16x32xi32, #tpu.memory_space<vmem>>, vector<1x16xi32>,
    %get3A_455 = arith.constant 400 : index
    %get3A_456 = tpu.vector_load %arg5[%get3A_455] {strides = array<i32>} : memref<512xi32, #tpu.memory_space<vmem>>, vector<16xi32>,
    %get3A_457 = vector.shape_cast %get3A_456 : vector<16xi32> to vector<16xi32>
    %max3A_458 = arith.constant -8192 : i32
    %max3A_459 = vector.broadcast %max3A_458 : i32 to vector<16xi32>
    %max3A_460 = arith.maxsi %get3A_457, %max3A_459 : vector<16xi32>
    %min3A_461 = arith.constant 8191 : i32
    %min3A_462 = vector.broadcast %min3A_461 : i32 to vector<16xi32>
    %min3A_463 = arith.minsi %max3A_460, %min3A_462 : vector<16xi32>
    %add3A_464 = arith.constant 8192 : i32
    %add3A_465 = vector.broadcast %add3A_464 : i32 to vector<16xi32>
    %add3A_466 = arith.addi %min3A_463, %add3A_465 : vector<16xi32>
    %swap3A_467 = arith.constant 12 : i32
    %swap3A_468 = arith.index_cast %swap3A_467 : i32 to index
    %swap3A_469 = arith.constant 16 : index
    %swap3A_470 = tpu.vector_load %arg6[%swap3A_468, %swap3A_469] {strides = array<i32>} : memref<16x32xi32, #tpu.memory_space<vmem>>, vector<1x16xi32>,
    %swap3A_471 = vector.shape_cast %swap3A_470 : vector<1x16xi32> to vector<16xi32>
    %swap3A_472 = vector.shape_cast %add3A_466 : vector<16xi32> to vector<1x16xi32>
    tpu.vector_store %arg6[%swap3A_468, %swap3A_469], %swap3A_472 {strides = array<i32>} : memref<16x32xi32, #tpu.memory_space<vmem>>, vector<1x16xi32>,
    %get3A_473 = arith.constant 416 : index
    %get3A_474 = tpu.vector_load %arg5[%get3A_473] {strides = array<i32>} : memref<512xi32, #tpu.memory_space<vmem>>, vector<16xi32>,
    %get3A_475 = vector.shape_cast %get3A_474 : vector<16xi32> to vector<16xi32>
    %max3A_476 = arith.constant -8192 : i32
    %max3A_477 = vector.broadcast %max3A_476 : i32 to vector<16xi32>
    %max3A_478 = arith.maxsi %get3A_475, %max3A_477 : vector<16xi32>
    %min3A_479 = arith.constant 8191 : i32
    %min3A_480 = vector.broadcast %min3A_479 : i32 to vector<16xi32>
    %min3A_481 = arith.minsi %max3A_478, %min3A_480 : vector<16xi32>
    %add3A_482 = arith.constant 8192 : i32
    %add3A_483 = vector.broadcast %add3A_482 : i32 to vector<16xi32>
    %add3A_484 = arith.addi %min3A_481, %add3A_483 : vector<16xi32>
    %swap3A_485 = arith.constant 13 : i32
    %swap3A_486 = arith.index_cast %swap3A_485 : i32 to index
    %swap3A_487 = arith.constant 0 : index
    %swap3A_488 = tpu.vector_load %arg6[%swap3A_486, %swap3A_487] {strides = array<i32>} : memref<16x32xi32, #tpu.memory_space<vmem>>, vector<1x16xi32>,
    %swap3A_489 = vector.shape_cast %swap3A_488 : vector<1x16xi32> to vector<16xi32>
    %swap3A_490 = vector.shape_cast %add3A_484 : vector<16xi32> to vector<1x16xi32>
    tpu.vector_store %arg6[%swap3A_486, %swap3A_487], %swap3A_490 {strides = array<i32>} : memref<16x32xi32, #tpu.memory_space<vmem>>, vector<1x16xi32>,
    %get3A_491 = arith.constant 432 : index
    %get3A_492 = tpu.vector_load %arg5[%get3A_491] {strides = array<i32>} : memref<512xi32, #tpu.memory_space<vmem>>, vector<16xi32>,
    %get3A_493 = vector.shape_cast %get3A_492 : vector<16xi32> to vector<16xi32>
    %max3A_494 = arith.constant -8192 : i32
    %max3A_495 = vector.broadcast %max3A_494 : i32 to vector<16xi32>
    %max3A_496 = arith.maxsi %get3A_493, %max3A_495 : vector<16xi32>
    %min3A_497 = arith.constant 8191 : i32
    %min3A_498 = vector.broadcast %min3A_497 : i32 to vector<16xi32>
    %min3A_499 = arith.minsi %max3A_496, %min3A_498 : vector<16xi32>
    %add3A_500 = arith.constant 8192 : i32
    %add3A_501 = vector.broadcast %add3A_500 : i32 to vector<16xi32>
    %add3A_502 = arith.addi %min3A_499, %add3A_501 : vector<16xi32>
    %swap3A_503 = arith.constant 13 : i32
    %swap3A_504 = arith.index_cast %swap3A_503 : i32 to index
    %swap3A_505 = arith.constant 16 : index
    %swap3A_506 = tpu.vector_load %arg6[%swap3A_504, %swap3A_505] {strides = array<i32>} : memref<16x32xi32, #tpu.memory_space<vmem>>, vector<1x16xi32>,
    %swap3A_507 = vector.shape_cast %swap3A_506 : vector<1x16xi32> to vector<16xi32>
    %swap3A_508 = vector.shape_cast %add3A_502 : vector<16xi32> to vector<1x16xi32>
    tpu.vector_store %arg6[%swap3A_504, %swap3A_505], %swap3A_508 {strides = array<i32>} : memref<16x32xi32, #tpu.memory_space<vmem>>, vector<1x16xi32>,
    %get3A_509 = arith.constant 448 : index
    %get3A_510 = tpu.vector_load %arg5[%get3A_509] {strides = array<i32>} : memref<512xi32, #tpu.memory_space<vmem>>, vector<16xi32>,
    %get3A_511 = vector.shape_cast %get3A_510 : vector<16xi32> to vector<16xi32>
    %max3A_512 = arith.constant -8192 : i32
    %max3A_513 = vector.broadcast %max3A_512 : i32 to vector<16xi32>
    %max3A_514 = arith.maxsi %get3A_511, %max3A_513 : vector<16xi32>
    %min3A_515 = arith.constant 8191 : i32
    %min3A_516 = vector.broadcast %min3A_515 : i32 to vector<16xi32>
    %min3A_517 = arith.minsi %max3A_514, %min3A_516 : vector<16xi32>
    %add3A_518 = arith.constant 8192 : i32
    %add3A_519 = vector.broadcast %add3A_518 : i32 to vector<16xi32>
    %add3A_520 = arith.addi %min3A_517, %add3A_519 : vector<16xi32>
    %swap3A_521 = arith.constant 14 : i32
    %swap3A_522 = arith.index_cast %swap3A_521 : i32 to index
    %swap3A_523 = arith.constant 0 : index
    %swap3A_524 = tpu.vector_load %arg6[%swap3A_522, %swap3A_523] {strides = array<i32>} : memref<16x32xi32, #tpu.memory_space<vmem>>, vector<1x16xi32>,
    %swap3A_525 = vector.shape_cast %swap3A_524 : vector<1x16xi32> to vector<16xi32>
    %swap3A_526 = vector.shape_cast %add3A_520 : vector<16xi32> to vector<1x16xi32>
    tpu.vector_store %arg6[%swap3A_522, %swap3A_523], %swap3A_526 {strides = array<i32>} : memref<16x32xi32, #tpu.memory_space<vmem>>, vector<1x16xi32>,
    %get3A_527 = arith.constant 464 : index
    %get3A_528 = tpu.vector_load %arg5[%get3A_527] {strides = array<i32>} : memref<512xi32, #tpu.memory_space<vmem>>, vector<16xi32>,
    %get3A_529 = vector.shape_cast %get3A_528 : vector<16xi32> to vector<16xi32>
    %max3A_530 = arith.constant -8192 : i32
    %max3A_531 = vector.broadcast %max3A_530 : i32 to vector<16xi32>
    %max3A_532 = arith.maxsi %get3A_529, %max3A_531 : vector<16xi32>
    %min3A_533 = arith.constant 8191 : i32
    %min3A_534 = vector.broadcast %min3A_533 : i32 to vector<16xi32>
    %min3A_535 = arith.minsi %max3A_532, %min3A_534 : vector<16xi32>
    %add3A_536 = arith.constant 8192 : i32
    %add3A_537 = vector.broadcast %add3A_536 : i32 to vector<16xi32>
    %add3A_538 = arith.addi %min3A_535, %add3A_537 : vector<16xi32>
    %swap3A_539 = arith.constant 14 : i32
    %swap3A_540 = arith.index_cast %swap3A_539 : i32 to index
    %swap3A_541 = arith.constant 16 : index
    %swap3A_542 = tpu.vector_load %arg6[%swap3A_540, %swap3A_541] {strides = array<i32>} : memref<16x32xi32, #tpu.memory_space<vmem>>, vector<1x16xi32>,
    %swap3A_543 = vector.shape_cast %swap3A_542 : vector<1x16xi32> to vector<16xi32>
    %swap3A_544 = vector.shape_cast %add3A_538 : vector<16xi32> to vector<1x16xi32>
    tpu.vector_store %arg6[%swap3A_540, %swap3A_541], %swap3A_544 {strides = array<i32>} : memref<16x32xi32, #tpu.memory_space<vmem>>, vector<1x16xi32>,
    %get3A_545 = arith.constant 480 : index
    %get3A_546 = tpu.vector_load %arg5[%get3A_545] {strides = array<i32>} : memref<512xi32, #tpu.memory_space<vmem>>, vector<16xi32>,
    %get3A_547 = vector.shape_cast %get3A_546 : vector<16xi32> to vector<16xi32>
    %max3A_548 = arith.constant -8192 : i32
    %max3A_549 = vector.broadcast %max3A_548 : i32 to vector<16xi32>
    %max3A_550 = arith.maxsi %get3A_547, %max3A_549 : vector<16xi32>
    %min3A_551 = arith.constant 8191 : i32
    %min3A_552 = vector.broadcast %min3A_551 : i32 to vector<16xi32>
    %min3A_553 = arith.minsi %max3A_550, %min3A_552 : vector<16xi32>
    %add3A_554 = arith.constant 8192 : i32
    %add3A_555 = vector.broadcast %add3A_554 : i32 to vector<16xi32>
    %add3A_556 = arith.addi %min3A_553, %add3A_555 : vector<16xi32>
    %swap3A_557 = arith.constant 15 : i32
    %swap3A_558 = arith.index_cast %swap3A_557 : i32 to index
    %swap3A_559 = arith.constant 0 : index
    %swap3A_560 = tpu.vector_load %arg6[%swap3A_558, %swap3A_559] {strides = array<i32>} : memref<16x32xi32, #tpu.memory_space<vmem>>, vector<1x16xi32>,
    %swap3A_561 = vector.shape_cast %swap3A_560 : vector<1x16xi32> to vector<16xi32>
    %swap3A_562 = vector.shape_cast %add3A_556 : vector<16xi32> to vector<1x16xi32>
    tpu.vector_store %arg6[%swap3A_558, %swap3A_559], %swap3A_562 {strides = array<i32>} : memref<16x32xi32, #tpu.memory_space<vmem>>, vector<1x16xi32>,
    %get3A_563 = arith.constant 496 : index
    %get3A_564 = tpu.vector_load %arg5[%get3A_563] {strides = array<i32>} : memref<512xi32, #tpu.memory_space<vmem>>, vector<16xi32>,
    %get3A_565 = vector.shape_cast %get3A_564 : vector<16xi32> to vector<16xi32>
    %max3A_566 = arith.constant -8192 : i32
    %max3A_567 = vector.broadcast %max3A_566 : i32 to vector<16xi32>
    %max3A_568 = arith.maxsi %get3A_565, %max3A_567 : vector<16xi32>
    %min3A_569 = arith.constant 8191 : i32
    %min3A_570 = vector.broadcast %min3A_569 : i32 to vector<16xi32>
    %min3A_571 = arith.minsi %max3A_568, %min3A_570 : vector<16xi32>
    %add3A_572 = arith.constant 8192 : i32
    %add3A_573 = vector.broadcast %add3A_572 : i32 to vector<16xi32>
    %add3A_574 = arith.addi %min3A_571, %add3A_573 : vector<16xi32>
    %swap3A_575 = arith.constant 15 : i32
    %swap3A_576 = arith.index_cast %swap3A_575 : i32 to index
    %swap3A_577 = arith.constant 16 : index
    %swap3A_578 = tpu.vector_load %arg6[%swap3A_576, %swap3A_577] {strides = array<i32>} : memref<16x32xi32, #tpu.memory_space<vmem>>, vector<1x16xi32>,
    %swap3A_579 = vector.shape_cast %swap3A_578 : vector<1x16xi32> to vector<16xi32>
    %swap3A_580 = vector.shape_cast %add3A_574 : vector<16xi32> to vector<1x16xi32>
    tpu.vector_store %arg6[%swap3A_576, %swap3A_577], %swap3A_580 {strides = array<i32>} : memref<16x32xi32, #tpu.memory_space<vmem>>, vector<1x16xi32>,
    %dma_start3A = arith.constant 0 : i32
    %dma_start3A_581 = arith.constant 0 : i32
    %dma_start3A_582 = tpu.memref_slice %arg6[%dma_start3A, %dma_start3A_581] : memref<16x32xi32, #tpu.memory_space<vmem>> -> memref<1x32xi32, #tpu.memory_space<vmem>>
    %dma_start3A_583 = tpu.memref_squeeze %dma_start3A_582 : memref<1x32xi32, #tpu.memory_space<vmem>> -> memref<32xi32, #tpu.memory_space<vmem>>
    %dma_start3A_584 = arith.constant 0 : i32
    %dma_start3A_585 = arith.constant 0 : i32
    %dma_start3A_586 = tpu.memref_slice %arg2[%dma_start3A_584, %dma_start3A_585] : memref<16384x1024xf32, #tpu.memory_space<hbm>> -> memref<16384x1024xf32, #tpu.memory_space<hbm>>
    tpu.enqueue_indirect_dma source(%dma_start3A_586 : memref<16384x1024xf32, #tpu.memory_space<hbm>>) target(%arg7 : memref<32x1024xf32, #tpu.memory_space<vmem>>) offsets(%dma_start3A_583 : memref<32xi32, #tpu.memory_space<vmem>>) semaphore(%arg10 : memref<!tpu.dma_semaphore, #tpu.memory_space<semaphore_mem>>)
    %dma_start3A_587 = arith.constant 1 : i32
    %dma_start3A_588 = arith.constant 0 : i32
    %dma_start3A_589 = tpu.memref_slice %arg6[%dma_start3A_587, %dma_start3A_588] : memref<16x32xi32, #tpu.memory_space<vmem>> -> memref<1x32xi32, #tpu.memory_space<vmem>>
    %dma_start3A_590 = tpu.memref_squeeze %dma_start3A_589 : memref<1x32xi32, #tpu.memory_space<vmem>> -> memref<32xi32, #tpu.memory_space<vmem>>
    %dma_start3A_591 = arith.constant 0 : i32
    %dma_start3A_592 = arith.constant 0 : i32
    %dma_start3A_593 = tpu.memref_slice %arg2[%dma_start3A_591, %dma_start3A_592] : memref<16384x1024xf32, #tpu.memory_space<hbm>> -> memref<16384x1024xf32, #tpu.memory_space<hbm>>
    tpu.enqueue_indirect_dma source(%dma_start3A_593 : memref<16384x1024xf32, #tpu.memory_space<hbm>>) target(%arg8 : memref<32x1024xf32, #tpu.memory_space<vmem>>) offsets(%dma_start3A_590 : memref<32xi32, #tpu.memory_space<vmem>>) semaphore(%arg11 : memref<!tpu.dma_semaphore, #tpu.memory_space<semaphore_mem>>)
    %dma_wait3A = arith.constant 0 : i32
    %dma_wait3A_594 = arith.constant 0 : i32
    %dma_wait3A_595 = tpu.memref_slice %arg6[%dma_wait3A, %dma_wait3A_594] : memref<16x32xi32, #tpu.memory_space<vmem>> -> memref<1x32xi32, #tpu.memory_space<vmem>>
    %dma_wait3A_596 = tpu.memref_squeeze %dma_wait3A_595 : memref<1x32xi32, #tpu.memory_space<vmem>> -> memref<32xi32, #tpu.memory_space<vmem>>
    %dma_wait3A_597 = arith.constant 0 : i32
    %dma_wait3A_598 = arith.constant 0 : i32
    %dma_wait3A_599 = tpu.memref_slice %arg2[%dma_wait3A_597, %dma_wait3A_598] : memref<16384x1024xf32, #tpu.memory_space<hbm>> -> memref<16384x1024xf32, #tpu.memory_space<hbm>>
    tpu.wait_indirect_dma semaphore(%arg10 : memref<!tpu.dma_semaphore, #tpu.memory_space<semaphore_mem>>) src(%dma_wait3A_599 : memref<16384x1024xf32, #tpu.memory_space<hbm>>) dst(%arg7 : memref<32x1024xf32, #tpu.memory_space<vmem>>)
    %add3A_600 = arith.constant 0 : i32
    %add3A_601 = arith.addi %mul3A_2, %add3A_600 : i32
    %dma_start3A_602 = arith.constant 0 : i32
    %dma_start3A_603 = tpu.memref_slice %arg4[%add3A_601, %dma_start3A_602] : memref<16383x1024xf32, #tpu.memory_space<hbm>> -> memref<32x1024xf32, #tpu.memory_space<hbm>>
    %dma_start3A_604 = arith.constant 0 : i32
    %dma_start3A_605 = tpu.memref_slice %arg4[%add3A_601, %dma_start3A_604] : memref<16383x1024xf32, #tpu.memory_space<hbm>> -> memref<32x1024xf32, #tpu.memory_space<hbm>>
    tpu.enqueue_dma source(%arg7 : memref<32x1024xf32, #tpu.memory_space<vmem>>) target(%dma_start3A_605 : memref<32x1024xf32, #tpu.memory_space<hbm>>) target_semaphore(%arg13 : memref<!tpu.dma_semaphore, #tpu.memory_space<semaphore_mem>>)
    %dma_start3A_606 = arith.constant 2 : i32
    %dma_start3A_607 = arith.constant 0 : i32
    %dma_start3A_608 = tpu.memref_slice %arg6[%dma_start3A_606, %dma_start3A_607] : memref<16x32xi32, #tpu.memory_space<vmem>> -> memref<1x32xi32, #tpu.memory_space<vmem>>
    %dma_start3A_609 = tpu.memref_squeeze %dma_start3A_608 : memref<1x32xi32, #tpu.memory_space<vmem>> -> memref<32xi32, #tpu.memory_space<vmem>>
    %dma_start3A_610 = arith.constant 0 : i32
    %dma_start3A_611 = arith.constant 0 : i32
    %dma_start3A_612 = tpu.memref_slice %arg2[%dma_start3A_610, %dma_start3A_611] : memref<16384x1024xf32, #tpu.memory_space<hbm>> -> memref<16384x1024xf32, #tpu.memory_space<hbm>>
    tpu.enqueue_indirect_dma source(%dma_start3A_612 : memref<16384x1024xf32, #tpu.memory_space<hbm>>) target(%arg9 : memref<32x1024xf32, #tpu.memory_space<vmem>>) offsets(%dma_start3A_609 : memref<32xi32, #tpu.memory_space<vmem>>) semaphore(%arg12 : memref<!tpu.dma_semaphore, #tpu.memory_space<semaphore_mem>>)
    %dma_wait3A_613 = arith.constant 1 : i32
    %dma_wait3A_614 = arith.constant 0 : i32
    %dma_wait3A_615 = tpu.memref_slice %arg6[%dma_wait3A_613, %dma_wait3A_614] : memref<16x32xi32, #tpu.memory_space<vmem>> -> memref<1x32xi32, #tpu.memory_space<vmem>>
    %dma_wait3A_616 = tpu.memref_squeeze %dma_wait3A_615 : memref<1x32xi32, #tpu.memory_space<vmem>> -> memref<32xi32, #tpu.memory_space<vmem>>
    %dma_wait3A_617 = arith.constant 0 : i32
    %dma_wait3A_618 = arith.constant 0 : i32
    %dma_wait3A_619 = tpu.memref_slice %arg2[%dma_wait3A_617, %dma_wait3A_618] : memref<16384x1024xf32, #tpu.memory_space<hbm>> -> memref<16384x1024xf32, #tpu.memory_space<hbm>>
    tpu.wait_indirect_dma semaphore(%arg11 : memref<!tpu.dma_semaphore, #tpu.memory_space<semaphore_mem>>) src(%dma_wait3A_619 : memref<16384x1024xf32, #tpu.memory_space<hbm>>) dst(%arg8 : memref<32x1024xf32, #tpu.memory_space<vmem>>)
    %add3A_620 = arith.constant 32 : i32
    %add3A_621 = arith.addi %mul3A_2, %add3A_620 : i32
    %dma_start3A_622 = arith.constant 0 : i32
    %dma_start3A_623 = tpu.memref_slice %arg4[%add3A_621, %dma_start3A_622] : memref<16383x1024xf32, #tpu.memory_space<hbm>> -> memref<32x1024xf32, #tpu.memory_space<hbm>>
    %dma_start3A_624 = arith.constant 0 : i32
    %dma_start3A_625 = tpu.memref_slice %arg4[%add3A_621, %dma_start3A_624] : memref<16383x1024xf32, #tpu.memory_space<hbm>> -> memref<32x1024xf32, #tpu.memory_space<hbm>>
    tpu.enqueue_dma source(%arg8 : memref<32x1024xf32, #tpu.memory_space<vmem>>) target(%dma_start3A_625 : memref<32x1024xf32, #tpu.memory_space<hbm>>) target_semaphore(%arg14 : memref<!tpu.dma_semaphore, #tpu.memory_space<semaphore_mem>>)
    %dma_wait3A_626 = arith.constant 0 : i32
    %dma_wait3A_627 = tpu.memref_slice %arg4[%add3A_601, %dma_wait3A_626] : memref<16383x1024xf32, #tpu.memory_space<hbm>> -> memref<32x1024xf32, #tpu.memory_space<hbm>>
    %dma_wait3A_628 = arith.constant 0 : i32
    %dma_wait3A_629 = tpu.memref_slice %arg4[%add3A_601, %dma_wait3A_628] : memref<16383x1024xf32, #tpu.memory_space<hbm>> -> memref<32x1024xf32, #tpu.memory_space<hbm>>
    tpu.wait_dma2 semaphore(%arg13 : memref<!tpu.dma_semaphore, #tpu.memory_space<semaphore_mem>>) src(%arg7 : memref<32x1024xf32, #tpu.memory_space<vmem>>) dst(%dma_wait3A_629 : memref<32x1024xf32, #tpu.memory_space<hbm>>)
    %dma_start3A_630 = arith.constant 3 : i32
    %dma_start3A_631 = arith.constant 0 : i32
    %dma_start3A_632 = tpu.memref_slice %arg6[%dma_start3A_630, %dma_start3A_631] : memref<16x32xi32, #tpu.memory_space<vmem>> -> memref<1x32xi32, #tpu.memory_space<vmem>>
    %dma_start3A_633 = tpu.memref_squeeze %dma_start3A_632 : memref<1x32xi32, #tpu.memory_space<vmem>> -> memref<32xi32, #tpu.memory_space<vmem>>
    %dma_start3A_634 = arith.constant 0 : i32
    %dma_start3A_635 = arith.constant 0 : i32
    %dma_start3A_636 = tpu.memref_slice %arg2[%dma_start3A_634, %dma_start3A_635] : memref<16384x1024xf32, #tpu.memory_space<hbm>> -> memref<16384x1024xf32, #tpu.memory_space<hbm>>
    tpu.enqueue_indirect_dma source(%dma_start3A_636 : memref<16384x1024xf32, #tpu.memory_space<hbm>>) target(%arg7 : memref<32x1024xf32, #tpu.memory_space<vmem>>) offsets(%dma_start3A_633 : memref<32xi32, #tpu.memory_space<vmem>>) semaphore(%arg10 : memref<!tpu.dma_semaphore, #tpu.memory_space<semaphore_mem>>)
    %dma_wait3A_637 = arith.constant 2 : i32
    %dma_wait3A_638 = arith.constant 0 : i32
    %dma_wait3A_639 = tpu.memref_slice %arg6[%dma_wait3A_637, %dma_wait3A_638] : memref<16x32xi32, #tpu.memory_space<vmem>> -> memref<1x32xi32, #tpu.memory_space<vmem>>
    %dma_wait3A_640 = tpu.memref_squeeze %dma_wait3A_639 : memref<1x32xi32, #tpu.memory_space<vmem>> -> memref<32xi32, #tpu.memory_space<vmem>>
    %dma_wait3A_641 = arith.constant 0 : i32
    %dma_wait3A_642 = arith.constant 0 : i32
    %dma_wait3A_643 = tpu.memref_slice %arg2[%dma_wait3A_641, %dma_wait3A_642] : memref<16384x1024xf32, #tpu.memory_space<hbm>> -> memref<16384x1024xf32, #tpu.memory_space<hbm>>
    tpu.wait_indirect_dma semaphore(%arg12 : memref<!tpu.dma_semaphore, #tpu.memory_space<semaphore_mem>>) src(%dma_wait3A_643 : memref<16384x1024xf32, #tpu.memory_space<hbm>>) dst(%arg9 : memref<32x1024xf32, #tpu.memory_space<vmem>>)
    %add3A_644 = arith.constant 64 : i32
    %add3A_645 = arith.addi %mul3A_2, %add3A_644 : i32
    %dma_start3A_646 = arith.constant 0 : i32
    %dma_start3A_647 = tpu.memref_slice %arg4[%add3A_645, %dma_start3A_646] : memref<16383x1024xf32, #tpu.memory_space<hbm>> -> memref<32x1024xf32, #tpu.memory_space<hbm>>
    %dma_start3A_648 = arith.constant 0 : i32
    %dma_start3A_649 = tpu.memref_slice %arg4[%add3A_645, %dma_start3A_648] : memref<16383x1024xf32, #tpu.memory_space<hbm>> -> memref<32x1024xf32, #tpu.memory_space<hbm>>
    tpu.enqueue_dma source(%arg9 : memref<32x1024xf32, #tpu.memory_space<vmem>>) target(%dma_start3A_649 : memref<32x1024xf32, #tpu.memory_space<hbm>>) target_semaphore(%arg15 : memref<!tpu.dma_semaphore, #tpu.memory_space<semaphore_mem>>)
    %dma_wait3A_650 = arith.constant 0 : i32
    %dma_wait3A_651 = tpu.memref_slice %arg4[%add3A_621, %dma_wait3A_650] : memref<16383x1024xf32, #tpu.memory_space<hbm>> -> memref<32x1024xf32, #tpu.memory_space<hbm>>
    %dma_wait3A_652 = arith.constant 0 : i32
    %dma_wait3A_653 = tpu.memref_slice %arg4[%add3A_621, %dma_wait3A_652] : memref<16383x1024xf32, #tpu.memory_space<hbm>> -> memref<32x1024xf32, #tpu.memory_space<hbm>>
    tpu.wait_dma2 semaphore(%arg14 : memref<!tpu.dma_semaphore, #tpu.memory_space<semaphore_mem>>) src(%arg8 : memref<32x1024xf32, #tpu.memory_space<vmem>>) dst(%dma_wait3A_653 : memref<32x1024xf32, #tpu.memory_space<hbm>>)
    %dma_start3A_654 = arith.constant 4 : i32
    %dma_start3A_655 = arith.constant 0 : i32
    %dma_start3A_656 = tpu.memref_slice %arg6[%dma_start3A_654, %dma_start3A_655] : memref<16x32xi32, #tpu.memory_space<vmem>> -> memref<1x32xi32, #tpu.memory_space<vmem>>
    %dma_start3A_657 = tpu.memref_squeeze %dma_start3A_656 : memref<1x32xi32, #tpu.memory_space<vmem>> -> memref<32xi32, #tpu.memory_space<vmem>>
    %dma_start3A_658 = arith.constant 0 : i32
    %dma_start3A_659 = arith.constant 0 : i32
    %dma_start3A_660 = tpu.memref_slice %arg2[%dma_start3A_658, %dma_start3A_659] : memref<16384x1024xf32, #tpu.memory_space<hbm>> -> memref<16384x1024xf32, #tpu.memory_space<hbm>>
    tpu.enqueue_indirect_dma source(%dma_start3A_660 : memref<16384x1024xf32, #tpu.memory_space<hbm>>) target(%arg8 : memref<32x1024xf32, #tpu.memory_space<vmem>>) offsets(%dma_start3A_657 : memref<32xi32, #tpu.memory_space<vmem>>) semaphore(%arg11 : memref<!tpu.dma_semaphore, #tpu.memory_space<semaphore_mem>>)
    %dma_wait3A_661 = arith.constant 3 : i32
    %dma_wait3A_662 = arith.constant 0 : i32
    %dma_wait3A_663 = tpu.memref_slice %arg6[%dma_wait3A_661, %dma_wait3A_662] : memref<16x32xi32, #tpu.memory_space<vmem>> -> memref<1x32xi32, #tpu.memory_space<vmem>>
    %dma_wait3A_664 = tpu.memref_squeeze %dma_wait3A_663 : memref<1x32xi32, #tpu.memory_space<vmem>> -> memref<32xi32, #tpu.memory_space<vmem>>
    %dma_wait3A_665 = arith.constant 0 : i32
    %dma_wait3A_666 = arith.constant 0 : i32
    %dma_wait3A_667 = tpu.memref_slice %arg2[%dma_wait3A_665, %dma_wait3A_666] : memref<16384x1024xf32, #tpu.memory_space<hbm>> -> memref<16384x1024xf32, #tpu.memory_space<hbm>>
    tpu.wait_indirect_dma semaphore(%arg10 : memref<!tpu.dma_semaphore, #tpu.memory_space<semaphore_mem>>) src(%dma_wait3A_667 : memref<16384x1024xf32, #tpu.memory_space<hbm>>) dst(%arg7 : memref<32x1024xf32, #tpu.memory_space<vmem>>)
    %add3A_668 = arith.constant 96 : i32
    %add3A_669 = arith.addi %mul3A_2, %add3A_668 : i32
    %dma_start3A_670 = arith.constant 0 : i32
    %dma_start3A_671 = tpu.memref_slice %arg4[%add3A_669, %dma_start3A_670] : memref<16383x1024xf32, #tpu.memory_space<hbm>> -> memref<32x1024xf32, #tpu.memory_space<hbm>>
    %dma_start3A_672 = arith.constant 0 : i32
    %dma_start3A_673 = tpu.memref_slice %arg4[%add3A_669, %dma_start3A_672] : memref<16383x1024xf32, #tpu.memory_space<hbm>> -> memref<32x1024xf32, #tpu.memory_space<hbm>>
    tpu.enqueue_dma source(%arg7 : memref<32x1024xf32, #tpu.memory_space<vmem>>) target(%dma_start3A_673 : memref<32x1024xf32, #tpu.memory_space<hbm>>) target_semaphore(%arg13 : memref<!tpu.dma_semaphore, #tpu.memory_space<semaphore_mem>>)
    %dma_wait3A_674 = arith.constant 0 : i32
    %dma_wait3A_675 = tpu.memref_slice %arg4[%add3A_645, %dma_wait3A_674] : memref<16383x1024xf32, #tpu.memory_space<hbm>> -> memref<32x1024xf32, #tpu.memory_space<hbm>>
    %dma_wait3A_676 = arith.constant 0 : i32
    %dma_wait3A_677 = tpu.memref_slice %arg4[%add3A_645, %dma_wait3A_676] : memref<16383x1024xf32, #tpu.memory_space<hbm>> -> memref<32x1024xf32, #tpu.memory_space<hbm>>
    tpu.wait_dma2 semaphore(%arg15 : memref<!tpu.dma_semaphore, #tpu.memory_space<semaphore_mem>>) src(%arg9 : memref<32x1024xf32, #tpu.memory_space<vmem>>) dst(%dma_wait3A_677 : memref<32x1024xf32, #tpu.memory_space<hbm>>)
    %dma_start3A_678 = arith.constant 5 : i32
    %dma_start3A_679 = arith.constant 0 : i32
    %dma_start3A_680 = tpu.memref_slice %arg6[%dma_start3A_678, %dma_start3A_679] : memref<16x32xi32, #tpu.memory_space<vmem>> -> memref<1x32xi32, #tpu.memory_space<vmem>>
    %dma_start3A_681 = tpu.memref_squeeze %dma_start3A_680 : memref<1x32xi32, #tpu.memory_space<vmem>> -> memref<32xi32, #tpu.memory_space<vmem>>
    %dma_start3A_682 = arith.constant 0 : i32
    %dma_start3A_683 = arith.constant 0 : i32
    %dma_start3A_684 = tpu.memref_slice %arg2[%dma_start3A_682, %dma_start3A_683] : memref<16384x1024xf32, #tpu.memory_space<hbm>> -> memref<16384x1024xf32, #tpu.memory_space<hbm>>
    tpu.enqueue_indirect_dma source(%dma_start3A_684 : memref<16384x1024xf32, #tpu.memory_space<hbm>>) target(%arg9 : memref<32x1024xf32, #tpu.memory_space<vmem>>) offsets(%dma_start3A_681 : memref<32xi32, #tpu.memory_space<vmem>>) semaphore(%arg12 : memref<!tpu.dma_semaphore, #tpu.memory_space<semaphore_mem>>)
    %dma_wait3A_685 = arith.constant 4 : i32
    %dma_wait3A_686 = arith.constant 0 : i32
    %dma_wait3A_687 = tpu.memref_slice %arg6[%dma_wait3A_685, %dma_wait3A_686] : memref<16x32xi32, #tpu.memory_space<vmem>> -> memref<1x32xi32, #tpu.memory_space<vmem>>
    %dma_wait3A_688 = tpu.memref_squeeze %dma_wait3A_687 : memref<1x32xi32, #tpu.memory_space<vmem>> -> memref<32xi32, #tpu.memory_space<vmem>>
    %dma_wait3A_689 = arith.constant 0 : i32
    %dma_wait3A_690 = arith.constant 0 : i32
    %dma_wait3A_691 = tpu.memref_slice %arg2[%dma_wait3A_689, %dma_wait3A_690] : memref<16384x1024xf32, #tpu.memory_space<hbm>> -> memref<16384x1024xf32, #tpu.memory_space<hbm>>
    tpu.wait_indirect_dma semaphore(%arg11 : memref<!tpu.dma_semaphore, #tpu.memory_space<semaphore_mem>>) src(%dma_wait3A_691 : memref<16384x1024xf32, #tpu.memory_space<hbm>>) dst(%arg8 : memref<32x1024xf32, #tpu.memory_space<vmem>>)
    %add3A_692 = arith.constant 128 : i32
    %add3A_693 = arith.addi %mul3A_2, %add3A_692 : i32
    %dma_start3A_694 = arith.constant 0 : i32
    %dma_start3A_695 = tpu.memref_slice %arg4[%add3A_693, %dma_start3A_694] : memref<16383x1024xf32, #tpu.memory_space<hbm>> -> memref<32x1024xf32, #tpu.memory_space<hbm>>
    %dma_start3A_696 = arith.constant 0 : i32
    %dma_start3A_697 = tpu.memref_slice %arg4[%add3A_693, %dma_start3A_696] : memref<16383x1024xf32, #tpu.memory_space<hbm>> -> memref<32x1024xf32, #tpu.memory_space<hbm>>
    tpu.enqueue_dma source(%arg8 : memref<32x1024xf32, #tpu.memory_space<vmem>>) target(%dma_start3A_697 : memref<32x1024xf32, #tpu.memory_space<hbm>>) target_semaphore(%arg14 : memref<!tpu.dma_semaphore, #tpu.memory_space<semaphore_mem>>)
    %dma_wait3A_698 = arith.constant 0 : i32
    %dma_wait3A_699 = tpu.memref_slice %arg4[%add3A_669, %dma_wait3A_698] : memref<16383x1024xf32, #tpu.memory_space<hbm>> -> memref<32x1024xf32, #tpu.memory_space<hbm>>
    %dma_wait3A_700 = arith.constant 0 : i32
    %dma_wait3A_701 = tpu.memref_slice %arg4[%add3A_669, %dma_wait3A_700] : memref<16383x1024xf32, #tpu.memory_space<hbm>> -> memref<32x1024xf32, #tpu.memory_space<hbm>>
    tpu.wait_dma2 semaphore(%arg13 : memref<!tpu.dma_semaphore, #tpu.memory_space<semaphore_mem>>) src(%arg7 : memref<32x1024xf32, #tpu.memory_space<vmem>>) dst(%dma_wait3A_701 : memref<32x1024xf32, #tpu.memory_space<hbm>>)
    %dma_start3A_702 = arith.constant 6 : i32
    %dma_start3A_703 = arith.constant 0 : i32
    %dma_start3A_704 = tpu.memref_slice %arg6[%dma_start3A_702, %dma_start3A_703] : memref<16x32xi32, #tpu.memory_space<vmem>> -> memref<1x32xi32, #tpu.memory_space<vmem>>
    %dma_start3A_705 = tpu.memref_squeeze %dma_start3A_704 : memref<1x32xi32, #tpu.memory_space<vmem>> -> memref<32xi32, #tpu.memory_space<vmem>>
    %dma_start3A_706 = arith.constant 0 : i32
    %dma_start3A_707 = arith.constant 0 : i32
    %dma_start3A_708 = tpu.memref_slice %arg2[%dma_start3A_706, %dma_start3A_707] : memref<16384x1024xf32, #tpu.memory_space<hbm>> -> memref<16384x1024xf32, #tpu.memory_space<hbm>>
    tpu.enqueue_indirect_dma source(%dma_start3A_708 : memref<16384x1024xf32, #tpu.memory_space<hbm>>) target(%arg7 : memref<32x1024xf32, #tpu.memory_space<vmem>>) offsets(%dma_start3A_705 : memref<32xi32, #tpu.memory_space<vmem>>) semaphore(%arg10 : memref<!tpu.dma_semaphore, #tpu.memory_space<semaphore_mem>>)
    %dma_wait3A_709 = arith.constant 5 : i32
    %dma_wait3A_710 = arith.constant 0 : i32
    %dma_wait3A_711 = tpu.memref_slice %arg6[%dma_wait3A_709, %dma_wait3A_710] : memref<16x32xi32, #tpu.memory_space<vmem>> -> memref<1x32xi32, #tpu.memory_space<vmem>>
    %dma_wait3A_712 = tpu.memref_squeeze %dma_wait3A_711 : memref<1x32xi32, #tpu.memory_space<vmem>> -> memref<32xi32, #tpu.memory_space<vmem>>
    %dma_wait3A_713 = arith.constant 0 : i32
    %dma_wait3A_714 = arith.constant 0 : i32
    %dma_wait3A_715 = tpu.memref_slice %arg2[%dma_wait3A_713, %dma_wait3A_714] : memref<16384x1024xf32, #tpu.memory_space<hbm>> -> memref<16384x1024xf32, #tpu.memory_space<hbm>>
    tpu.wait_indirect_dma semaphore(%arg12 : memref<!tpu.dma_semaphore, #tpu.memory_space<semaphore_mem>>) src(%dma_wait3A_715 : memref<16384x1024xf32, #tpu.memory_space<hbm>>) dst(%arg9 : memref<32x1024xf32, #tpu.memory_space<vmem>>)
    %add3A_716 = arith.constant 160 : i32
    %add3A_717 = arith.addi %mul3A_2, %add3A_716 : i32
    %dma_start3A_718 = arith.constant 0 : i32
    %dma_start3A_719 = tpu.memref_slice %arg4[%add3A_717, %dma_start3A_718] : memref<16383x1024xf32, #tpu.memory_space<hbm>> -> memref<32x1024xf32, #tpu.memory_space<hbm>>
    %dma_start3A_720 = arith.constant 0 : i32
    %dma_start3A_721 = tpu.memref_slice %arg4[%add3A_717, %dma_start3A_720] : memref<16383x1024xf32, #tpu.memory_space<hbm>> -> memref<32x1024xf32, #tpu.memory_space<hbm>>
    tpu.enqueue_dma source(%arg9 : memref<32x1024xf32, #tpu.memory_space<vmem>>) target(%dma_start3A_721 : memref<32x1024xf32, #tpu.memory_space<hbm>>) target_semaphore(%arg15 : memref<!tpu.dma_semaphore, #tpu.memory_space<semaphore_mem>>)
    %dma_wait3A_722 = arith.constant 0 : i32
    %dma_wait3A_723 = tpu.memref_slice %arg4[%add3A_693, %dma_wait3A_722] : memref<16383x1024xf32, #tpu.memory_space<hbm>> -> memref<32x1024xf32, #tpu.memory_space<hbm>>
    %dma_wait3A_724 = arith.constant 0 : i32
    %dma_wait3A_725 = tpu.memref_slice %arg4[%add3A_693, %dma_wait3A_724] : memref<16383x1024xf32, #tpu.memory_space<hbm>> -> memref<32x1024xf32, #tpu.memory_space<hbm>>
    tpu.wait_dma2 semaphore(%arg14 : memref<!tpu.dma_semaphore, #tpu.memory_space<semaphore_mem>>) src(%arg8 : memref<32x1024xf32, #tpu.memory_space<vmem>>) dst(%dma_wait3A_725 : memref<32x1024xf32, #tpu.memory_space<hbm>>)
    %dma_start3A_726 = arith.constant 7 : i32
    %dma_start3A_727 = arith.constant 0 : i32
    %dma_start3A_728 = tpu.memref_slice %arg6[%dma_start3A_726, %dma_start3A_727] : memref<16x32xi32, #tpu.memory_space<vmem>> -> memref<1x32xi32, #tpu.memory_space<vmem>>
    %dma_start3A_729 = tpu.memref_squeeze %dma_start3A_728 : memref<1x32xi32, #tpu.memory_space<vmem>> -> memref<32xi32, #tpu.memory_space<vmem>>
    %dma_start3A_730 = arith.constant 0 : i32
    %dma_start3A_731 = arith.constant 0 : i32
    %dma_start3A_732 = tpu.memref_slice %arg2[%dma_start3A_730, %dma_start3A_731] : memref<16384x1024xf32, #tpu.memory_space<hbm>> -> memref<16384x1024xf32, #tpu.memory_space<hbm>>
    tpu.enqueue_indirect_dma source(%dma_start3A_732 : memref<16384x1024xf32, #tpu.memory_space<hbm>>) target(%arg8 : memref<32x1024xf32, #tpu.memory_space<vmem>>) offsets(%dma_start3A_729 : memref<32xi32, #tpu.memory_space<vmem>>) semaphore(%arg11 : memref<!tpu.dma_semaphore, #tpu.memory_space<semaphore_mem>>)
    %dma_wait3A_733 = arith.constant 6 : i32
    %dma_wait3A_734 = arith.constant 0 : i32
    %dma_wait3A_735 = tpu.memref_slice %arg6[%dma_wait3A_733, %dma_wait3A_734] : memref<16x32xi32, #tpu.memory_space<vmem>> -> memref<1x32xi32, #tpu.memory_space<vmem>>
    %dma_wait3A_736 = tpu.memref_squeeze %dma_wait3A_735 : memref<1x32xi32, #tpu.memory_space<vmem>> -> memref<32xi32, #tpu.memory_space<vmem>>
    %dma_wait3A_737 = arith.constant 0 : i32
    %dma_wait3A_738 = arith.constant 0 : i32
    %dma_wait3A_739 = tpu.memref_slice %arg2[%dma_wait3A_737, %dma_wait3A_738] : memref<16384x1024xf32, #tpu.memory_space<hbm>> -> memref<16384x1024xf32, #tpu.memory_space<hbm>>
    tpu.wait_indirect_dma semaphore(%arg10 : memref<!tpu.dma_semaphore, #tpu.memory_space<semaphore_mem>>) src(%dma_wait3A_739 : memref<16384x1024xf32, #tpu.memory_space<hbm>>) dst(%arg7 : memref<32x1024xf32, #tpu.memory_space<vmem>>)
    %add3A_740 = arith.constant 192 : i32
    %add3A_741 = arith.addi %mul3A_2, %add3A_740 : i32
    %dma_start3A_742 = arith.constant 0 : i32
    %dma_start3A_743 = tpu.memref_slice %arg4[%add3A_741, %dma_start3A_742] : memref<16383x1024xf32, #tpu.memory_space<hbm>> -> memref<32x1024xf32, #tpu.memory_space<hbm>>
    %dma_start3A_744 = arith.constant 0 : i32
    %dma_start3A_745 = tpu.memref_slice %arg4[%add3A_741, %dma_start3A_744] : memref<16383x1024xf32, #tpu.memory_space<hbm>> -> memref<32x1024xf32, #tpu.memory_space<hbm>>
    tpu.enqueue_dma source(%arg7 : memref<32x1024xf32, #tpu.memory_space<vmem>>) target(%dma_start3A_745 : memref<32x1024xf32, #tpu.memory_space<hbm>>) target_semaphore(%arg13 : memref<!tpu.dma_semaphore, #tpu.memory_space<semaphore_mem>>)
    %dma_wait3A_746 = arith.constant 0 : i32
    %dma_wait3A_747 = tpu.memref_slice %arg4[%add3A_717, %dma_wait3A_746] : memref<16383x1024xf32, #tpu.memory_space<hbm>> -> memref<32x1024xf32, #tpu.memory_space<hbm>>
    %dma_wait3A_748 = arith.constant 0 : i32
    %dma_wait3A_749 = tpu.memref_slice %arg4[%add3A_717, %dma_wait3A_748] : memref<16383x1024xf32, #tpu.memory_space<hbm>> -> memref<32x1024xf32, #tpu.memory_space<hbm>>
    tpu.wait_dma2 semaphore(%arg15 : memref<!tpu.dma_semaphore, #tpu.memory_space<semaphore_mem>>) src(%arg9 : memref<32x1024xf32, #tpu.memory_space<vmem>>) dst(%dma_wait3A_749 : memref<32x1024xf32, #tpu.memory_space<hbm>>)
    %dma_start3A_750 = arith.constant 8 : i32
    %dma_start3A_751 = arith.constant 0 : i32
    %dma_start3A_752 = tpu.memref_slice %arg6[%dma_start3A_750, %dma_start3A_751] : memref<16x32xi32, #tpu.memory_space<vmem>> -> memref<1x32xi32, #tpu.memory_space<vmem>>
    %dma_start3A_753 = tpu.memref_squeeze %dma_start3A_752 : memref<1x32xi32, #tpu.memory_space<vmem>> -> memref<32xi32, #tpu.memory_space<vmem>>
    %dma_start3A_754 = arith.constant 0 : i32
    %dma_start3A_755 = arith.constant 0 : i32
    %dma_start3A_756 = tpu.memref_slice %arg2[%dma_start3A_754, %dma_start3A_755] : memref<16384x1024xf32, #tpu.memory_space<hbm>> -> memref<16384x1024xf32, #tpu.memory_space<hbm>>
    tpu.enqueue_indirect_dma source(%dma_start3A_756 : memref<16384x1024xf32, #tpu.memory_space<hbm>>) target(%arg9 : memref<32x1024xf32, #tpu.memory_space<vmem>>) offsets(%dma_start3A_753 : memref<32xi32, #tpu.memory_space<vmem>>) semaphore(%arg12 : memref<!tpu.dma_semaphore, #tpu.memory_space<semaphore_mem>>)
    %dma_wait3A_757 = arith.constant 7 : i32
    %dma_wait3A_758 = arith.constant 0 : i32
    %dma_wait3A_759 = tpu.memref_slice %arg6[%dma_wait3A_757, %dma_wait3A_758] : memref<16x32xi32, #tpu.memory_space<vmem>> -> memref<1x32xi32, #tpu.memory_space<vmem>>
    %dma_wait3A_760 = tpu.memref_squeeze %dma_wait3A_759 : memref<1x32xi32, #tpu.memory_space<vmem>> -> memref<32xi32, #tpu.memory_space<vmem>>
    %dma_wait3A_761 = arith.constant 0 : i32
    %dma_wait3A_762 = arith.constant 0 : i32
    %dma_wait3A_763 = tpu.memref_slice %arg2[%dma_wait3A_761, %dma_wait3A_762] : memref<16384x1024xf32, #tpu.memory_space<hbm>> -> memref<16384x1024xf32, #tpu.memory_space<hbm>>
    tpu.wait_indirect_dma semaphore(%arg11 : memref<!tpu.dma_semaphore, #tpu.memory_space<semaphore_mem>>) src(%dma_wait3A_763 : memref<16384x1024xf32, #tpu.memory_space<hbm>>) dst(%arg8 : memref<32x1024xf32, #tpu.memory_space<vmem>>)
    %add3A_764 = arith.constant 224 : i32
    %add3A_765 = arith.addi %mul3A_2, %add3A_764 : i32
    %dma_start3A_766 = arith.constant 0 : i32
    %dma_start3A_767 = tpu.memref_slice %arg4[%add3A_765, %dma_start3A_766] : memref<16383x1024xf32, #tpu.memory_space<hbm>> -> memref<32x1024xf32, #tpu.memory_space<hbm>>
    %dma_start3A_768 = arith.constant 0 : i32
    %dma_start3A_769 = tpu.memref_slice %arg4[%add3A_765, %dma_start3A_768] : memref<16383x1024xf32, #tpu.memory_space<hbm>> -> memref<32x1024xf32, #tpu.memory_space<hbm>>
    tpu.enqueue_dma source(%arg8 : memref<32x1024xf32, #tpu.memory_space<vmem>>) target(%dma_start3A_769 : memref<32x1024xf32, #tpu.memory_space<hbm>>) target_semaphore(%arg14 : memref<!tpu.dma_semaphore, #tpu.memory_space<semaphore_mem>>)
    %dma_wait3A_770 = arith.constant 0 : i32
    %dma_wait3A_771 = tpu.memref_slice %arg4[%add3A_741, %dma_wait3A_770] : memref<16383x1024xf32, #tpu.memory_space<hbm>> -> memref<32x1024xf32, #tpu.memory_space<hbm>>
    %dma_wait3A_772 = arith.constant 0 : i32
    %dma_wait3A_773 = tpu.memref_slice %arg4[%add3A_741, %dma_wait3A_772] : memref<16383x1024xf32, #tpu.memory_space<hbm>> -> memref<32x1024xf32, #tpu.memory_space<hbm>>
    tpu.wait_dma2 semaphore(%arg13 : memref<!tpu.dma_semaphore, #tpu.memory_space<semaphore_mem>>) src(%arg7 : memref<32x1024xf32, #tpu.memory_space<vmem>>) dst(%dma_wait3A_773 : memref<32x1024xf32, #tpu.memory_space<hbm>>)
    %dma_start3A_774 = arith.constant 9 : i32
    %dma_start3A_775 = arith.constant 0 : i32
    %dma_start3A_776 = tpu.memref_slice %arg6[%dma_start3A_774, %dma_start3A_775] : memref<16x32xi32, #tpu.memory_space<vmem>> -> memref<1x32xi32, #tpu.memory_space<vmem>>
    %dma_start3A_777 = tpu.memref_squeeze %dma_start3A_776 : memref<1x32xi32, #tpu.memory_space<vmem>> -> memref<32xi32, #tpu.memory_space<vmem>>
    %dma_start3A_778 = arith.constant 0 : i32
    %dma_start3A_779 = arith.constant 0 : i32
    %dma_start3A_780 = tpu.memref_slice %arg2[%dma_start3A_778, %dma_start3A_779] : memref<16384x1024xf32, #tpu.memory_space<hbm>> -> memref<16384x1024xf32, #tpu.memory_space<hbm>>
    tpu.enqueue_indirect_dma source(%dma_start3A_780 : memref<16384x1024xf32, #tpu.memory_space<hbm>>) target(%arg7 : memref<32x1024xf32, #tpu.memory_space<vmem>>) offsets(%dma_start3A_777 : memref<32xi32, #tpu.memory_space<vmem>>) semaphore(%arg10 : memref<!tpu.dma_semaphore, #tpu.memory_space<semaphore_mem>>)
    %dma_wait3A_781 = arith.constant 8 : i32
    %dma_wait3A_782 = arith.constant 0 : i32
    %dma_wait3A_783 = tpu.memref_slice %arg6[%dma_wait3A_781, %dma_wait3A_782] : memref<16x32xi32, #tpu.memory_space<vmem>> -> memref<1x32xi32, #tpu.memory_space<vmem>>
    %dma_wait3A_784 = tpu.memref_squeeze %dma_wait3A_783 : memref<1x32xi32, #tpu.memory_space<vmem>> -> memref<32xi32, #tpu.memory_space<vmem>>
    %dma_wait3A_785 = arith.constant 0 : i32
    %dma_wait3A_786 = arith.constant 0 : i32
    %dma_wait3A_787 = tpu.memref_slice %arg2[%dma_wait3A_785, %dma_wait3A_786] : memref<16384x1024xf32, #tpu.memory_space<hbm>> -> memref<16384x1024xf32, #tpu.memory_space<hbm>>
    tpu.wait_indirect_dma semaphore(%arg12 : memref<!tpu.dma_semaphore, #tpu.memory_space<semaphore_mem>>) src(%dma_wait3A_787 : memref<16384x1024xf32, #tpu.memory_space<hbm>>) dst(%arg9 : memref<32x1024xf32, #tpu.memory_space<vmem>>)
    %add3A_788 = arith.constant 256 : i32
    %add3A_789 = arith.addi %mul3A_2, %add3A_788 : i32
    %dma_start3A_790 = arith.constant 0 : i32
    %dma_start3A_791 = tpu.memref_slice %arg4[%add3A_789, %dma_start3A_790] : memref<16383x1024xf32, #tpu.memory_space<hbm>> -> memref<32x1024xf32, #tpu.memory_space<hbm>>
    %dma_start3A_792 = arith.constant 0 : i32
    %dma_start3A_793 = tpu.memref_slice %arg4[%add3A_789, %dma_start3A_792] : memref<16383x1024xf32, #tpu.memory_space<hbm>> -> memref<32x1024xf32, #tpu.memory_space<hbm>>
    tpu.enqueue_dma source(%arg9 : memref<32x1024xf32, #tpu.memory_space<vmem>>) target(%dma_start3A_793 : memref<32x1024xf32, #tpu.memory_space<hbm>>) target_semaphore(%arg15 : memref<!tpu.dma_semaphore, #tpu.memory_space<semaphore_mem>>)
    %dma_wait3A_794 = arith.constant 0 : i32
    %dma_wait3A_795 = tpu.memref_slice %arg4[%add3A_765, %dma_wait3A_794] : memref<16383x1024xf32, #tpu.memory_space<hbm>> -> memref<32x1024xf32, #tpu.memory_space<hbm>>
    %dma_wait3A_796 = arith.constant 0 : i32
    %dma_wait3A_797 = tpu.memref_slice %arg4[%add3A_765, %dma_wait3A_796] : memref<16383x1024xf32, #tpu.memory_space<hbm>> -> memref<32x1024xf32, #tpu.memory_space<hbm>>
    tpu.wait_dma2 semaphore(%arg14 : memref<!tpu.dma_semaphore, #tpu.memory_space<semaphore_mem>>) src(%arg8 : memref<32x1024xf32, #tpu.memory_space<vmem>>) dst(%dma_wait3A_797 : memref<32x1024xf32, #tpu.memory_space<hbm>>)
    %dma_start3A_798 = arith.constant 10 : i32
    %dma_start3A_799 = arith.constant 0 : i32
    %dma_start3A_800 = tpu.memref_slice %arg6[%dma_start3A_798, %dma_start3A_799] : memref<16x32xi32, #tpu.memory_space<vmem>> -> memref<1x32xi32, #tpu.memory_space<vmem>>
    %dma_start3A_801 = tpu.memref_squeeze %dma_start3A_800 : memref<1x32xi32, #tpu.memory_space<vmem>> -> memref<32xi32, #tpu.memory_space<vmem>>
    %dma_start3A_802 = arith.constant 0 : i32
    %dma_start3A_803 = arith.constant 0 : i32
    %dma_start3A_804 = tpu.memref_slice %arg2[%dma_start3A_802, %dma_start3A_803] : memref<16384x1024xf32, #tpu.memory_space<hbm>> -> memref<16384x1024xf32, #tpu.memory_space<hbm>>
    tpu.enqueue_indirect_dma source(%dma_start3A_804 : memref<16384x1024xf32, #tpu.memory_space<hbm>>) target(%arg8 : memref<32x1024xf32, #tpu.memory_space<vmem>>) offsets(%dma_start3A_801 : memref<32xi32, #tpu.memory_space<vmem>>) semaphore(%arg11 : memref<!tpu.dma_semaphore, #tpu.memory_space<semaphore_mem>>)
    %dma_wait3A_805 = arith.constant 9 : i32
    %dma_wait3A_806 = arith.constant 0 : i32
    %dma_wait3A_807 = tpu.memref_slice %arg6[%dma_wait3A_805, %dma_wait3A_806] : memref<16x32xi32, #tpu.memory_space<vmem>> -> memref<1x32xi32, #tpu.memory_space<vmem>>
    %dma_wait3A_808 = tpu.memref_squeeze %dma_wait3A_807 : memref<1x32xi32, #tpu.memory_space<vmem>> -> memref<32xi32, #tpu.memory_space<vmem>>
    %dma_wait3A_809 = arith.constant 0 : i32
    %dma_wait3A_810 = arith.constant 0 : i32
    %dma_wait3A_811 = tpu.memref_slice %arg2[%dma_wait3A_809, %dma_wait3A_810] : memref<16384x1024xf32, #tpu.memory_space<hbm>> -> memref<16384x1024xf32, #tpu.memory_space<hbm>>
    tpu.wait_indirect_dma semaphore(%arg10 : memref<!tpu.dma_semaphore, #tpu.memory_space<semaphore_mem>>) src(%dma_wait3A_811 : memref<16384x1024xf32, #tpu.memory_space<hbm>>) dst(%arg7 : memref<32x1024xf32, #tpu.memory_space<vmem>>)
    %add3A_812 = arith.constant 288 : i32
    %add3A_813 = arith.addi %mul3A_2, %add3A_812 : i32
    %dma_start3A_814 = arith.constant 0 : i32
    %dma_start3A_815 = tpu.memref_slice %arg4[%add3A_813, %dma_start3A_814] : memref<16383x1024xf32, #tpu.memory_space<hbm>> -> memref<32x1024xf32, #tpu.memory_space<hbm>>
    %dma_start3A_816 = arith.constant 0 : i32
    %dma_start3A_817 = tpu.memref_slice %arg4[%add3A_813, %dma_start3A_816] : memref<16383x1024xf32, #tpu.memory_space<hbm>> -> memref<32x1024xf32, #tpu.memory_space<hbm>>
    tpu.enqueue_dma source(%arg7 : memref<32x1024xf32, #tpu.memory_space<vmem>>) target(%dma_start3A_817 : memref<32x1024xf32, #tpu.memory_space<hbm>>) target_semaphore(%arg13 : memref<!tpu.dma_semaphore, #tpu.memory_space<semaphore_mem>>)
    %dma_wait3A_818 = arith.constant 0 : i32
    %dma_wait3A_819 = tpu.memref_slice %arg4[%add3A_789, %dma_wait3A_818] : memref<16383x1024xf32, #tpu.memory_space<hbm>> -> memref<32x1024xf32, #tpu.memory_space<hbm>>
    %dma_wait3A_820 = arith.constant 0 : i32
    %dma_wait3A_821 = tpu.memref_slice %arg4[%add3A_789, %dma_wait3A_820] : memref<16383x1024xf32, #tpu.memory_space<hbm>> -> memref<32x1024xf32, #tpu.memory_space<hbm>>
    tpu.wait_dma2 semaphore(%arg15 : memref<!tpu.dma_semaphore, #tpu.memory_space<semaphore_mem>>) src(%arg9 : memref<32x1024xf32, #tpu.memory_space<vmem>>) dst(%dma_wait3A_821 : memref<32x1024xf32, #tpu.memory_space<hbm>>)
    %dma_start3A_822 = arith.constant 11 : i32
    %dma_start3A_823 = arith.constant 0 : i32
    %dma_start3A_824 = tpu.memref_slice %arg6[%dma_start3A_822, %dma_start3A_823] : memref<16x32xi32, #tpu.memory_space<vmem>> -> memref<1x32xi32, #tpu.memory_space<vmem>>
    %dma_start3A_825 = tpu.memref_squeeze %dma_start3A_824 : memref<1x32xi32, #tpu.memory_space<vmem>> -> memref<32xi32, #tpu.memory_space<vmem>>
    %dma_start3A_826 = arith.constant 0 : i32
    %dma_start3A_827 = arith.constant 0 : i32
    %dma_start3A_828 = tpu.memref_slice %arg2[%dma_start3A_826, %dma_start3A_827] : memref<16384x1024xf32, #tpu.memory_space<hbm>> -> memref<16384x1024xf32, #tpu.memory_space<hbm>>
    tpu.enqueue_indirect_dma source(%dma_start3A_828 : memref<16384x1024xf32, #tpu.memory_space<hbm>>) target(%arg9 : memref<32x1024xf32, #tpu.memory_space<vmem>>) offsets(%dma_start3A_825 : memref<32xi32, #tpu.memory_space<vmem>>) semaphore(%arg12 : memref<!tpu.dma_semaphore, #tpu.memory_space<semaphore_mem>>)
    %dma_wait3A_829 = arith.constant 10 : i32
    %dma_wait3A_830 = arith.constant 0 : i32
    %dma_wait3A_831 = tpu.memref_slice %arg6[%dma_wait3A_829, %dma_wait3A_830] : memref<16x32xi32, #tpu.memory_space<vmem>> -> memref<1x32xi32, #tpu.memory_space<vmem>>
    %dma_wait3A_832 = tpu.memref_squeeze %dma_wait3A_831 : memref<1x32xi32, #tpu.memory_space<vmem>> -> memref<32xi32, #tpu.memory_space<vmem>>
    %dma_wait3A_833 = arith.constant 0 : i32
    %dma_wait3A_834 = arith.constant 0 : i32
    %dma_wait3A_835 = tpu.memref_slice %arg2[%dma_wait3A_833, %dma_wait3A_834] : memref<16384x1024xf32, #tpu.memory_space<hbm>> -> memref<16384x1024xf32, #tpu.memory_space<hbm>>
    tpu.wait_indirect_dma semaphore(%arg11 : memref<!tpu.dma_semaphore, #tpu.memory_space<semaphore_mem>>) src(%dma_wait3A_835 : memref<16384x1024xf32, #tpu.memory_space<hbm>>) dst(%arg8 : memref<32x1024xf32, #tpu.memory_space<vmem>>)
    %add3A_836 = arith.constant 320 : i32
    %add3A_837 = arith.addi %mul3A_2, %add3A_836 : i32
    %dma_start3A_838 = arith.constant 0 : i32
    %dma_start3A_839 = tpu.memref_slice %arg4[%add3A_837, %dma_start3A_838] : memref<16383x1024xf32, #tpu.memory_space<hbm>> -> memref<32x1024xf32, #tpu.memory_space<hbm>>
    %dma_start3A_840 = arith.constant 0 : i32
    %dma_start3A_841 = tpu.memref_slice %arg4[%add3A_837, %dma_start3A_840] : memref<16383x1024xf32, #tpu.memory_space<hbm>> -> memref<32x1024xf32, #tpu.memory_space<hbm>>
    tpu.enqueue_dma source(%arg8 : memref<32x1024xf32, #tpu.memory_space<vmem>>) target(%dma_start3A_841 : memref<32x1024xf32, #tpu.memory_space<hbm>>) target_semaphore(%arg14 : memref<!tpu.dma_semaphore, #tpu.memory_space<semaphore_mem>>)
    %dma_wait3A_842 = arith.constant 0 : i32
    %dma_wait3A_843 = tpu.memref_slice %arg4[%add3A_813, %dma_wait3A_842] : memref<16383x1024xf32, #tpu.memory_space<hbm>> -> memref<32x1024xf32, #tpu.memory_space<hbm>>
    %dma_wait3A_844 = arith.constant 0 : i32
    %dma_wait3A_845 = tpu.memref_slice %arg4[%add3A_813, %dma_wait3A_844] : memref<16383x1024xf32, #tpu.memory_space<hbm>> -> memref<32x1024xf32, #tpu.memory_space<hbm>>
    tpu.wait_dma2 semaphore(%arg13 : memref<!tpu.dma_semaphore, #tpu.memory_space<semaphore_mem>>) src(%arg7 : memref<32x1024xf32, #tpu.memory_space<vmem>>) dst(%dma_wait3A_845 : memref<32x1024xf32, #tpu.memory_space<hbm>>)
    %dma_start3A_846 = arith.constant 12 : i32
    %dma_start3A_847 = arith.constant 0 : i32
    %dma_start3A_848 = tpu.memref_slice %arg6[%dma_start3A_846, %dma_start3A_847] : memref<16x32xi32, #tpu.memory_space<vmem>> -> memref<1x32xi32, #tpu.memory_space<vmem>>
    %dma_start3A_849 = tpu.memref_squeeze %dma_start3A_848 : memref<1x32xi32, #tpu.memory_space<vmem>> -> memref<32xi32, #tpu.memory_space<vmem>>
    %dma_start3A_850 = arith.constant 0 : i32
    %dma_start3A_851 = arith.constant 0 : i32
    %dma_start3A_852 = tpu.memref_slice %arg2[%dma_start3A_850, %dma_start3A_851] : memref<16384x1024xf32, #tpu.memory_space<hbm>> -> memref<16384x1024xf32, #tpu.memory_space<hbm>>
    tpu.enqueue_indirect_dma source(%dma_start3A_852 : memref<16384x1024xf32, #tpu.memory_space<hbm>>) target(%arg7 : memref<32x1024xf32, #tpu.memory_space<vmem>>) offsets(%dma_start3A_849 : memref<32xi32, #tpu.memory_space<vmem>>) semaphore(%arg10 : memref<!tpu.dma_semaphore, #tpu.memory_space<semaphore_mem>>)
    %dma_wait3A_853 = arith.constant 11 : i32
    %dma_wait3A_854 = arith.constant 0 : i32
    %dma_wait3A_855 = tpu.memref_slice %arg6[%dma_wait3A_853, %dma_wait3A_854] : memref<16x32xi32, #tpu.memory_space<vmem>> -> memref<1x32xi32, #tpu.memory_space<vmem>>
    %dma_wait3A_856 = tpu.memref_squeeze %dma_wait3A_855 : memref<1x32xi32, #tpu.memory_space<vmem>> -> memref<32xi32, #tpu.memory_space<vmem>>
    %dma_wait3A_857 = arith.constant 0 : i32
    %dma_wait3A_858 = arith.constant 0 : i32
    %dma_wait3A_859 = tpu.memref_slice %arg2[%dma_wait3A_857, %dma_wait3A_858] : memref<16384x1024xf32, #tpu.memory_space<hbm>> -> memref<16384x1024xf32, #tpu.memory_space<hbm>>
    tpu.wait_indirect_dma semaphore(%arg12 : memref<!tpu.dma_semaphore, #tpu.memory_space<semaphore_mem>>) src(%dma_wait3A_859 : memref<16384x1024xf32, #tpu.memory_space<hbm>>) dst(%arg9 : memref<32x1024xf32, #tpu.memory_space<vmem>>)
    %add3A_860 = arith.constant 352 : i32
    %add3A_861 = arith.addi %mul3A_2, %add3A_860 : i32
    %dma_start3A_862 = arith.constant 0 : i32
    %dma_start3A_863 = tpu.memref_slice %arg4[%add3A_861, %dma_start3A_862] : memref<16383x1024xf32, #tpu.memory_space<hbm>> -> memref<32x1024xf32, #tpu.memory_space<hbm>>
    %dma_start3A_864 = arith.constant 0 : i32
    %dma_start3A_865 = tpu.memref_slice %arg4[%add3A_861, %dma_start3A_864] : memref<16383x1024xf32, #tpu.memory_space<hbm>> -> memref<32x1024xf32, #tpu.memory_space<hbm>>
    tpu.enqueue_dma source(%arg9 : memref<32x1024xf32, #tpu.memory_space<vmem>>) target(%dma_start3A_865 : memref<32x1024xf32, #tpu.memory_space<hbm>>) target_semaphore(%arg15 : memref<!tpu.dma_semaphore, #tpu.memory_space<semaphore_mem>>)
    %dma_wait3A_866 = arith.constant 0 : i32
    %dma_wait3A_867 = tpu.memref_slice %arg4[%add3A_837, %dma_wait3A_866] : memref<16383x1024xf32, #tpu.memory_space<hbm>> -> memref<32x1024xf32, #tpu.memory_space<hbm>>
    %dma_wait3A_868 = arith.constant 0 : i32
    %dma_wait3A_869 = tpu.memref_slice %arg4[%add3A_837, %dma_wait3A_868] : memref<16383x1024xf32, #tpu.memory_space<hbm>> -> memref<32x1024xf32, #tpu.memory_space<hbm>>
    tpu.wait_dma2 semaphore(%arg14 : memref<!tpu.dma_semaphore, #tpu.memory_space<semaphore_mem>>) src(%arg8 : memref<32x1024xf32, #tpu.memory_space<vmem>>) dst(%dma_wait3A_869 : memref<32x1024xf32, #tpu.memory_space<hbm>>)
    %dma_start3A_870 = arith.constant 13 : i32
    %dma_start3A_871 = arith.constant 0 : i32
    %dma_start3A_872 = tpu.memref_slice %arg6[%dma_start3A_870, %dma_start3A_871] : memref<16x32xi32, #tpu.memory_space<vmem>> -> memref<1x32xi32, #tpu.memory_space<vmem>>
    %dma_start3A_873 = tpu.memref_squeeze %dma_start3A_872 : memref<1x32xi32, #tpu.memory_space<vmem>> -> memref<32xi32, #tpu.memory_space<vmem>>
    %dma_start3A_874 = arith.constant 0 : i32
    %dma_start3A_875 = arith.constant 0 : i32
    %dma_start3A_876 = tpu.memref_slice %arg2[%dma_start3A_874, %dma_start3A_875] : memref<16384x1024xf32, #tpu.memory_space<hbm>> -> memref<16384x1024xf32, #tpu.memory_space<hbm>>
    tpu.enqueue_indirect_dma source(%dma_start3A_876 : memref<16384x1024xf32, #tpu.memory_space<hbm>>) target(%arg8 : memref<32x1024xf32, #tpu.memory_space<vmem>>) offsets(%dma_start3A_873 : memref<32xi32, #tpu.memory_space<vmem>>) semaphore(%arg11 : memref<!tpu.dma_semaphore, #tpu.memory_space<semaphore_mem>>)
    %dma_wait3A_877 = arith.constant 12 : i32
    %dma_wait3A_878 = arith.constant 0 : i32
    %dma_wait3A_879 = tpu.memref_slice %arg6[%dma_wait3A_877, %dma_wait3A_878] : memref<16x32xi32, #tpu.memory_space<vmem>> -> memref<1x32xi32, #tpu.memory_space<vmem>>
    %dma_wait3A_880 = tpu.memref_squeeze %dma_wait3A_879 : memref<1x32xi32, #tpu.memory_space<vmem>> -> memref<32xi32, #tpu.memory_space<vmem>>
    %dma_wait3A_881 = arith.constant 0 : i32
    %dma_wait3A_882 = arith.constant 0 : i32
    %dma_wait3A_883 = tpu.memref_slice %arg2[%dma_wait3A_881, %dma_wait3A_882] : memref<16384x1024xf32, #tpu.memory_space<hbm>> -> memref<16384x1024xf32, #tpu.memory_space<hbm>>
    tpu.wait_indirect_dma semaphore(%arg10 : memref<!tpu.dma_semaphore, #tpu.memory_space<semaphore_mem>>) src(%dma_wait3A_883 : memref<16384x1024xf32, #tpu.memory_space<hbm>>) dst(%arg7 : memref<32x1024xf32, #tpu.memory_space<vmem>>)
    %add3A_884 = arith.constant 384 : i32
    %add3A_885 = arith.addi %mul3A_2, %add3A_884 : i32
    %dma_start3A_886 = arith.constant 0 : i32
    %dma_start3A_887 = tpu.memref_slice %arg4[%add3A_885, %dma_start3A_886] : memref<16383x1024xf32, #tpu.memory_space<hbm>> -> memref<32x1024xf32, #tpu.memory_space<hbm>>
    %dma_start3A_888 = arith.constant 0 : i32
    %dma_start3A_889 = tpu.memref_slice %arg4[%add3A_885, %dma_start3A_888] : memref<16383x1024xf32, #tpu.memory_space<hbm>> -> memref<32x1024xf32, #tpu.memory_space<hbm>>
    tpu.enqueue_dma source(%arg7 : memref<32x1024xf32, #tpu.memory_space<vmem>>) target(%dma_start3A_889 : memref<32x1024xf32, #tpu.memory_space<hbm>>) target_semaphore(%arg13 : memref<!tpu.dma_semaphore, #tpu.memory_space<semaphore_mem>>)
    %dma_wait3A_890 = arith.constant 0 : i32
    %dma_wait3A_891 = tpu.memref_slice %arg4[%add3A_861, %dma_wait3A_890] : memref<16383x1024xf32, #tpu.memory_space<hbm>> -> memref<32x1024xf32, #tpu.memory_space<hbm>>
    %dma_wait3A_892 = arith.constant 0 : i32
    %dma_wait3A_893 = tpu.memref_slice %arg4[%add3A_861, %dma_wait3A_892] : memref<16383x1024xf32, #tpu.memory_space<hbm>> -> memref<32x1024xf32, #tpu.memory_space<hbm>>
    tpu.wait_dma2 semaphore(%arg15 : memref<!tpu.dma_semaphore, #tpu.memory_space<semaphore_mem>>) src(%arg9 : memref<32x1024xf32, #tpu.memory_space<vmem>>) dst(%dma_wait3A_893 : memref<32x1024xf32, #tpu.memory_space<hbm>>)
    %dma_start3A_894 = arith.constant 14 : i32
    %dma_start3A_895 = arith.constant 0 : i32
    %dma_start3A_896 = tpu.memref_slice %arg6[%dma_start3A_894, %dma_start3A_895] : memref<16x32xi32, #tpu.memory_space<vmem>> -> memref<1x32xi32, #tpu.memory_space<vmem>>
    %dma_start3A_897 = tpu.memref_squeeze %dma_start3A_896 : memref<1x32xi32, #tpu.memory_space<vmem>> -> memref<32xi32, #tpu.memory_space<vmem>>
    %dma_start3A_898 = arith.constant 0 : i32
    %dma_start3A_899 = arith.constant 0 : i32
    %dma_start3A_900 = tpu.memref_slice %arg2[%dma_start3A_898, %dma_start3A_899] : memref<16384x1024xf32, #tpu.memory_space<hbm>> -> memref<16384x1024xf32, #tpu.memory_space<hbm>>
    tpu.enqueue_indirect_dma source(%dma_start3A_900 : memref<16384x1024xf32, #tpu.memory_space<hbm>>) target(%arg9 : memref<32x1024xf32, #tpu.memory_space<vmem>>) offsets(%dma_start3A_897 : memref<32xi32, #tpu.memory_space<vmem>>) semaphore(%arg12 : memref<!tpu.dma_semaphore, #tpu.memory_space<semaphore_mem>>)
    %dma_wait3A_901 = arith.constant 13 : i32
    %dma_wait3A_902 = arith.constant 0 : i32
    %dma_wait3A_903 = tpu.memref_slice %arg6[%dma_wait3A_901, %dma_wait3A_902] : memref<16x32xi32, #tpu.memory_space<vmem>> -> memref<1x32xi32, #tpu.memory_space<vmem>>
    %dma_wait3A_904 = tpu.memref_squeeze %dma_wait3A_903 : memref<1x32xi32, #tpu.memory_space<vmem>> -> memref<32xi32, #tpu.memory_space<vmem>>
    %dma_wait3A_905 = arith.constant 0 : i32
    %dma_wait3A_906 = arith.constant 0 : i32
    %dma_wait3A_907 = tpu.memref_slice %arg2[%dma_wait3A_905, %dma_wait3A_906] : memref<16384x1024xf32, #tpu.memory_space<hbm>> -> memref<16384x1024xf32, #tpu.memory_space<hbm>>
    tpu.wait_indirect_dma semaphore(%arg11 : memref<!tpu.dma_semaphore, #tpu.memory_space<semaphore_mem>>) src(%dma_wait3A_907 : memref<16384x1024xf32, #tpu.memory_space<hbm>>) dst(%arg8 : memref<32x1024xf32, #tpu.memory_space<vmem>>)
    %add3A_908 = arith.constant 416 : i32
    %add3A_909 = arith.addi %mul3A_2, %add3A_908 : i32
    %dma_start3A_910 = arith.constant 0 : i32
    %dma_start3A_911 = tpu.memref_slice %arg4[%add3A_909, %dma_start3A_910] : memref<16383x1024xf32, #tpu.memory_space<hbm>> -> memref<32x1024xf32, #tpu.memory_space<hbm>>
    %dma_start3A_912 = arith.constant 0 : i32
    %dma_start3A_913 = tpu.memref_slice %arg4[%add3A_909, %dma_start3A_912] : memref<16383x1024xf32, #tpu.memory_space<hbm>> -> memref<32x1024xf32, #tpu.memory_space<hbm>>
    tpu.enqueue_dma source(%arg8 : memref<32x1024xf32, #tpu.memory_space<vmem>>) target(%dma_start3A_913 : memref<32x1024xf32, #tpu.memory_space<hbm>>) target_semaphore(%arg14 : memref<!tpu.dma_semaphore, #tpu.memory_space<semaphore_mem>>)
    %dma_wait3A_914 = arith.constant 0 : i32
    %dma_wait3A_915 = tpu.memref_slice %arg4[%add3A_885, %dma_wait3A_914] : memref<16383x1024xf32, #tpu.memory_space<hbm>> -> memref<32x1024xf32, #tpu.memory_space<hbm>>
    %dma_wait3A_916 = arith.constant 0 : i32
    %dma_wait3A_917 = tpu.memref_slice %arg4[%add3A_885, %dma_wait3A_916] : memref<16383x1024xf32, #tpu.memory_space<hbm>> -> memref<32x1024xf32, #tpu.memory_space<hbm>>
    tpu.wait_dma2 semaphore(%arg13 : memref<!tpu.dma_semaphore, #tpu.memory_space<semaphore_mem>>) src(%arg7 : memref<32x1024xf32, #tpu.memory_space<vmem>>) dst(%dma_wait3A_917 : memref<32x1024xf32, #tpu.memory_space<hbm>>)
    %dma_start3A_918 = arith.constant 15 : i32
    %dma_start3A_919 = arith.constant 0 : i32
    %dma_start3A_920 = tpu.memref_slice %arg6[%dma_start3A_918, %dma_start3A_919] : memref<16x32xi32, #tpu.memory_space<vmem>> -> memref<1x32xi32, #tpu.memory_space<vmem>>
    %dma_start3A_921 = tpu.memref_squeeze %dma_start3A_920 : memref<1x32xi32, #tpu.memory_space<vmem>> -> memref<32xi32, #tpu.memory_space<vmem>>
    %dma_start3A_922 = arith.constant 0 : i32
    %dma_start3A_923 = arith.constant 0 : i32
    %dma_start3A_924 = tpu.memref_slice %arg2[%dma_start3A_922, %dma_start3A_923] : memref<16384x1024xf32, #tpu.memory_space<hbm>> -> memref<16384x1024xf32, #tpu.memory_space<hbm>>
    tpu.enqueue_indirect_dma source(%dma_start3A_924 : memref<16384x1024xf32, #tpu.memory_space<hbm>>) target(%arg7 : memref<32x1024xf32, #tpu.memory_space<vmem>>) offsets(%dma_start3A_921 : memref<32xi32, #tpu.memory_space<vmem>>) semaphore(%arg10 : memref<!tpu.dma_semaphore, #tpu.memory_space<semaphore_mem>>)
    %dma_wait3A_925 = arith.constant 14 : i32
    %dma_wait3A_926 = arith.constant 0 : i32
    %dma_wait3A_927 = tpu.memref_slice %arg6[%dma_wait3A_925, %dma_wait3A_926] : memref<16x32xi32, #tpu.memory_space<vmem>> -> memref<1x32xi32, #tpu.memory_space<vmem>>
    %dma_wait3A_928 = tpu.memref_squeeze %dma_wait3A_927 : memref<1x32xi32, #tpu.memory_space<vmem>> -> memref<32xi32, #tpu.memory_space<vmem>>
    %dma_wait3A_929 = arith.constant 0 : i32
    %dma_wait3A_930 = arith.constant 0 : i32
    %dma_wait3A_931 = tpu.memref_slice %arg2[%dma_wait3A_929, %dma_wait3A_930] : memref<16384x1024xf32, #tpu.memory_space<hbm>> -> memref<16384x1024xf32, #tpu.memory_space<hbm>>
    tpu.wait_indirect_dma semaphore(%arg12 : memref<!tpu.dma_semaphore, #tpu.memory_space<semaphore_mem>>) src(%dma_wait3A_931 : memref<16384x1024xf32, #tpu.memory_space<hbm>>) dst(%arg9 : memref<32x1024xf32, #tpu.memory_space<vmem>>)
    %add3A_932 = arith.constant 448 : i32
    %add3A_933 = arith.addi %mul3A_2, %add3A_932 : i32
    %dma_start3A_934 = arith.constant 0 : i32
    %dma_start3A_935 = tpu.memref_slice %arg4[%add3A_933, %dma_start3A_934] : memref<16383x1024xf32, #tpu.memory_space<hbm>> -> memref<32x1024xf32, #tpu.memory_space<hbm>>
    %dma_start3A_936 = arith.constant 0 : i32
    %dma_start3A_937 = tpu.memref_slice %arg4[%add3A_933, %dma_start3A_936] : memref<16383x1024xf32, #tpu.memory_space<hbm>> -> memref<32x1024xf32, #tpu.memory_space<hbm>>
    tpu.enqueue_dma source(%arg9 : memref<32x1024xf32, #tpu.memory_space<vmem>>) target(%dma_start3A_937 : memref<32x1024xf32, #tpu.memory_space<hbm>>) target_semaphore(%arg15 : memref<!tpu.dma_semaphore, #tpu.memory_space<semaphore_mem>>)
    %dma_wait3A_938 = arith.constant 15 : i32
    %dma_wait3A_939 = arith.constant 0 : i32
    %dma_wait3A_940 = tpu.memref_slice %arg6[%dma_wait3A_938, %dma_wait3A_939] : memref<16x32xi32, #tpu.memory_space<vmem>> -> memref<1x32xi32, #tpu.memory_space<vmem>>
    %dma_wait3A_941 = tpu.memref_squeeze %dma_wait3A_940 : memref<1x32xi32, #tpu.memory_space<vmem>> -> memref<32xi32, #tpu.memory_space<vmem>>
    %dma_wait3A_942 = arith.constant 0 : i32
    %dma_wait3A_943 = arith.constant 0 : i32
    %dma_wait3A_944 = tpu.memref_slice %arg2[%dma_wait3A_942, %dma_wait3A_943] : memref<16384x1024xf32, #tpu.memory_space<hbm>> -> memref<16384x1024xf32, #tpu.memory_space<hbm>>
    tpu.wait_indirect_dma semaphore(%arg10 : memref<!tpu.dma_semaphore, #tpu.memory_space<semaphore_mem>>) src(%dma_wait3A_944 : memref<16384x1024xf32, #tpu.memory_space<hbm>>) dst(%arg7 : memref<32x1024xf32, #tpu.memory_space<vmem>>)
    %convert_element_type3A_945 = arith.extui %eq3A_3 : i1 to i32
    %cond3A_946 = arith.constant 0 : i32
    %cond3A_947 = arith.cmpi ne, %convert_element_type3A_945, %cond3A_946 : i32
    scf.if %cond3A_947 {
      %get3A_961 = arith.constant 30 : i32
      %get3A_962 = arith.index_cast %get3A_961 : i32 to index
      %get3A_963 = arith.constant 0 : index
      %get3A_964 = tpu.vector_load %arg7[%get3A_962, %get3A_963] {strides = array<i32>} : memref<32x1024xf32, #tpu.memory_space<vmem>>, vector<1x16xf32>,
      %get3A_965 = vector.shape_cast %get3A_964 : vector<1x16xf32> to vector<16xf32>
      %swap3A_966 = arith.constant 31 : i32
      %swap3A_967 = arith.index_cast %swap3A_966 : i32 to index
      %swap3A_968 = arith.constant 0 : index
      %swap3A_969 = tpu.vector_load %arg7[%swap3A_967, %swap3A_968] {strides = array<i32>} : memref<32x1024xf32, #tpu.memory_space<vmem>>, vector<1x16xf32>,
      %swap3A_970 = vector.shape_cast %swap3A_969 : vector<1x16xf32> to vector<16xf32>
      %swap3A_971 = vector.shape_cast %get3A_965 : vector<16xf32> to vector<1x16xf32>
      tpu.vector_store %arg7[%swap3A_967, %swap3A_968], %swap3A_971 {strides = array<i32>} : memref<32x1024xf32, #tpu.memory_space<vmem>>, vector<1x16xf32>,
      %get3A_972 = arith.constant 30 : i32
      %get3A_973 = arith.index_cast %get3A_972 : i32 to index
      %get3A_974 = arith.constant 16 : index
      %get3A_975 = tpu.vector_load %arg7[%get3A_973, %get3A_974] {strides = array<i32>} : memref<32x1024xf32, #tpu.memory_space<vmem>>, vector<1x16xf32>,
      %get3A_976 = vector.shape_cast %get3A_975 : vector<1x16xf32> to vector<16xf32>
      %swap3A_977 = arith.constant 31 : i32
      %swap3A_978 = arith.index_cast %swap3A_977 : i32 to index
      %swap3A_979 = arith.constant 16 : index
      %swap3A_980 = tpu.vector_load %arg7[%swap3A_978, %swap3A_979] {strides = array<i32>} : memref<32x1024xf32, #tpu.memory_space<vmem>>, vector<1x16xf32>,
      %swap3A_981 = vector.shape_cast %swap3A_980 : vector<1x16xf32> to vector<16xf32>
      %swap3A_982 = vector.shape_cast %get3A_976 : vector<16xf32> to vector<1x16xf32>
      tpu.vector_store %arg7[%swap3A_978, %swap3A_979], %swap3A_982 {strides = array<i32>} : memref<32x1024xf32, #tpu.memory_space<vmem>>, vector<1x16xf32>,
      %get3A_983 = arith.constant 30 : i32
      %get3A_984 = arith.index_cast %get3A_983 : i32 to index
      %get3A_985 = arith.constant 32 : index
      %get3A_986 = tpu.vector_load %arg7[%get3A_984, %get3A_985] {strides = array<i32>} : memref<32x1024xf32, #tpu.memory_space<vmem>>, vector<1x16xf32>,
      %get3A_987 = vector.shape_cast %get3A_986 : vector<1x16xf32> to vector<16xf32>
      %swap3A_988 = arith.constant 31 : i32
      %swap3A_989 = arith.index_cast %swap3A_988 : i32 to index
      %swap3A_990 = arith.constant 32 : index
      %swap3A_991 = tpu.vector_load %arg7[%swap3A_989, %swap3A_990] {strides = array<i32>} : memref<32x1024xf32, #tpu.memory_space<vmem>>, vector<1x16xf32>,
      %swap3A_992 = vector.shape_cast %swap3A_991 : vector<1x16xf32> to vector<16xf32>
      %swap3A_993 = vector.shape_cast %get3A_987 : vector<16xf32> to vector<1x16xf32>
      tpu.vector_store %arg7[%swap3A_989, %swap3A_990], %swap3A_993 {strides = array<i32>} : memref<32x1024xf32, #tpu.memory_space<vmem>>, vector<1x16xf32>,
      %get3A_994 = arith.constant 30 : i32
      %get3A_995 = arith.index_cast %get3A_994 : i32 to index
      %get3A_996 = arith.constant 48 : index
      %get3A_997 = tpu.vector_load %arg7[%get3A_995, %get3A_996] {strides = array<i32>} : memref<32x1024xf32, #tpu.memory_space<vmem>>, vector<1x16xf32>,
      %get3A_998 = vector.shape_cast %get3A_997 : vector<1x16xf32> to vector<16xf32>
      %swap3A_999 = arith.constant 31 : i32
      %swap3A_1000 = arith.index_cast %swap3A_999 : i32 to index
      %swap3A_1001 = arith.constant 48 : index
      %swap3A_1002 = tpu.vector_load %arg7[%swap3A_1000, %swap3A_1001] {strides = array<i32>} : memref<32x1024xf32, #tpu.memory_space<vmem>>, vector<1x16xf32>,
      %swap3A_1003 = vector.shape_cast %swap3A_1002 : vector<1x16xf32> to vector<16xf32>
      %swap3A_1004 = vector.shape_cast %get3A_998 : vector<16xf32> to vector<1x16xf32>
      tpu.vector_store %arg7[%swap3A_1000, %swap3A_1001], %swap3A_1004 {strides = array<i32>} : memref<32x1024xf32, #tpu.memory_space<vmem>>, vector<1x16xf32>,
      %get3A_1005 = arith.constant 30 : i32
      %get3A_1006 = arith.index_cast %get3A_1005 : i32 to index
      %get3A_1007 = arith.constant 64 : index
      %get3A_1008 = tpu.vector_load %arg7[%get3A_1006, %get3A_1007] {strides = array<i32>} : memref<32x1024xf32, #tpu.memory_space<vmem>>, vector<1x16xf32>,
      %get3A_1009 = vector.shape_cast %get3A_1008 : vector<1x16xf32> to vector<16xf32>
      %swap3A_1010 = arith.constant 31 : i32
      %swap3A_1011 = arith.index_cast %swap3A_1010 : i32 to index
      %swap3A_1012 = arith.constant 64 : index
      %swap3A_1013 = tpu.vector_load %arg7[%swap3A_1011, %swap3A_1012] {strides = array<i32>} : memref<32x1024xf32, #tpu.memory_space<vmem>>, vector<1x16xf32>,
      %swap3A_1014 = vector.shape_cast %swap3A_1013 : vector<1x16xf32> to vector<16xf32>
      %swap3A_1015 = vector.shape_cast %get3A_1009 : vector<16xf32> to vector<1x16xf32>
      tpu.vector_store %arg7[%swap3A_1011, %swap3A_1012], %swap3A_1015 {strides = array<i32>} : memref<32x1024xf32, #tpu.memory_space<vmem>>, vector<1x16xf32>,
      %get3A_1016 = arith.constant 30 : i32
      %get3A_1017 = arith.index_cast %get3A_1016 : i32 to index
      %get3A_1018 = arith.constant 80 : index
      %get3A_1019 = tpu.vector_load %arg7[%get3A_1017, %get3A_1018] {strides = array<i32>} : memref<32x1024xf32, #tpu.memory_space<vmem>>, vector<1x16xf32>,
      %get3A_1020 = vector.shape_cast %get3A_1019 : vector<1x16xf32> to vector<16xf32>
      %swap3A_1021 = arith.constant 31 : i32
      %swap3A_1022 = arith.index_cast %swap3A_1021 : i32 to index
      %swap3A_1023 = arith.constant 80 : index
      %swap3A_1024 = tpu.vector_load %arg7[%swap3A_1022, %swap3A_1023] {strides = array<i32>} : memref<32x1024xf32, #tpu.memory_space<vmem>>, vector<1x16xf32>,
      %swap3A_1025 = vector.shape_cast %swap3A_1024 : vector<1x16xf32> to vector<16xf32>
      %swap3A_1026 = vector.shape_cast %get3A_1020 : vector<16xf32> to vector<1x16xf32>
      tpu.vector_store %arg7[%swap3A_1022, %swap3A_1023], %swap3A_1026 {strides = array<i32>} : memref<32x1024xf32, #tpu.memory_space<vmem>>, vector<1x16xf32>,
      %get3A_1027 = arith.constant 30 : i32
      %get3A_1028 = arith.index_cast %get3A_1027 : i32 to index
      %get3A_1029 = arith.constant 96 : index
      %get3A_1030 = tpu.vector_load %arg7[%get3A_1028, %get3A_1029] {strides = array<i32>} : memref<32x1024xf32, #tpu.memory_space<vmem>>, vector<1x16xf32>,
      %get3A_1031 = vector.shape_cast %get3A_1030 : vector<1x16xf32> to vector<16xf32>
      %swap3A_1032 = arith.constant 31 : i32
      %swap3A_1033 = arith.index_cast %swap3A_1032 : i32 to index
      %swap3A_1034 = arith.constant 96 : index
      %swap3A_1035 = tpu.vector_load %arg7[%swap3A_1033, %swap3A_1034] {strides = array<i32>} : memref<32x1024xf32, #tpu.memory_space<vmem>>, vector<1x16xf32>,
      %swap3A_1036 = vector.shape_cast %swap3A_1035 : vector<1x16xf32> to vector<16xf32>
      %swap3A_1037 = vector.shape_cast %get3A_1031 : vector<16xf32> to vector<1x16xf32>
      tpu.vector_store %arg7[%swap3A_1033, %swap3A_1034], %swap3A_1037 {strides = array<i32>} : memref<32x1024xf32, #tpu.memory_space<vmem>>, vector<1x16xf32>,
      %get3A_1038 = arith.constant 30 : i32
      %get3A_1039 = arith.index_cast %get3A_1038 : i32 to index
      %get3A_1040 = arith.constant 112 : index
      %get3A_1041 = tpu.vector_load %arg7[%get3A_1039, %get3A_1040] {strides = array<i32>} : memref<32x1024xf32, #tpu.memory_space<vmem>>, vector<1x16xf32>,
      %get3A_1042 = vector.shape_cast %get3A_1041 : vector<1x16xf32> to vector<16xf32>
      %swap3A_1043 = arith.constant 31 : i32
      %swap3A_1044 = arith.index_cast %swap3A_1043 : i32 to index
      %swap3A_1045 = arith.constant 112 : index
      %swap3A_1046 = tpu.vector_load %arg7[%swap3A_1044, %swap3A_1045] {strides = array<i32>} : memref<32x1024xf32, #tpu.memory_space<vmem>>, vector<1x16xf32>,
      %swap3A_1047 = vector.shape_cast %swap3A_1046 : vector<1x16xf32> to vector<16xf32>
      %swap3A_1048 = vector.shape_cast %get3A_1042 : vector<16xf32> to vector<1x16xf32>
      tpu.vector_store %arg7[%swap3A_1044, %swap3A_1045], %swap3A_1048 {strides = array<i32>} : memref<32x1024xf32, #tpu.memory_space<vmem>>, vector<1x16xf32>,
      %get3A_1049 = arith.constant 30 : i32
      %get3A_1050 = arith.index_cast %get3A_1049 : i32 to index
      %get3A_1051 = arith.constant 128 : index
      %get3A_1052 = tpu.vector_load %arg7[%get3A_1050, %get3A_1051] {strides = array<i32>} : memref<32x1024xf32, #tpu.memory_space<vmem>>, vector<1x16xf32>,
      %get3A_1053 = vector.shape_cast %get3A_1052 : vector<1x16xf32> to vector<16xf32>
      %swap3A_1054 = arith.constant 31 : i32
      %swap3A_1055 = arith.index_cast %swap3A_1054 : i32 to index
      %swap3A_1056 = arith.constant 128 : index
      %swap3A_1057 = tpu.vector_load %arg7[%swap3A_1055, %swap3A_1056] {strides = array<i32>} : memref<32x1024xf32, #tpu.memory_space<vmem>>, vector<1x16xf32>,
      %swap3A_1058 = vector.shape_cast %swap3A_1057 : vector<1x16xf32> to vector<16xf32>
      %swap3A_1059 = vector.shape_cast %get3A_1053 : vector<16xf32> to vector<1x16xf32>
      tpu.vector_store %arg7[%swap3A_1055, %swap3A_1056], %swap3A_1059 {strides = array<i32>} : memref<32x1024xf32, #tpu.memory_space<vmem>>, vector<1x16xf32>,
      %get3A_1060 = arith.constant 30 : i32
      %get3A_1061 = arith.index_cast %get3A_1060 : i32 to index
      %get3A_1062 = arith.constant 144 : index
      %get3A_1063 = tpu.vector_load %arg7[%get3A_1061, %get3A_1062] {strides = array<i32>} : memref<32x1024xf32, #tpu.memory_space<vmem>>, vector<1x16xf32>,
      %get3A_1064 = vector.shape_cast %get3A_1063 : vector<1x16xf32> to vector<16xf32>
      %swap3A_1065 = arith.constant 31 : i32
      %swap3A_1066 = arith.index_cast %swap3A_1065 : i32 to index
      %swap3A_1067 = arith.constant 144 : index
      %swap3A_1068 = tpu.vector_load %arg7[%swap3A_1066, %swap3A_1067] {strides = array<i32>} : memref<32x1024xf32, #tpu.memory_space<vmem>>, vector<1x16xf32>,
      %swap3A_1069 = vector.shape_cast %swap3A_1068 : vector<1x16xf32> to vector<16xf32>
      %swap3A_1070 = vector.shape_cast %get3A_1064 : vector<16xf32> to vector<1x16xf32>
      tpu.vector_store %arg7[%swap3A_1066, %swap3A_1067], %swap3A_1070 {strides = array<i32>} : memref<32x1024xf32, #tpu.memory_space<vmem>>, vector<1x16xf32>,
      %get3A_1071 = arith.constant 30 : i32
      %get3A_1072 = arith.index_cast %get3A_1071 : i32 to index
      %get3A_1073 = arith.constant 160 : index
      %get3A_1074 = tpu.vector_load %arg7[%get3A_1072, %get3A_1073] {strides = array<i32>} : memref<32x1024xf32, #tpu.memory_space<vmem>>, vector<1x16xf32>,
      %get3A_1075 = vector.shape_cast %get3A_1074 : vector<1x16xf32> to vector<16xf32>
      %swap3A_1076 = arith.constant 31 : i32
      %swap3A_1077 = arith.index_cast %swap3A_1076 : i32 to index
      %swap3A_1078 = arith.constant 160 : index
      %swap3A_1079 = tpu.vector_load %arg7[%swap3A_1077, %swap3A_1078] {strides = array<i32>} : memref<32x1024xf32, #tpu.memory_space<vmem>>, vector<1x16xf32>,
      %swap3A_1080 = vector.shape_cast %swap3A_1079 : vector<1x16xf32> to vector<16xf32>
      %swap3A_1081 = vector.shape_cast %get3A_1075 : vector<16xf32> to vector<1x16xf32>
      tpu.vector_store %arg7[%swap3A_1077, %swap3A_1078], %swap3A_1081 {strides = array<i32>} : memref<32x1024xf32, #tpu.memory_space<vmem>>, vector<1x16xf32>,
      %get3A_1082 = arith.constant 30 : i32
      %get3A_1083 = arith.index_cast %get3A_1082 : i32 to index
      %get3A_1084 = arith.constant 176 : index
      %get3A_1085 = tpu.vector_load %arg7[%get3A_1083, %get3A_1084] {strides = array<i32>} : memref<32x1024xf32, #tpu.memory_space<vmem>>, vector<1x16xf32>,
      %get3A_1086 = vector.shape_cast %get3A_1085 : vector<1x16xf32> to vector<16xf32>
      %swap3A_1087 = arith.constant 31 : i32
      %swap3A_1088 = arith.index_cast %swap3A_1087 : i32 to index
      %swap3A_1089 = arith.constant 176 : index
      %swap3A_1090 = tpu.vector_load %arg7[%swap3A_1088, %swap3A_1089] {strides = array<i32>} : memref<32x1024xf32, #tpu.memory_space<vmem>>, vector<1x16xf32>,
      %swap3A_1091 = vector.shape_cast %swap3A_1090 : vector<1x16xf32> to vector<16xf32>
      %swap3A_1092 = vector.shape_cast %get3A_1086 : vector<16xf32> to vector<1x16xf32>
      tpu.vector_store %arg7[%swap3A_1088, %swap3A_1089], %swap3A_1092 {strides = array<i32>} : memref<32x1024xf32, #tpu.memory_space<vmem>>, vector<1x16xf32>,
      %get3A_1093 = arith.constant 30 : i32
      %get3A_1094 = arith.index_cast %get3A_1093 : i32 to index
      %get3A_1095 = arith.constant 192 : index
      %get3A_1096 = tpu.vector_load %arg7[%get3A_1094, %get3A_1095] {strides = array<i32>} : memref<32x1024xf32, #tpu.memory_space<vmem>>, vector<1x16xf32>,
      %get3A_1097 = vector.shape_cast %get3A_1096 : vector<1x16xf32> to vector<16xf32>
      %swap3A_1098 = arith.constant 31 : i32
      %swap3A_1099 = arith.index_cast %swap3A_1098 : i32 to index
      %swap3A_1100 = arith.constant 192 : index
      %swap3A_1101 = tpu.vector_load %arg7[%swap3A_1099, %swap3A_1100] {strides = array<i32>} : memref<32x1024xf32, #tpu.memory_space<vmem>>, vector<1x16xf32>,
      %swap3A_1102 = vector.shape_cast %swap3A_1101 : vector<1x16xf32> to vector<16xf32>
      %swap3A_1103 = vector.shape_cast %get3A_1097 : vector<16xf32> to vector<1x16xf32>
      tpu.vector_store %arg7[%swap3A_1099, %swap3A_1100], %swap3A_1103 {strides = array<i32>} : memref<32x1024xf32, #tpu.memory_space<vmem>>, vector<1x16xf32>,
      %get3A_1104 = arith.constant 30 : i32
      %get3A_1105 = arith.index_cast %get3A_1104 : i32 to index
      %get3A_1106 = arith.constant 208 : index
      %get3A_1107 = tpu.vector_load %arg7[%get3A_1105, %get3A_1106] {strides = array<i32>} : memref<32x1024xf32, #tpu.memory_space<vmem>>, vector<1x16xf32>,
      %get3A_1108 = vector.shape_cast %get3A_1107 : vector<1x16xf32> to vector<16xf32>
      %swap3A_1109 = arith.constant 31 : i32
      %swap3A_1110 = arith.index_cast %swap3A_1109 : i32 to index
      %swap3A_1111 = arith.constant 208 : index
      %swap3A_1112 = tpu.vector_load %arg7[%swap3A_1110, %swap3A_1111] {strides = array<i32>} : memref<32x1024xf32, #tpu.memory_space<vmem>>, vector<1x16xf32>,
      %swap3A_1113 = vector.shape_cast %swap3A_1112 : vector<1x16xf32> to vector<16xf32>
      %swap3A_1114 = vector.shape_cast %get3A_1108 : vector<16xf32> to vector<1x16xf32>
      tpu.vector_store %arg7[%swap3A_1110, %swap3A_1111], %swap3A_1114 {strides = array<i32>} : memref<32x1024xf32, #tpu.memory_space<vmem>>, vector<1x16xf32>,
      %get3A_1115 = arith.constant 30 : i32
      %get3A_1116 = arith.index_cast %get3A_1115 : i32 to index
      %get3A_1117 = arith.constant 224 : index
      %get3A_1118 = tpu.vector_load %arg7[%get3A_1116, %get3A_1117] {strides = array<i32>} : memref<32x1024xf32, #tpu.memory_space<vmem>>, vector<1x16xf32>,
      %get3A_1119 = vector.shape_cast %get3A_1118 : vector<1x16xf32> to vector<16xf32>
      %swap3A_1120 = arith.constant 31 : i32
      %swap3A_1121 = arith.index_cast %swap3A_1120 : i32 to index
      %swap3A_1122 = arith.constant 224 : index
      %swap3A_1123 = tpu.vector_load %arg7[%swap3A_1121, %swap3A_1122] {strides = array<i32>} : memref<32x1024xf32, #tpu.memory_space<vmem>>, vector<1x16xf32>,
      %swap3A_1124 = vector.shape_cast %swap3A_1123 : vector<1x16xf32> to vector<16xf32>
      %swap3A_1125 = vector.shape_cast %get3A_1119 : vector<16xf32> to vector<1x16xf32>
      tpu.vector_store %arg7[%swap3A_1121, %swap3A_1122], %swap3A_1125 {strides = array<i32>} : memref<32x1024xf32, #tpu.memory_space<vmem>>, vector<1x16xf32>,
      %get3A_1126 = arith.constant 30 : i32
      %get3A_1127 = arith.index_cast %get3A_1126 : i32 to index
      %get3A_1128 = arith.constant 240 : index
      %get3A_1129 = tpu.vector_load %arg7[%get3A_1127, %get3A_1128] {strides = array<i32>} : memref<32x1024xf32, #tpu.memory_space<vmem>>, vector<1x16xf32>,
      %get3A_1130 = vector.shape_cast %get3A_1129 : vector<1x16xf32> to vector<16xf32>
      %swap3A_1131 = arith.constant 31 : i32
      %swap3A_1132 = arith.index_cast %swap3A_1131 : i32 to index
      %swap3A_1133 = arith.constant 240 : index
      %swap3A_1134 = tpu.vector_load %arg7[%swap3A_1132, %swap3A_1133] {strides = array<i32>} : memref<32x1024xf32, #tpu.memory_space<vmem>>, vector<1x16xf32>,
      %swap3A_1135 = vector.shape_cast %swap3A_1134 : vector<1x16xf32> to vector<16xf32>
      %swap3A_1136 = vector.shape_cast %get3A_1130 : vector<16xf32> to vector<1x16xf32>
      tpu.vector_store %arg7[%swap3A_1132, %swap3A_1133], %swap3A_1136 {strides = array<i32>} : memref<32x1024xf32, #tpu.memory_space<vmem>>, vector<1x16xf32>,
      %get3A_1137 = arith.constant 30 : i32
      %get3A_1138 = arith.index_cast %get3A_1137 : i32 to index
      %get3A_1139 = arith.constant 256 : index
      %get3A_1140 = tpu.vector_load %arg7[%get3A_1138, %get3A_1139] {strides = array<i32>} : memref<32x1024xf32, #tpu.memory_space<vmem>>, vector<1x16xf32>,
      %get3A_1141 = vector.shape_cast %get3A_1140 : vector<1x16xf32> to vector<16xf32>
      %swap3A_1142 = arith.constant 31 : i32
      %swap3A_1143 = arith.index_cast %swap3A_1142 : i32 to index
      %swap3A_1144 = arith.constant 256 : index
      %swap3A_1145 = tpu.vector_load %arg7[%swap3A_1143, %swap3A_1144] {strides = array<i32>} : memref<32x1024xf32, #tpu.memory_space<vmem>>, vector<1x16xf32>,
      %swap3A_1146 = vector.shape_cast %swap3A_1145 : vector<1x16xf32> to vector<16xf32>
      %swap3A_1147 = vector.shape_cast %get3A_1141 : vector<16xf32> to vector<1x16xf32>
      tpu.vector_store %arg7[%swap3A_1143, %swap3A_1144], %swap3A_1147 {strides = array<i32>} : memref<32x1024xf32, #tpu.memory_space<vmem>>, vector<1x16xf32>,
      %get3A_1148 = arith.constant 30 : i32
      %get3A_1149 = arith.index_cast %get3A_1148 : i32 to index
      %get3A_1150 = arith.constant 272 : index
      %get3A_1151 = tpu.vector_load %arg7[%get3A_1149, %get3A_1150] {strides = array<i32>} : memref<32x1024xf32, #tpu.memory_space<vmem>>, vector<1x16xf32>,
      %get3A_1152 = vector.shape_cast %get3A_1151 : vector<1x16xf32> to vector<16xf32>
      %swap3A_1153 = arith.constant 31 : i32
      %swap3A_1154 = arith.index_cast %swap3A_1153 : i32 to index
      %swap3A_1155 = arith.constant 272 : index
      %swap3A_1156 = tpu.vector_load %arg7[%swap3A_1154, %swap3A_1155] {strides = array<i32>} : memref<32x1024xf32, #tpu.memory_space<vmem>>, vector<1x16xf32>,
      %swap3A_1157 = vector.shape_cast %swap3A_1156 : vector<1x16xf32> to vector<16xf32>
      %swap3A_1158 = vector.shape_cast %get3A_1152 : vector<16xf32> to vector<1x16xf32>
      tpu.vector_store %arg7[%swap3A_1154, %swap3A_1155], %swap3A_1158 {strides = array<i32>} : memref<32x1024xf32, #tpu.memory_space<vmem>>, vector<1x16xf32>,
      %get3A_1159 = arith.constant 30 : i32
      %get3A_1160 = arith.index_cast %get3A_1159 : i32 to index
      %get3A_1161 = arith.constant 288 : index
      %get3A_1162 = tpu.vector_load %arg7[%get3A_1160, %get3A_1161] {strides = array<i32>} : memref<32x1024xf32, #tpu.memory_space<vmem>>, vector<1x16xf32>,
      %get3A_1163 = vector.shape_cast %get3A_1162 : vector<1x16xf32> to vector<16xf32>
      %swap3A_1164 = arith.constant 31 : i32
      %swap3A_1165 = arith.index_cast %swap3A_1164 : i32 to index
      %swap3A_1166 = arith.constant 288 : index
      %swap3A_1167 = tpu.vector_load %arg7[%swap3A_1165, %swap3A_1166] {strides = array<i32>} : memref<32x1024xf32, #tpu.memory_space<vmem>>, vector<1x16xf32>,
      %swap3A_1168 = vector.shape_cast %swap3A_1167 : vector<1x16xf32> to vector<16xf32>
      %swap3A_1169 = vector.shape_cast %get3A_1163 : vector<16xf32> to vector<1x16xf32>
      tpu.vector_store %arg7[%swap3A_1165, %swap3A_1166], %swap3A_1169 {strides = array<i32>} : memref<32x1024xf32, #tpu.memory_space<vmem>>, vector<1x16xf32>,
      %get3A_1170 = arith.constant 30 : i32
      %get3A_1171 = arith.index_cast %get3A_1170 : i32 to index
      %get3A_1172 = arith.constant 304 : index
      %get3A_1173 = tpu.vector_load %arg7[%get3A_1171, %get3A_1172] {strides = array<i32>} : memref<32x1024xf32, #tpu.memory_space<vmem>>, vector<1x16xf32>,
      %get3A_1174 = vector.shape_cast %get3A_1173 : vector<1x16xf32> to vector<16xf32>
      %swap3A_1175 = arith.constant 31 : i32
      %swap3A_1176 = arith.index_cast %swap3A_1175 : i32 to index
      %swap3A_1177 = arith.constant 304 : index
      %swap3A_1178 = tpu.vector_load %arg7[%swap3A_1176, %swap3A_1177] {strides = array<i32>} : memref<32x1024xf32, #tpu.memory_space<vmem>>, vector<1x16xf32>,
      %swap3A_1179 = vector.shape_cast %swap3A_1178 : vector<1x16xf32> to vector<16xf32>
      %swap3A_1180 = vector.shape_cast %get3A_1174 : vector<16xf32> to vector<1x16xf32>
      tpu.vector_store %arg7[%swap3A_1176, %swap3A_1177], %swap3A_1180 {strides = array<i32>} : memref<32x1024xf32, #tpu.memory_space<vmem>>, vector<1x16xf32>,
      %get3A_1181 = arith.constant 30 : i32
      %get3A_1182 = arith.index_cast %get3A_1181 : i32 to index
      %get3A_1183 = arith.constant 320 : index
      %get3A_1184 = tpu.vector_load %arg7[%get3A_1182, %get3A_1183] {strides = array<i32>} : memref<32x1024xf32, #tpu.memory_space<vmem>>, vector<1x16xf32>,
      %get3A_1185 = vector.shape_cast %get3A_1184 : vector<1x16xf32> to vector<16xf32>
      %swap3A_1186 = arith.constant 31 : i32
      %swap3A_1187 = arith.index_cast %swap3A_1186 : i32 to index
      %swap3A_1188 = arith.constant 320 : index
      %swap3A_1189 = tpu.vector_load %arg7[%swap3A_1187, %swap3A_1188] {strides = array<i32>} : memref<32x1024xf32, #tpu.memory_space<vmem>>, vector<1x16xf32>,
      %swap3A_1190 = vector.shape_cast %swap3A_1189 : vector<1x16xf32> to vector<16xf32>
      %swap3A_1191 = vector.shape_cast %get3A_1185 : vector<16xf32> to vector<1x16xf32>
      tpu.vector_store %arg7[%swap3A_1187, %swap3A_1188], %swap3A_1191 {strides = array<i32>} : memref<32x1024xf32, #tpu.memory_space<vmem>>, vector<1x16xf32>,
      %get3A_1192 = arith.constant 30 : i32
      %get3A_1193 = arith.index_cast %get3A_1192 : i32 to index
      %get3A_1194 = arith.constant 336 : index
      %get3A_1195 = tpu.vector_load %arg7[%get3A_1193, %get3A_1194] {strides = array<i32>} : memref<32x1024xf32, #tpu.memory_space<vmem>>, vector<1x16xf32>,
      %get3A_1196 = vector.shape_cast %get3A_1195 : vector<1x16xf32> to vector<16xf32>
      %swap3A_1197 = arith.constant 31 : i32
      %swap3A_1198 = arith.index_cast %swap3A_1197 : i32 to index
      %swap3A_1199 = arith.constant 336 : index
      %swap3A_1200 = tpu.vector_load %arg7[%swap3A_1198, %swap3A_1199] {strides = array<i32>} : memref<32x1024xf32, #tpu.memory_space<vmem>>, vector<1x16xf32>,
      %swap3A_1201 = vector.shape_cast %swap3A_1200 : vector<1x16xf32> to vector<16xf32>
      %swap3A_1202 = vector.shape_cast %get3A_1196 : vector<16xf32> to vector<1x16xf32>
      tpu.vector_store %arg7[%swap3A_1198, %swap3A_1199], %swap3A_1202 {strides = array<i32>} : memref<32x1024xf32, #tpu.memory_space<vmem>>, vector<1x16xf32>,
      %get3A_1203 = arith.constant 30 : i32
      %get3A_1204 = arith.index_cast %get3A_1203 : i32 to index
      %get3A_1205 = arith.constant 352 : index
      %get3A_1206 = tpu.vector_load %arg7[%get3A_1204, %get3A_1205] {strides = array<i32>} : memref<32x1024xf32, #tpu.memory_space<vmem>>, vector<1x16xf32>,
      %get3A_1207 = vector.shape_cast %get3A_1206 : vector<1x16xf32> to vector<16xf32>
      %swap3A_1208 = arith.constant 31 : i32
      %swap3A_1209 = arith.index_cast %swap3A_1208 : i32 to index
      %swap3A_1210 = arith.constant 352 : index
      %swap3A_1211 = tpu.vector_load %arg7[%swap3A_1209, %swap3A_1210] {strides = array<i32>} : memref<32x1024xf32, #tpu.memory_space<vmem>>, vector<1x16xf32>,
      %swap3A_1212 = vector.shape_cast %swap3A_1211 : vector<1x16xf32> to vector<16xf32>
      %swap3A_1213 = vector.shape_cast %get3A_1207 : vector<16xf32> to vector<1x16xf32>
      tpu.vector_store %arg7[%swap3A_1209, %swap3A_1210], %swap3A_1213 {strides = array<i32>} : memref<32x1024xf32, #tpu.memory_space<vmem>>, vector<1x16xf32>,
      %get3A_1214 = arith.constant 30 : i32
      %get3A_1215 = arith.index_cast %get3A_1214 : i32 to index
      %get3A_1216 = arith.constant 368 : index
      %get3A_1217 = tpu.vector_load %arg7[%get3A_1215, %get3A_1216] {strides = array<i32>} : memref<32x1024xf32, #tpu.memory_space<vmem>>, vector<1x16xf32>,
      %get3A_1218 = vector.shape_cast %get3A_1217 : vector<1x16xf32> to vector<16xf32>
      %swap3A_1219 = arith.constant 31 : i32
      %swap3A_1220 = arith.index_cast %swap3A_1219 : i32 to index
      %swap3A_1221 = arith.constant 368 : index
      %swap3A_1222 = tpu.vector_load %arg7[%swap3A_1220, %swap3A_1221] {strides = array<i32>} : memref<32x1024xf32, #tpu.memory_space<vmem>>, vector<1x16xf32>,
      %swap3A_1223 = vector.shape_cast %swap3A_1222 : vector<1x16xf32> to vector<16xf32>
      %swap3A_1224 = vector.shape_cast %get3A_1218 : vector<16xf32> to vector<1x16xf32>
      tpu.vector_store %arg7[%swap3A_1220, %swap3A_1221], %swap3A_1224 {strides = array<i32>} : memref<32x1024xf32, #tpu.memory_space<vmem>>, vector<1x16xf32>,
      %get3A_1225 = arith.constant 30 : i32
      %get3A_1226 = arith.index_cast %get3A_1225 : i32 to index
      %get3A_1227 = arith.constant 384 : index
      %get3A_1228 = tpu.vector_load %arg7[%get3A_1226, %get3A_1227] {strides = array<i32>} : memref<32x1024xf32, #tpu.memory_space<vmem>>, vector<1x16xf32>,
      %get3A_1229 = vector.shape_cast %get3A_1228 : vector<1x16xf32> to vector<16xf32>
      %swap3A_1230 = arith.constant 31 : i32
      %swap3A_1231 = arith.index_cast %swap3A_1230 : i32 to index
      %swap3A_1232 = arith.constant 384 : index
      %swap3A_1233 = tpu.vector_load %arg7[%swap3A_1231, %swap3A_1232] {strides = array<i32>} : memref<32x1024xf32, #tpu.memory_space<vmem>>, vector<1x16xf32>,
      %swap3A_1234 = vector.shape_cast %swap3A_1233 : vector<1x16xf32> to vector<16xf32>
      %swap3A_1235 = vector.shape_cast %get3A_1229 : vector<16xf32> to vector<1x16xf32>
      tpu.vector_store %arg7[%swap3A_1231, %swap3A_1232], %swap3A_1235 {strides = array<i32>} : memref<32x1024xf32, #tpu.memory_space<vmem>>, vector<1x16xf32>,
      %get3A_1236 = arith.constant 30 : i32
      %get3A_1237 = arith.index_cast %get3A_1236 : i32 to index
      %get3A_1238 = arith.constant 400 : index
      %get3A_1239 = tpu.vector_load %arg7[%get3A_1237, %get3A_1238] {strides = array<i32>} : memref<32x1024xf32, #tpu.memory_space<vmem>>, vector<1x16xf32>,
      %get3A_1240 = vector.shape_cast %get3A_1239 : vector<1x16xf32> to vector<16xf32>
      %swap3A_1241 = arith.constant 31 : i32
      %swap3A_1242 = arith.index_cast %swap3A_1241 : i32 to index
      %swap3A_1243 = arith.constant 400 : index
      %swap3A_1244 = tpu.vector_load %arg7[%swap3A_1242, %swap3A_1243] {strides = array<i32>} : memref<32x1024xf32, #tpu.memory_space<vmem>>, vector<1x16xf32>,
      %swap3A_1245 = vector.shape_cast %swap3A_1244 : vector<1x16xf32> to vector<16xf32>
      %swap3A_1246 = vector.shape_cast %get3A_1240 : vector<16xf32> to vector<1x16xf32>
      tpu.vector_store %arg7[%swap3A_1242, %swap3A_1243], %swap3A_1246 {strides = array<i32>} : memref<32x1024xf32, #tpu.memory_space<vmem>>, vector<1x16xf32>,
      %get3A_1247 = arith.constant 30 : i32
      %get3A_1248 = arith.index_cast %get3A_1247 : i32 to index
      %get3A_1249 = arith.constant 416 : index
      %get3A_1250 = tpu.vector_load %arg7[%get3A_1248, %get3A_1249] {strides = array<i32>} : memref<32x1024xf32, #tpu.memory_space<vmem>>, vector<1x16xf32>,
      %get3A_1251 = vector.shape_cast %get3A_1250 : vector<1x16xf32> to vector<16xf32>
      %swap3A_1252 = arith.constant 31 : i32
      %swap3A_1253 = arith.index_cast %swap3A_1252 : i32 to index
      %swap3A_1254 = arith.constant 416 : index
      %swap3A_1255 = tpu.vector_load %arg7[%swap3A_1253, %swap3A_1254] {strides = array<i32>} : memref<32x1024xf32, #tpu.memory_space<vmem>>, vector<1x16xf32>,
      %swap3A_1256 = vector.shape_cast %swap3A_1255 : vector<1x16xf32> to vector<16xf32>
      %swap3A_1257 = vector.shape_cast %get3A_1251 : vector<16xf32> to vector<1x16xf32>
      tpu.vector_store %arg7[%swap3A_1253, %swap3A_1254], %swap3A_1257 {strides = array<i32>} : memref<32x1024xf32, #tpu.memory_space<vmem>>, vector<1x16xf32>,
      %get3A_1258 = arith.constant 30 : i32
      %get3A_1259 = arith.index_cast %get3A_1258 : i32 to index
      %get3A_1260 = arith.constant 432 : index
      %get3A_1261 = tpu.vector_load %arg7[%get3A_1259, %get3A_1260] {strides = array<i32>} : memref<32x1024xf32, #tpu.memory_space<vmem>>, vector<1x16xf32>,
      %get3A_1262 = vector.shape_cast %get3A_1261 : vector<1x16xf32> to vector<16xf32>
      %swap3A_1263 = arith.constant 31 : i32
      %swap3A_1264 = arith.index_cast %swap3A_1263 : i32 to index
      %swap3A_1265 = arith.constant 432 : index
      %swap3A_1266 = tpu.vector_load %arg7[%swap3A_1264, %swap3A_1265] {strides = array<i32>} : memref<32x1024xf32, #tpu.memory_space<vmem>>, vector<1x16xf32>,
      %swap3A_1267 = vector.shape_cast %swap3A_1266 : vector<1x16xf32> to vector<16xf32>
      %swap3A_1268 = vector.shape_cast %get3A_1262 : vector<16xf32> to vector<1x16xf32>
      tpu.vector_store %arg7[%swap3A_1264, %swap3A_1265], %swap3A_1268 {strides = array<i32>} : memref<32x1024xf32, #tpu.memory_space<vmem>>, vector<1x16xf32>,
      %get3A_1269 = arith.constant 30 : i32
      %get3A_1270 = arith.index_cast %get3A_1269 : i32 to index
      %get3A_1271 = arith.constant 448 : index
      %get3A_1272 = tpu.vector_load %arg7[%get3A_1270, %get3A_1271] {strides = array<i32>} : memref<32x1024xf32, #tpu.memory_space<vmem>>, vector<1x16xf32>,
      %get3A_1273 = vector.shape_cast %get3A_1272 : vector<1x16xf32> to vector<16xf32>
      %swap3A_1274 = arith.constant 31 : i32
      %swap3A_1275 = arith.index_cast %swap3A_1274 : i32 to index
      %swap3A_1276 = arith.constant 448 : index
      %swap3A_1277 = tpu.vector_load %arg7[%swap3A_1275, %swap3A_1276] {strides = array<i32>} : memref<32x1024xf32, #tpu.memory_space<vmem>>, vector<1x16xf32>,
      %swap3A_1278 = vector.shape_cast %swap3A_1277 : vector<1x16xf32> to vector<16xf32>
      %swap3A_1279 = vector.shape_cast %get3A_1273 : vector<16xf32> to vector<1x16xf32>
      tpu.vector_store %arg7[%swap3A_1275, %swap3A_1276], %swap3A_1279 {strides = array<i32>} : memref<32x1024xf32, #tpu.memory_space<vmem>>, vector<1x16xf32>,
      %get3A_1280 = arith.constant 30 : i32
      %get3A_1281 = arith.index_cast %get3A_1280 : i32 to index
      %get3A_1282 = arith.constant 464 : index
      %get3A_1283 = tpu.vector_load %arg7[%get3A_1281, %get3A_1282] {strides = array<i32>} : memref<32x1024xf32, #tpu.memory_space<vmem>>, vector<1x16xf32>,
      %get3A_1284 = vector.shape_cast %get3A_1283 : vector<1x16xf32> to vector<16xf32>
      %swap3A_1285 = arith.constant 31 : i32
      %swap3A_1286 = arith.index_cast %swap3A_1285 : i32 to index
      %swap3A_1287 = arith.constant 464 : index
      %swap3A_1288 = tpu.vector_load %arg7[%swap3A_1286, %swap3A_1287] {strides = array<i32>} : memref<32x1024xf32, #tpu.memory_space<vmem>>, vector<1x16xf32>,
      %swap3A_1289 = vector.shape_cast %swap3A_1288 : vector<1x16xf32> to vector<16xf32>
      %swap3A_1290 = vector.shape_cast %get3A_1284 : vector<16xf32> to vector<1x16xf32>
      tpu.vector_store %arg7[%swap3A_1286, %swap3A_1287], %swap3A_1290 {strides = array<i32>} : memref<32x1024xf32, #tpu.memory_space<vmem>>, vector<1x16xf32>,
      %get3A_1291 = arith.constant 30 : i32
      %get3A_1292 = arith.index_cast %get3A_1291 : i32 to index
      %get3A_1293 = arith.constant 480 : index
      %get3A_1294 = tpu.vector_load %arg7[%get3A_1292, %get3A_1293] {strides = array<i32>} : memref<32x1024xf32, #tpu.memory_space<vmem>>, vector<1x16xf32>,
      %get3A_1295 = vector.shape_cast %get3A_1294 : vector<1x16xf32> to vector<16xf32>
      %swap3A_1296 = arith.constant 31 : i32
      %swap3A_1297 = arith.index_cast %swap3A_1296 : i32 to index
      %swap3A_1298 = arith.constant 480 : index
      %swap3A_1299 = tpu.vector_load %arg7[%swap3A_1297, %swap3A_1298] {strides = array<i32>} : memref<32x1024xf32, #tpu.memory_space<vmem>>, vector<1x16xf32>,
      %swap3A_1300 = vector.shape_cast %swap3A_1299 : vector<1x16xf32> to vector<16xf32>
      %swap3A_1301 = vector.shape_cast %get3A_1295 : vector<16xf32> to vector<1x16xf32>
      tpu.vector_store %arg7[%swap3A_1297, %swap3A_1298], %swap3A_1301 {strides = array<i32>} : memref<32x1024xf32, #tpu.memory_space<vmem>>, vector<1x16xf32>,
      %get3A_1302 = arith.constant 30 : i32
      %get3A_1303 = arith.index_cast %get3A_1302 : i32 to index
      %get3A_1304 = arith.constant 496 : index
      %get3A_1305 = tpu.vector_load %arg7[%get3A_1303, %get3A_1304] {strides = array<i32>} : memref<32x1024xf32, #tpu.memory_space<vmem>>, vector<1x16xf32>,
      %get3A_1306 = vector.shape_cast %get3A_1305 : vector<1x16xf32> to vector<16xf32>
      %swap3A_1307 = arith.constant 31 : i32
      %swap3A_1308 = arith.index_cast %swap3A_1307 : i32 to index
      %swap3A_1309 = arith.constant 496 : index
      %swap3A_1310 = tpu.vector_load %arg7[%swap3A_1308, %swap3A_1309] {strides = array<i32>} : memref<32x1024xf32, #tpu.memory_space<vmem>>, vector<1x16xf32>,
      %swap3A_1311 = vector.shape_cast %swap3A_1310 : vector<1x16xf32> to vector<16xf32>
      %swap3A_1312 = vector.shape_cast %get3A_1306 : vector<16xf32> to vector<1x16xf32>
      tpu.vector_store %arg7[%swap3A_1308, %swap3A_1309], %swap3A_1312 {strides = array<i32>} : memref<32x1024xf32, #tpu.memory_space<vmem>>, vector<1x16xf32>,
      %get3A_1313 = arith.constant 30 : i32
      %get3A_1314 = arith.index_cast %get3A_1313 : i32 to index
      %get3A_1315 = arith.constant 512 : index
      %get3A_1316 = tpu.vector_load %arg7[%get3A_1314, %get3A_1315] {strides = array<i32>} : memref<32x1024xf32, #tpu.memory_space<vmem>>, vector<1x16xf32>,
      %get3A_1317 = vector.shape_cast %get3A_1316 : vector<1x16xf32> to vector<16xf32>
      %swap3A_1318 = arith.constant 31 : i32
      %swap3A_1319 = arith.index_cast %swap3A_1318 : i32 to index
      %swap3A_1320 = arith.constant 512 : index
      %swap3A_1321 = tpu.vector_load %arg7[%swap3A_1319, %swap3A_1320] {strides = array<i32>} : memref<32x1024xf32, #tpu.memory_space<vmem>>, vector<1x16xf32>,
      %swap3A_1322 = vector.shape_cast %swap3A_1321 : vector<1x16xf32> to vector<16xf32>
      %swap3A_1323 = vector.shape_cast %get3A_1317 : vector<16xf32> to vector<1x16xf32>
      tpu.vector_store %arg7[%swap3A_1319, %swap3A_1320], %swap3A_1323 {strides = array<i32>} : memref<32x1024xf32, #tpu.memory_space<vmem>>, vector<1x16xf32>,
      %get3A_1324 = arith.constant 30 : i32
      %get3A_1325 = arith.index_cast %get3A_1324 : i32 to index
      %get3A_1326 = arith.constant 528 : index
      %get3A_1327 = tpu.vector_load %arg7[%get3A_1325, %get3A_1326] {strides = array<i32>} : memref<32x1024xf32, #tpu.memory_space<vmem>>, vector<1x16xf32>,
      %get3A_1328 = vector.shape_cast %get3A_1327 : vector<1x16xf32> to vector<16xf32>
      %swap3A_1329 = arith.constant 31 : i32
      %swap3A_1330 = arith.index_cast %swap3A_1329 : i32 to index
      %swap3A_1331 = arith.constant 528 : index
      %swap3A_1332 = tpu.vector_load %arg7[%swap3A_1330, %swap3A_1331] {strides = array<i32>} : memref<32x1024xf32, #tpu.memory_space<vmem>>, vector<1x16xf32>,
      %swap3A_1333 = vector.shape_cast %swap3A_1332 : vector<1x16xf32> to vector<16xf32>
      %swap3A_1334 = vector.shape_cast %get3A_1328 : vector<16xf32> to vector<1x16xf32>
      tpu.vector_store %arg7[%swap3A_1330, %swap3A_1331], %swap3A_1334 {strides = array<i32>} : memref<32x1024xf32, #tpu.memory_space<vmem>>, vector<1x16xf32>,
      %get3A_1335 = arith.constant 30 : i32
      %get3A_1336 = arith.index_cast %get3A_1335 : i32 to index
      %get3A_1337 = arith.constant 544 : index
      %get3A_1338 = tpu.vector_load %arg7[%get3A_1336, %get3A_1337] {strides = array<i32>} : memref<32x1024xf32, #tpu.memory_space<vmem>>, vector<1x16xf32>,
      %get3A_1339 = vector.shape_cast %get3A_1338 : vector<1x16xf32> to vector<16xf32>
      %swap3A_1340 = arith.constant 31 : i32
      %swap3A_1341 = arith.index_cast %swap3A_1340 : i32 to index
      %swap3A_1342 = arith.constant 544 : index
      %swap3A_1343 = tpu.vector_load %arg7[%swap3A_1341, %swap3A_1342] {strides = array<i32>} : memref<32x1024xf32, #tpu.memory_space<vmem>>, vector<1x16xf32>,
      %swap3A_1344 = vector.shape_cast %swap3A_1343 : vector<1x16xf32> to vector<16xf32>
      %swap3A_1345 = vector.shape_cast %get3A_1339 : vector<16xf32> to vector<1x16xf32>
      tpu.vector_store %arg7[%swap3A_1341, %swap3A_1342], %swap3A_1345 {strides = array<i32>} : memref<32x1024xf32, #tpu.memory_space<vmem>>, vector<1x16xf32>,
      %get3A_1346 = arith.constant 30 : i32
      %get3A_1347 = arith.index_cast %get3A_1346 : i32 to index
      %get3A_1348 = arith.constant 560 : index
      %get3A_1349 = tpu.vector_load %arg7[%get3A_1347, %get3A_1348] {strides = array<i32>} : memref<32x1024xf32, #tpu.memory_space<vmem>>, vector<1x16xf32>,
      %get3A_1350 = vector.shape_cast %get3A_1349 : vector<1x16xf32> to vector<16xf32>
      %swap3A_1351 = arith.constant 31 : i32
      %swap3A_1352 = arith.index_cast %swap3A_1351 : i32 to index
      %swap3A_1353 = arith.constant 560 : index
      %swap3A_1354 = tpu.vector_load %arg7[%swap3A_1352, %swap3A_1353] {strides = array<i32>} : memref<32x1024xf32, #tpu.memory_space<vmem>>, vector<1x16xf32>,
      %swap3A_1355 = vector.shape_cast %swap3A_1354 : vector<1x16xf32> to vector<16xf32>
      %swap3A_1356 = vector.shape_cast %get3A_1350 : vector<16xf32> to vector<1x16xf32>
      tpu.vector_store %arg7[%swap3A_1352, %swap3A_1353], %swap3A_1356 {strides = array<i32>} : memref<32x1024xf32, #tpu.memory_space<vmem>>, vector<1x16xf32>,
      %get3A_1357 = arith.constant 30 : i32
      %get3A_1358 = arith.index_cast %get3A_1357 : i32 to index
      %get3A_1359 = arith.constant 576 : index
      %get3A_1360 = tpu.vector_load %arg7[%get3A_1358, %get3A_1359] {strides = array<i32>} : memref<32x1024xf32, #tpu.memory_space<vmem>>, vector<1x16xf32>,
      %get3A_1361 = vector.shape_cast %get3A_1360 : vector<1x16xf32> to vector<16xf32>
      %swap3A_1362 = arith.constant 31 : i32
      %swap3A_1363 = arith.index_cast %swap3A_1362 : i32 to index
      %swap3A_1364 = arith.constant 576 : index
      %swap3A_1365 = tpu.vector_load %arg7[%swap3A_1363, %swap3A_1364] {strides = array<i32>} : memref<32x1024xf32, #tpu.memory_space<vmem>>, vector<1x16xf32>,
      %swap3A_1366 = vector.shape_cast %swap3A_1365 : vector<1x16xf32> to vector<16xf32>
      %swap3A_1367 = vector.shape_cast %get3A_1361 : vector<16xf32> to vector<1x16xf32>
      tpu.vector_store %arg7[%swap3A_1363, %swap3A_1364], %swap3A_1367 {strides = array<i32>} : memref<32x1024xf32, #tpu.memory_space<vmem>>, vector<1x16xf32>,
      %get3A_1368 = arith.constant 30 : i32
      %get3A_1369 = arith.index_cast %get3A_1368 : i32 to index
      %get3A_1370 = arith.constant 592 : index
      %get3A_1371 = tpu.vector_load %arg7[%get3A_1369, %get3A_1370] {strides = array<i32>} : memref<32x1024xf32, #tpu.memory_space<vmem>>, vector<1x16xf32>,
      %get3A_1372 = vector.shape_cast %get3A_1371 : vector<1x16xf32> to vector<16xf32>
      %swap3A_1373 = arith.constant 31 : i32
      %swap3A_1374 = arith.index_cast %swap3A_1373 : i32 to index
      %swap3A_1375 = arith.constant 592 : index
      %swap3A_1376 = tpu.vector_load %arg7[%swap3A_1374, %swap3A_1375] {strides = array<i32>} : memref<32x1024xf32, #tpu.memory_space<vmem>>, vector<1x16xf32>,
      %swap3A_1377 = vector.shape_cast %swap3A_1376 : vector<1x16xf32> to vector<16xf32>
      %swap3A_1378 = vector.shape_cast %get3A_1372 : vector<16xf32> to vector<1x16xf32>
      tpu.vector_store %arg7[%swap3A_1374, %swap3A_1375], %swap3A_1378 {strides = array<i32>} : memref<32x1024xf32, #tpu.memory_space<vmem>>, vector<1x16xf32>,
      %get3A_1379 = arith.constant 30 : i32
      %get3A_1380 = arith.index_cast %get3A_1379 : i32 to index
      %get3A_1381 = arith.constant 608 : index
      %get3A_1382 = tpu.vector_load %arg7[%get3A_1380, %get3A_1381] {strides = array<i32>} : memref<32x1024xf32, #tpu.memory_space<vmem>>, vector<1x16xf32>,
      %get3A_1383 = vector.shape_cast %get3A_1382 : vector<1x16xf32> to vector<16xf32>
      %swap3A_1384 = arith.constant 31 : i32
      %swap3A_1385 = arith.index_cast %swap3A_1384 : i32 to index
      %swap3A_1386 = arith.constant 608 : index
      %swap3A_1387 = tpu.vector_load %arg7[%swap3A_1385, %swap3A_1386] {strides = array<i32>} : memref<32x1024xf32, #tpu.memory_space<vmem>>, vector<1x16xf32>,
      %swap3A_1388 = vector.shape_cast %swap3A_1387 : vector<1x16xf32> to vector<16xf32>
      %swap3A_1389 = vector.shape_cast %get3A_1383 : vector<16xf32> to vector<1x16xf32>
      tpu.vector_store %arg7[%swap3A_1385, %swap3A_1386], %swap3A_1389 {strides = array<i32>} : memref<32x1024xf32, #tpu.memory_space<vmem>>, vector<1x16xf32>,
      %get3A_1390 = arith.constant 30 : i32
      %get3A_1391 = arith.index_cast %get3A_1390 : i32 to index
      %get3A_1392 = arith.constant 624 : index
      %get3A_1393 = tpu.vector_load %arg7[%get3A_1391, %get3A_1392] {strides = array<i32>} : memref<32x1024xf32, #tpu.memory_space<vmem>>, vector<1x16xf32>,
      %get3A_1394 = vector.shape_cast %get3A_1393 : vector<1x16xf32> to vector<16xf32>
      %swap3A_1395 = arith.constant 31 : i32
      %swap3A_1396 = arith.index_cast %swap3A_1395 : i32 to index
      %swap3A_1397 = arith.constant 624 : index
      %swap3A_1398 = tpu.vector_load %arg7[%swap3A_1396, %swap3A_1397] {strides = array<i32>} : memref<32x1024xf32, #tpu.memory_space<vmem>>, vector<1x16xf32>,
      %swap3A_1399 = vector.shape_cast %swap3A_1398 : vector<1x16xf32> to vector<16xf32>
      %swap3A_1400 = vector.shape_cast %get3A_1394 : vector<16xf32> to vector<1x16xf32>
      tpu.vector_store %arg7[%swap3A_1396, %swap3A_1397], %swap3A_1400 {strides = array<i32>} : memref<32x1024xf32, #tpu.memory_space<vmem>>, vector<1x16xf32>,
      %get3A_1401 = arith.constant 30 : i32
      %get3A_1402 = arith.index_cast %get3A_1401 : i32 to index
      %get3A_1403 = arith.constant 640 : index
      %get3A_1404 = tpu.vector_load %arg7[%get3A_1402, %get3A_1403] {strides = array<i32>} : memref<32x1024xf32, #tpu.memory_space<vmem>>, vector<1x16xf32>,
      %get3A_1405 = vector.shape_cast %get3A_1404 : vector<1x16xf32> to vector<16xf32>
      %swap3A_1406 = arith.constant 31 : i32
      %swap3A_1407 = arith.index_cast %swap3A_1406 : i32 to index
      %swap3A_1408 = arith.constant 640 : index
      %swap3A_1409 = tpu.vector_load %arg7[%swap3A_1407, %swap3A_1408] {strides = array<i32>} : memref<32x1024xf32, #tpu.memory_space<vmem>>, vector<1x16xf32>,
      %swap3A_1410 = vector.shape_cast %swap3A_1409 : vector<1x16xf32> to vector<16xf32>
      %swap3A_1411 = vector.shape_cast %get3A_1405 : vector<16xf32> to vector<1x16xf32>
      tpu.vector_store %arg7[%swap3A_1407, %swap3A_1408], %swap3A_1411 {strides = array<i32>} : memref<32x1024xf32, #tpu.memory_space<vmem>>, vector<1x16xf32>,
      %get3A_1412 = arith.constant 30 : i32
      %get3A_1413 = arith.index_cast %get3A_1412 : i32 to index
      %get3A_1414 = arith.constant 656 : index
      %get3A_1415 = tpu.vector_load %arg7[%get3A_1413, %get3A_1414] {strides = array<i32>} : memref<32x1024xf32, #tpu.memory_space<vmem>>, vector<1x16xf32>,
      %get3A_1416 = vector.shape_cast %get3A_1415 : vector<1x16xf32> to vector<16xf32>
      %swap3A_1417 = arith.constant 31 : i32
      %swap3A_1418 = arith.index_cast %swap3A_1417 : i32 to index
      %swap3A_1419 = arith.constant 656 : index
      %swap3A_1420 = tpu.vector_load %arg7[%swap3A_1418, %swap3A_1419] {strides = array<i32>} : memref<32x1024xf32, #tpu.memory_space<vmem>>, vector<1x16xf32>,
      %swap3A_1421 = vector.shape_cast %swap3A_1420 : vector<1x16xf32> to vector<16xf32>
      %swap3A_1422 = vector.shape_cast %get3A_1416 : vector<16xf32> to vector<1x16xf32>
      tpu.vector_store %arg7[%swap3A_1418, %swap3A_1419], %swap3A_1422 {strides = array<i32>} : memref<32x1024xf32, #tpu.memory_space<vmem>>, vector<1x16xf32>,
      %get3A_1423 = arith.constant 30 : i32
      %get3A_1424 = arith.index_cast %get3A_1423 : i32 to index
      %get3A_1425 = arith.constant 672 : index
      %get3A_1426 = tpu.vector_load %arg7[%get3A_1424, %get3A_1425] {strides = array<i32>} : memref<32x1024xf32, #tpu.memory_space<vmem>>, vector<1x16xf32>,
      %get3A_1427 = vector.shape_cast %get3A_1426 : vector<1x16xf32> to vector<16xf32>
      %swap3A_1428 = arith.constant 31 : i32
      %swap3A_1429 = arith.index_cast %swap3A_1428 : i32 to index
      %swap3A_1430 = arith.constant 672 : index
      %swap3A_1431 = tpu.vector_load %arg7[%swap3A_1429, %swap3A_1430] {strides = array<i32>} : memref<32x1024xf32, #tpu.memory_space<vmem>>, vector<1x16xf32>,
      %swap3A_1432 = vector.shape_cast %swap3A_1431 : vector<1x16xf32> to vector<16xf32>
      %swap3A_1433 = vector.shape_cast %get3A_1427 : vector<16xf32> to vector<1x16xf32>
      tpu.vector_store %arg7[%swap3A_1429, %swap3A_1430], %swap3A_1433 {strides = array<i32>} : memref<32x1024xf32, #tpu.memory_space<vmem>>, vector<1x16xf32>,
      %get3A_1434 = arith.constant 30 : i32
      %get3A_1435 = arith.index_cast %get3A_1434 : i32 to index
      %get3A_1436 = arith.constant 688 : index
      %get3A_1437 = tpu.vector_load %arg7[%get3A_1435, %get3A_1436] {strides = array<i32>} : memref<32x1024xf32, #tpu.memory_space<vmem>>, vector<1x16xf32>,
      %get3A_1438 = vector.shape_cast %get3A_1437 : vector<1x16xf32> to vector<16xf32>
      %swap3A_1439 = arith.constant 31 : i32
      %swap3A_1440 = arith.index_cast %swap3A_1439 : i32 to index
      %swap3A_1441 = arith.constant 688 : index
      %swap3A_1442 = tpu.vector_load %arg7[%swap3A_1440, %swap3A_1441] {strides = array<i32>} : memref<32x1024xf32, #tpu.memory_space<vmem>>, vector<1x16xf32>,
      %swap3A_1443 = vector.shape_cast %swap3A_1442 : vector<1x16xf32> to vector<16xf32>
      %swap3A_1444 = vector.shape_cast %get3A_1438 : vector<16xf32> to vector<1x16xf32>
      tpu.vector_store %arg7[%swap3A_1440, %swap3A_1441], %swap3A_1444 {strides = array<i32>} : memref<32x1024xf32, #tpu.memory_space<vmem>>, vector<1x16xf32>,
      %get3A_1445 = arith.constant 30 : i32
      %get3A_1446 = arith.index_cast %get3A_1445 : i32 to index
      %get3A_1447 = arith.constant 704 : index
      %get3A_1448 = tpu.vector_load %arg7[%get3A_1446, %get3A_1447] {strides = array<i32>} : memref<32x1024xf32, #tpu.memory_space<vmem>>, vector<1x16xf32>,
      %get3A_1449 = vector.shape_cast %get3A_1448 : vector<1x16xf32> to vector<16xf32>
      %swap3A_1450 = arith.constant 31 : i32
      %swap3A_1451 = arith.index_cast %swap3A_1450 : i32 to index
      %swap3A_1452 = arith.constant 704 : index
      %swap3A_1453 = tpu.vector_load %arg7[%swap3A_1451, %swap3A_1452] {strides = array<i32>} : memref<32x1024xf32, #tpu.memory_space<vmem>>, vector<1x16xf32>,
      %swap3A_1454 = vector.shape_cast %swap3A_1453 : vector<1x16xf32> to vector<16xf32>
      %swap3A_1455 = vector.shape_cast %get3A_1449 : vector<16xf32> to vector<1x16xf32>
      tpu.vector_store %arg7[%swap3A_1451, %swap3A_1452], %swap3A_1455 {strides = array<i32>} : memref<32x1024xf32, #tpu.memory_space<vmem>>, vector<1x16xf32>,
      %get3A_1456 = arith.constant 30 : i32
      %get3A_1457 = arith.index_cast %get3A_1456 : i32 to index
      %get3A_1458 = arith.constant 720 : index
      %get3A_1459 = tpu.vector_load %arg7[%get3A_1457, %get3A_1458] {strides = array<i32>} : memref<32x1024xf32, #tpu.memory_space<vmem>>, vector<1x16xf32>,
      %get3A_1460 = vector.shape_cast %get3A_1459 : vector<1x16xf32> to vector<16xf32>
      %swap3A_1461 = arith.constant 31 : i32
      %swap3A_1462 = arith.index_cast %swap3A_1461 : i32 to index
      %swap3A_1463 = arith.constant 720 : index
      %swap3A_1464 = tpu.vector_load %arg7[%swap3A_1462, %swap3A_1463] {strides = array<i32>} : memref<32x1024xf32, #tpu.memory_space<vmem>>, vector<1x16xf32>,
      %swap3A_1465 = vector.shape_cast %swap3A_1464 : vector<1x16xf32> to vector<16xf32>
      %swap3A_1466 = vector.shape_cast %get3A_1460 : vector<16xf32> to vector<1x16xf32>
      tpu.vector_store %arg7[%swap3A_1462, %swap3A_1463], %swap3A_1466 {strides = array<i32>} : memref<32x1024xf32, #tpu.memory_space<vmem>>, vector<1x16xf32>,
      %get3A_1467 = arith.constant 30 : i32
      %get3A_1468 = arith.index_cast %get3A_1467 : i32 to index
      %get3A_1469 = arith.constant 736 : index
      %get3A_1470 = tpu.vector_load %arg7[%get3A_1468, %get3A_1469] {strides = array<i32>} : memref<32x1024xf32, #tpu.memory_space<vmem>>, vector<1x16xf32>,
      %get3A_1471 = vector.shape_cast %get3A_1470 : vector<1x16xf32> to vector<16xf32>
      %swap3A_1472 = arith.constant 31 : i32
      %swap3A_1473 = arith.index_cast %swap3A_1472 : i32 to index
      %swap3A_1474 = arith.constant 736 : index
      %swap3A_1475 = tpu.vector_load %arg7[%swap3A_1473, %swap3A_1474] {strides = array<i32>} : memref<32x1024xf32, #tpu.memory_space<vmem>>, vector<1x16xf32>,
      %swap3A_1476 = vector.shape_cast %swap3A_1475 : vector<1x16xf32> to vector<16xf32>
      %swap3A_1477 = vector.shape_cast %get3A_1471 : vector<16xf32> to vector<1x16xf32>
      tpu.vector_store %arg7[%swap3A_1473, %swap3A_1474], %swap3A_1477 {strides = array<i32>} : memref<32x1024xf32, #tpu.memory_space<vmem>>, vector<1x16xf32>,
      %get3A_1478 = arith.constant 30 : i32
      %get3A_1479 = arith.index_cast %get3A_1478 : i32 to index
      %get3A_1480 = arith.constant 752 : index
      %get3A_1481 = tpu.vector_load %arg7[%get3A_1479, %get3A_1480] {strides = array<i32>} : memref<32x1024xf32, #tpu.memory_space<vmem>>, vector<1x16xf32>,
      %get3A_1482 = vector.shape_cast %get3A_1481 : vector<1x16xf32> to vector<16xf32>
      %swap3A_1483 = arith.constant 31 : i32
      %swap3A_1484 = arith.index_cast %swap3A_1483 : i32 to index
      %swap3A_1485 = arith.constant 752 : index
      %swap3A_1486 = tpu.vector_load %arg7[%swap3A_1484, %swap3A_1485] {strides = array<i32>} : memref<32x1024xf32, #tpu.memory_space<vmem>>, vector<1x16xf32>,
      %swap3A_1487 = vector.shape_cast %swap3A_1486 : vector<1x16xf32> to vector<16xf32>
      %swap3A_1488 = vector.shape_cast %get3A_1482 : vector<16xf32> to vector<1x16xf32>
      tpu.vector_store %arg7[%swap3A_1484, %swap3A_1485], %swap3A_1488 {strides = array<i32>} : memref<32x1024xf32, #tpu.memory_space<vmem>>, vector<1x16xf32>,
      %get3A_1489 = arith.constant 30 : i32
      %get3A_1490 = arith.index_cast %get3A_1489 : i32 to index
      %get3A_1491 = arith.constant 768 : index
      %get3A_1492 = tpu.vector_load %arg7[%get3A_1490, %get3A_1491] {strides = array<i32>} : memref<32x1024xf32, #tpu.memory_space<vmem>>, vector<1x16xf32>,
      %get3A_1493 = vector.shape_cast %get3A_1492 : vector<1x16xf32> to vector<16xf32>
      %swap3A_1494 = arith.constant 31 : i32
      %swap3A_1495 = arith.index_cast %swap3A_1494 : i32 to index
      %swap3A_1496 = arith.constant 768 : index
      %swap3A_1497 = tpu.vector_load %arg7[%swap3A_1495, %swap3A_1496] {strides = array<i32>} : memref<32x1024xf32, #tpu.memory_space<vmem>>, vector<1x16xf32>,
      %swap3A_1498 = vector.shape_cast %swap3A_1497 : vector<1x16xf32> to vector<16xf32>
      %swap3A_1499 = vector.shape_cast %get3A_1493 : vector<16xf32> to vector<1x16xf32>
      tpu.vector_store %arg7[%swap3A_1495, %swap3A_1496], %swap3A_1499 {strides = array<i32>} : memref<32x1024xf32, #tpu.memory_space<vmem>>, vector<1x16xf32>,
      %get3A_1500 = arith.constant 30 : i32
      %get3A_1501 = arith.index_cast %get3A_1500 : i32 to index
      %get3A_1502 = arith.constant 784 : index
      %get3A_1503 = tpu.vector_load %arg7[%get3A_1501, %get3A_1502] {strides = array<i32>} : memref<32x1024xf32, #tpu.memory_space<vmem>>, vector<1x16xf32>,
      %get3A_1504 = vector.shape_cast %get3A_1503 : vector<1x16xf32> to vector<16xf32>
      %swap3A_1505 = arith.constant 31 : i32
      %swap3A_1506 = arith.index_cast %swap3A_1505 : i32 to index
      %swap3A_1507 = arith.constant 784 : index
      %swap3A_1508 = tpu.vector_load %arg7[%swap3A_1506, %swap3A_1507] {strides = array<i32>} : memref<32x1024xf32, #tpu.memory_space<vmem>>, vector<1x16xf32>,
      %swap3A_1509 = vector.shape_cast %swap3A_1508 : vector<1x16xf32> to vector<16xf32>
      %swap3A_1510 = vector.shape_cast %get3A_1504 : vector<16xf32> to vector<1x16xf32>
      tpu.vector_store %arg7[%swap3A_1506, %swap3A_1507], %swap3A_1510 {strides = array<i32>} : memref<32x1024xf32, #tpu.memory_space<vmem>>, vector<1x16xf32>,
      %get3A_1511 = arith.constant 30 : i32
      %get3A_1512 = arith.index_cast %get3A_1511 : i32 to index
      %get3A_1513 = arith.constant 800 : index
      %get3A_1514 = tpu.vector_load %arg7[%get3A_1512, %get3A_1513] {strides = array<i32>} : memref<32x1024xf32, #tpu.memory_space<vmem>>, vector<1x16xf32>,
      %get3A_1515 = vector.shape_cast %get3A_1514 : vector<1x16xf32> to vector<16xf32>
      %swap3A_1516 = arith.constant 31 : i32
      %swap3A_1517 = arith.index_cast %swap3A_1516 : i32 to index
      %swap3A_1518 = arith.constant 800 : index
      %swap3A_1519 = tpu.vector_load %arg7[%swap3A_1517, %swap3A_1518] {strides = array<i32>} : memref<32x1024xf32, #tpu.memory_space<vmem>>, vector<1x16xf32>,
      %swap3A_1520 = vector.shape_cast %swap3A_1519 : vector<1x16xf32> to vector<16xf32>
      %swap3A_1521 = vector.shape_cast %get3A_1515 : vector<16xf32> to vector<1x16xf32>
      tpu.vector_store %arg7[%swap3A_1517, %swap3A_1518], %swap3A_1521 {strides = array<i32>} : memref<32x1024xf32, #tpu.memory_space<vmem>>, vector<1x16xf32>,
      %get3A_1522 = arith.constant 30 : i32
      %get3A_1523 = arith.index_cast %get3A_1522 : i32 to index
      %get3A_1524 = arith.constant 816 : index
      %get3A_1525 = tpu.vector_load %arg7[%get3A_1523, %get3A_1524] {strides = array<i32>} : memref<32x1024xf32, #tpu.memory_space<vmem>>, vector<1x16xf32>,
      %get3A_1526 = vector.shape_cast %get3A_1525 : vector<1x16xf32> to vector<16xf32>
      %swap3A_1527 = arith.constant 31 : i32
      %swap3A_1528 = arith.index_cast %swap3A_1527 : i32 to index
      %swap3A_1529 = arith.constant 816 : index
      %swap3A_1530 = tpu.vector_load %arg7[%swap3A_1528, %swap3A_1529] {strides = array<i32>} : memref<32x1024xf32, #tpu.memory_space<vmem>>, vector<1x16xf32>,
      %swap3A_1531 = vector.shape_cast %swap3A_1530 : vector<1x16xf32> to vector<16xf32>
      %swap3A_1532 = vector.shape_cast %get3A_1526 : vector<16xf32> to vector<1x16xf32>
      tpu.vector_store %arg7[%swap3A_1528, %swap3A_1529], %swap3A_1532 {strides = array<i32>} : memref<32x1024xf32, #tpu.memory_space<vmem>>, vector<1x16xf32>,
      %get3A_1533 = arith.constant 30 : i32
      %get3A_1534 = arith.index_cast %get3A_1533 : i32 to index
      %get3A_1535 = arith.constant 832 : index
      %get3A_1536 = tpu.vector_load %arg7[%get3A_1534, %get3A_1535] {strides = array<i32>} : memref<32x1024xf32, #tpu.memory_space<vmem>>, vector<1x16xf32>,
      %get3A_1537 = vector.shape_cast %get3A_1536 : vector<1x16xf32> to vector<16xf32>
      %swap3A_1538 = arith.constant 31 : i32
      %swap3A_1539 = arith.index_cast %swap3A_1538 : i32 to index
      %swap3A_1540 = arith.constant 832 : index
      %swap3A_1541 = tpu.vector_load %arg7[%swap3A_1539, %swap3A_1540] {strides = array<i32>} : memref<32x1024xf32, #tpu.memory_space<vmem>>, vector<1x16xf32>,
      %swap3A_1542 = vector.shape_cast %swap3A_1541 : vector<1x16xf32> to vector<16xf32>
      %swap3A_1543 = vector.shape_cast %get3A_1537 : vector<16xf32> to vector<1x16xf32>
      tpu.vector_store %arg7[%swap3A_1539, %swap3A_1540], %swap3A_1543 {strides = array<i32>} : memref<32x1024xf32, #tpu.memory_space<vmem>>, vector<1x16xf32>,
      %get3A_1544 = arith.constant 30 : i32
      %get3A_1545 = arith.index_cast %get3A_1544 : i32 to index
      %get3A_1546 = arith.constant 848 : index
      %get3A_1547 = tpu.vector_load %arg7[%get3A_1545, %get3A_1546] {strides = array<i32>} : memref<32x1024xf32, #tpu.memory_space<vmem>>, vector<1x16xf32>,
      %get3A_1548 = vector.shape_cast %get3A_1547 : vector<1x16xf32> to vector<16xf32>
      %swap3A_1549 = arith.constant 31 : i32
      %swap3A_1550 = arith.index_cast %swap3A_1549 : i32 to index
      %swap3A_1551 = arith.constant 848 : index
      %swap3A_1552 = tpu.vector_load %arg7[%swap3A_1550, %swap3A_1551] {strides = array<i32>} : memref<32x1024xf32, #tpu.memory_space<vmem>>, vector<1x16xf32>,
      %swap3A_1553 = vector.shape_cast %swap3A_1552 : vector<1x16xf32> to vector<16xf32>
      %swap3A_1554 = vector.shape_cast %get3A_1548 : vector<16xf32> to vector<1x16xf32>
      tpu.vector_store %arg7[%swap3A_1550, %swap3A_1551], %swap3A_1554 {strides = array<i32>} : memref<32x1024xf32, #tpu.memory_space<vmem>>, vector<1x16xf32>,
      %get3A_1555 = arith.constant 30 : i32
      %get3A_1556 = arith.index_cast %get3A_1555 : i32 to index
      %get3A_1557 = arith.constant 864 : index
      %get3A_1558 = tpu.vector_load %arg7[%get3A_1556, %get3A_1557] {strides = array<i32>} : memref<32x1024xf32, #tpu.memory_space<vmem>>, vector<1x16xf32>,
      %get3A_1559 = vector.shape_cast %get3A_1558 : vector<1x16xf32> to vector<16xf32>
      %swap3A_1560 = arith.constant 31 : i32
      %swap3A_1561 = arith.index_cast %swap3A_1560 : i32 to index
      %swap3A_1562 = arith.constant 864 : index
      %swap3A_1563 = tpu.vector_load %arg7[%swap3A_1561, %swap3A_1562] {strides = array<i32>} : memref<32x1024xf32, #tpu.memory_space<vmem>>, vector<1x16xf32>,
      %swap3A_1564 = vector.shape_cast %swap3A_1563 : vector<1x16xf32> to vector<16xf32>
      %swap3A_1565 = vector.shape_cast %get3A_1559 : vector<16xf32> to vector<1x16xf32>
      tpu.vector_store %arg7[%swap3A_1561, %swap3A_1562], %swap3A_1565 {strides = array<i32>} : memref<32x1024xf32, #tpu.memory_space<vmem>>, vector<1x16xf32>,
      %get3A_1566 = arith.constant 30 : i32
      %get3A_1567 = arith.index_cast %get3A_1566 : i32 to index
      %get3A_1568 = arith.constant 880 : index
      %get3A_1569 = tpu.vector_load %arg7[%get3A_1567, %get3A_1568] {strides = array<i32>} : memref<32x1024xf32, #tpu.memory_space<vmem>>, vector<1x16xf32>,
      %get3A_1570 = vector.shape_cast %get3A_1569 : vector<1x16xf32> to vector<16xf32>
      %swap3A_1571 = arith.constant 31 : i32
      %swap3A_1572 = arith.index_cast %swap3A_1571 : i32 to index
      %swap3A_1573 = arith.constant 880 : index
      %swap3A_1574 = tpu.vector_load %arg7[%swap3A_1572, %swap3A_1573] {strides = array<i32>} : memref<32x1024xf32, #tpu.memory_space<vmem>>, vector<1x16xf32>,
      %swap3A_1575 = vector.shape_cast %swap3A_1574 : vector<1x16xf32> to vector<16xf32>
      %swap3A_1576 = vector.shape_cast %get3A_1570 : vector<16xf32> to vector<1x16xf32>
      tpu.vector_store %arg7[%swap3A_1572, %swap3A_1573], %swap3A_1576 {strides = array<i32>} : memref<32x1024xf32, #tpu.memory_space<vmem>>, vector<1x16xf32>,
      %get3A_1577 = arith.constant 30 : i32
      %get3A_1578 = arith.index_cast %get3A_1577 : i32 to index
      %get3A_1579 = arith.constant 896 : index
      %get3A_1580 = tpu.vector_load %arg7[%get3A_1578, %get3A_1579] {strides = array<i32>} : memref<32x1024xf32, #tpu.memory_space<vmem>>, vector<1x16xf32>,
      %get3A_1581 = vector.shape_cast %get3A_1580 : vector<1x16xf32> to vector<16xf32>
      %swap3A_1582 = arith.constant 31 : i32
      %swap3A_1583 = arith.index_cast %swap3A_1582 : i32 to index
      %swap3A_1584 = arith.constant 896 : index
      %swap3A_1585 = tpu.vector_load %arg7[%swap3A_1583, %swap3A_1584] {strides = array<i32>} : memref<32x1024xf32, #tpu.memory_space<vmem>>, vector<1x16xf32>,
      %swap3A_1586 = vector.shape_cast %swap3A_1585 : vector<1x16xf32> to vector<16xf32>
      %swap3A_1587 = vector.shape_cast %get3A_1581 : vector<16xf32> to vector<1x16xf32>
      tpu.vector_store %arg7[%swap3A_1583, %swap3A_1584], %swap3A_1587 {strides = array<i32>} : memref<32x1024xf32, #tpu.memory_space<vmem>>, vector<1x16xf32>,
      %get3A_1588 = arith.constant 30 : i32
      %get3A_1589 = arith.index_cast %get3A_1588 : i32 to index
      %get3A_1590 = arith.constant 912 : index
      %get3A_1591 = tpu.vector_load %arg7[%get3A_1589, %get3A_1590] {strides = array<i32>} : memref<32x1024xf32, #tpu.memory_space<vmem>>, vector<1x16xf32>,
      %get3A_1592 = vector.shape_cast %get3A_1591 : vector<1x16xf32> to vector<16xf32>
      %swap3A_1593 = arith.constant 31 : i32
      %swap3A_1594 = arith.index_cast %swap3A_1593 : i32 to index
      %swap3A_1595 = arith.constant 912 : index
      %swap3A_1596 = tpu.vector_load %arg7[%swap3A_1594, %swap3A_1595] {strides = array<i32>} : memref<32x1024xf32, #tpu.memory_space<vmem>>, vector<1x16xf32>,
      %swap3A_1597 = vector.shape_cast %swap3A_1596 : vector<1x16xf32> to vector<16xf32>
      %swap3A_1598 = vector.shape_cast %get3A_1592 : vector<16xf32> to vector<1x16xf32>
      tpu.vector_store %arg7[%swap3A_1594, %swap3A_1595], %swap3A_1598 {strides = array<i32>} : memref<32x1024xf32, #tpu.memory_space<vmem>>, vector<1x16xf32>,
      %get3A_1599 = arith.constant 30 : i32
      %get3A_1600 = arith.index_cast %get3A_1599 : i32 to index
      %get3A_1601 = arith.constant 928 : index
      %get3A_1602 = tpu.vector_load %arg7[%get3A_1600, %get3A_1601] {strides = array<i32>} : memref<32x1024xf32, #tpu.memory_space<vmem>>, vector<1x16xf32>,
      %get3A_1603 = vector.shape_cast %get3A_1602 : vector<1x16xf32> to vector<16xf32>
      %swap3A_1604 = arith.constant 31 : i32
      %swap3A_1605 = arith.index_cast %swap3A_1604 : i32 to index
      %swap3A_1606 = arith.constant 928 : index
      %swap3A_1607 = tpu.vector_load %arg7[%swap3A_1605, %swap3A_1606] {strides = array<i32>} : memref<32x1024xf32, #tpu.memory_space<vmem>>, vector<1x16xf32>,
      %swap3A_1608 = vector.shape_cast %swap3A_1607 : vector<1x16xf32> to vector<16xf32>
      %swap3A_1609 = vector.shape_cast %get3A_1603 : vector<16xf32> to vector<1x16xf32>
      tpu.vector_store %arg7[%swap3A_1605, %swap3A_1606], %swap3A_1609 {strides = array<i32>} : memref<32x1024xf32, #tpu.memory_space<vmem>>, vector<1x16xf32>,
      %get3A_1610 = arith.constant 30 : i32
      %get3A_1611 = arith.index_cast %get3A_1610 : i32 to index
      %get3A_1612 = arith.constant 944 : index
      %get3A_1613 = tpu.vector_load %arg7[%get3A_1611, %get3A_1612] {strides = array<i32>} : memref<32x1024xf32, #tpu.memory_space<vmem>>, vector<1x16xf32>,
      %get3A_1614 = vector.shape_cast %get3A_1613 : vector<1x16xf32> to vector<16xf32>
      %swap3A_1615 = arith.constant 31 : i32
      %swap3A_1616 = arith.index_cast %swap3A_1615 : i32 to index
      %swap3A_1617 = arith.constant 944 : index
      %swap3A_1618 = tpu.vector_load %arg7[%swap3A_1616, %swap3A_1617] {strides = array<i32>} : memref<32x1024xf32, #tpu.memory_space<vmem>>, vector<1x16xf32>,
      %swap3A_1619 = vector.shape_cast %swap3A_1618 : vector<1x16xf32> to vector<16xf32>
      %swap3A_1620 = vector.shape_cast %get3A_1614 : vector<16xf32> to vector<1x16xf32>
      tpu.vector_store %arg7[%swap3A_1616, %swap3A_1617], %swap3A_1620 {strides = array<i32>} : memref<32x1024xf32, #tpu.memory_space<vmem>>, vector<1x16xf32>,
      %get3A_1621 = arith.constant 30 : i32
      %get3A_1622 = arith.index_cast %get3A_1621 : i32 to index
      %get3A_1623 = arith.constant 960 : index
      %get3A_1624 = tpu.vector_load %arg7[%get3A_1622, %get3A_1623] {strides = array<i32>} : memref<32x1024xf32, #tpu.memory_space<vmem>>, vector<1x16xf32>,
      %get3A_1625 = vector.shape_cast %get3A_1624 : vector<1x16xf32> to vector<16xf32>
      %swap3A_1626 = arith.constant 31 : i32
      %swap3A_1627 = arith.index_cast %swap3A_1626 : i32 to index
      %swap3A_1628 = arith.constant 960 : index
      %swap3A_1629 = tpu.vector_load %arg7[%swap3A_1627, %swap3A_1628] {strides = array<i32>} : memref<32x1024xf32, #tpu.memory_space<vmem>>, vector<1x16xf32>,
      %swap3A_1630 = vector.shape_cast %swap3A_1629 : vector<1x16xf32> to vector<16xf32>
      %swap3A_1631 = vector.shape_cast %get3A_1625 : vector<16xf32> to vector<1x16xf32>
      tpu.vector_store %arg7[%swap3A_1627, %swap3A_1628], %swap3A_1631 {strides = array<i32>} : memref<32x1024xf32, #tpu.memory_space<vmem>>, vector<1x16xf32>,
      %get3A_1632 = arith.constant 30 : i32
      %get3A_1633 = arith.index_cast %get3A_1632 : i32 to index
      %get3A_1634 = arith.constant 976 : index
      %get3A_1635 = tpu.vector_load %arg7[%get3A_1633, %get3A_1634] {strides = array<i32>} : memref<32x1024xf32, #tpu.memory_space<vmem>>, vector<1x16xf32>,
      %get3A_1636 = vector.shape_cast %get3A_1635 : vector<1x16xf32> to vector<16xf32>
      %swap3A_1637 = arith.constant 31 : i32
      %swap3A_1638 = arith.index_cast %swap3A_1637 : i32 to index
      %swap3A_1639 = arith.constant 976 : index
      %swap3A_1640 = tpu.vector_load %arg7[%swap3A_1638, %swap3A_1639] {strides = array<i32>} : memref<32x1024xf32, #tpu.memory_space<vmem>>, vector<1x16xf32>,
      %swap3A_1641 = vector.shape_cast %swap3A_1640 : vector<1x16xf32> to vector<16xf32>
      %swap3A_1642 = vector.shape_cast %get3A_1636 : vector<16xf32> to vector<1x16xf32>
      tpu.vector_store %arg7[%swap3A_1638, %swap3A_1639], %swap3A_1642 {strides = array<i32>} : memref<32x1024xf32, #tpu.memory_space<vmem>>, vector<1x16xf32>,
      %get3A_1643 = arith.constant 30 : i32
      %get3A_1644 = arith.index_cast %get3A_1643 : i32 to index
      %get3A_1645 = arith.constant 992 : index
      %get3A_1646 = tpu.vector_load %arg7[%get3A_1644, %get3A_1645] {strides = array<i32>} : memref<32x1024xf32, #tpu.memory_space<vmem>>, vector<1x16xf32>,
      %get3A_1647 = vector.shape_cast %get3A_1646 : vector<1x16xf32> to vector<16xf32>
      %swap3A_1648 = arith.constant 31 : i32
      %swap3A_1649 = arith.index_cast %swap3A_1648 : i32 to index
      %swap3A_1650 = arith.constant 992 : index
      %swap3A_1651 = tpu.vector_load %arg7[%swap3A_1649, %swap3A_1650] {strides = array<i32>} : memref<32x1024xf32, #tpu.memory_space<vmem>>, vector<1x16xf32>,
      %swap3A_1652 = vector.shape_cast %swap3A_1651 : vector<1x16xf32> to vector<16xf32>
      %swap3A_1653 = vector.shape_cast %get3A_1647 : vector<16xf32> to vector<1x16xf32>
      tpu.vector_store %arg7[%swap3A_1649, %swap3A_1650], %swap3A_1653 {strides = array<i32>} : memref<32x1024xf32, #tpu.memory_space<vmem>>, vector<1x16xf32>,
      %get3A_1654 = arith.constant 30 : i32
      %get3A_1655 = arith.index_cast %get3A_1654 : i32 to index
      %get3A_1656 = arith.constant 1008 : index
      %get3A_1657 = tpu.vector_load %arg7[%get3A_1655, %get3A_1656] {strides = array<i32>} : memref<32x1024xf32, #tpu.memory_space<vmem>>, vector<1x16xf32>,
      %get3A_1658 = vector.shape_cast %get3A_1657 : vector<1x16xf32> to vector<16xf32>
      %swap3A_1659 = arith.constant 31 : i32
      %swap3A_1660 = arith.index_cast %swap3A_1659 : i32 to index
      %swap3A_1661 = arith.constant 1008 : index
      %swap3A_1662 = tpu.vector_load %arg7[%swap3A_1660, %swap3A_1661] {strides = array<i32>} : memref<32x1024xf32, #tpu.memory_space<vmem>>, vector<1x16xf32>,
      %swap3A_1663 = vector.shape_cast %swap3A_1662 : vector<1x16xf32> to vector<16xf32>
      %swap3A_1664 = vector.shape_cast %get3A_1658 : vector<16xf32> to vector<1x16xf32>
      tpu.vector_store %arg7[%swap3A_1660, %swap3A_1661], %swap3A_1664 {strides = array<i32>} : memref<32x1024xf32, #tpu.memory_space<vmem>>, vector<1x16xf32>,
      %add3A_1665 = arith.constant 480 : i32
      %add3A_1666 = arith.addi %mul3A_2, %add3A_1665 : i32
      "tpu.region"() ({
        %run_scoped3A = tpu.sem_alloc : memref<!tpu.dma_semaphore, #tpu.memory_space<semaphore_mem>>
        %dma_start3A_1673 = arith.constant 0 : i32
        %dma_start3A_1674 = arith.constant 0 : i32
        %dma_start3A_1675 = tpu.memref_slice %arg7[%dma_start3A_1673, %dma_start3A_1674] : memref<32x1024xf32, #tpu.memory_space<vmem>> -> memref<24x1024xf32, #tpu.memory_space<vmem>>
        %dma_start3A_1676 = arith.constant 0 : i32
        %dma_start3A_1677 = tpu.memref_slice %arg4[%add3A_1666, %dma_start3A_1676] : memref<16383x1024xf32, #tpu.memory_space<hbm>> -> memref<24x1024xf32, #tpu.memory_space<hbm>>
        %dma_start3A_1678 = arith.constant 0 : i32
        %dma_start3A_1679 = tpu.memref_slice %arg4[%add3A_1666, %dma_start3A_1678] : memref<16383x1024xf32, #tpu.memory_space<hbm>> -> memref<24x1024xf32, #tpu.memory_space<hbm>>
        %dma_start3A_1680 = arith.constant 0 : i32
        %dma_start3A_1681 = arith.constant 0 : i32
        %dma_start3A_1682 = tpu.memref_slice %arg7[%dma_start3A_1680, %dma_start3A_1681] : memref<32x1024xf32, #tpu.memory_space<vmem>> -> memref<24x1024xf32, #tpu.memory_space<vmem>>
        tpu.enqueue_dma source(%dma_start3A_1682 : memref<24x1024xf32, #tpu.memory_space<vmem>>) target(%dma_start3A_1679 : memref<24x1024xf32, #tpu.memory_space<hbm>>) target_semaphore(%run_scoped3A : memref<!tpu.dma_semaphore, #tpu.memory_space<semaphore_mem>>)
        %dma_wait3A_1683 = arith.constant 0 : i32
        %dma_wait3A_1684 = arith.constant 0 : i32
        %dma_wait3A_1685 = tpu.memref_slice %arg7[%dma_wait3A_1683, %dma_wait3A_1684] : memref<32x1024xf32, #tpu.memory_space<vmem>> -> memref<24x1024xf32, #tpu.memory_space<vmem>>
        %dma_wait3A_1686 = arith.constant 0 : i32
        %dma_wait3A_1687 = tpu.memref_slice %arg4[%add3A_1666, %dma_wait3A_1686] : memref<16383x1024xf32, #tpu.memory_space<hbm>> -> memref<24x1024xf32, #tpu.memory_space<hbm>>
        %dma_wait3A_1688 = arith.constant 0 : i32
        %dma_wait3A_1689 = tpu.memref_slice %arg4[%add3A_1666, %dma_wait3A_1688] : memref<16383x1024xf32, #tpu.memory_space<hbm>> -> memref<24x1024xf32, #tpu.memory_space<hbm>>
        %dma_wait3A_1690 = arith.constant 0 : i32
        %dma_wait3A_1691 = arith.constant 0 : i32
        %dma_wait3A_1692 = tpu.memref_slice %arg7[%dma_wait3A_1690, %dma_wait3A_1691] : memref<32x1024xf32, #tpu.memory_space<vmem>> -> memref<24x1024xf32, #tpu.memory_space<vmem>>
        tpu.wait_dma2 semaphore(%run_scoped3A : memref<!tpu.dma_semaphore, #tpu.memory_space<semaphore_mem>>) src(%dma_wait3A_1692 : memref<24x1024xf32, #tpu.memory_space<vmem>>) dst(%dma_wait3A_1689 : memref<24x1024xf32, #tpu.memory_space<hbm>>)
        tpu.yield
      }) : () -> ()
      %add3A_1667 = arith.constant 16368 : i32
      %add3A_1668 = vector.broadcast %add3A_1667 : i32 to vector<16xi32>
      %add3A_1669 = arith.addi %add3A_1668, %iota3A : vector<16xi32>
      %min3A_1670 = arith.constant 16382 : i32
      %min3A_1671 = vector.broadcast %min3A_1670 : i32 to vector<16xi32>
      %min3A_1672 = arith.minsi %add3A_1669, %min3A_1671 : vector<16xi32>
      "tpu.region"() ({
        %run_scoped3A = tpu.sem_alloc : memref<!tpu.dma_semaphore, #tpu.memory_space<semaphore_mem>>
        %dma_start3A_1673 = arith.constant 16 : i32
        %dma_start3A_1674 = arith.constant 0 : i32
        %dma_start3A_1675 = tpu.memref_slice %arg7[%dma_start3A_1673, %dma_start3A_1674] : memref<32x1024xf32, #tpu.memory_space<vmem>> -> memref<16x1024xf32, #tpu.memory_space<vmem>>
        %dma_start3A_1676 = arith.constant 0 : i32
        %dma_start3A_1677 = arith.constant 0 : i32
        %dma_start3A_1678 = tpu.memref_slice %arg4[%dma_start3A_1676, %dma_start3A_1677] : memref<16383x1024xf32, #tpu.memory_space<hbm>> -> memref<16383x1024xf32, #tpu.memory_space<hbm>>
        tpu.enqueue_indirect_dma source(%dma_start3A_1675 : memref<16x1024xf32, #tpu.memory_space<vmem>>) target(%dma_start3A_1678 : memref<16383x1024xf32, #tpu.memory_space<hbm>>) offsets(%min3A_1672 : vector<16xi32>) semaphore(%run_scoped3A : memref<!tpu.dma_semaphore, #tpu.memory_space<semaphore_mem>>)
        %dma_wait3A_1679 = arith.constant 16 : i32
        %dma_wait3A_1680 = arith.constant 0 : i32
        %dma_wait3A_1681 = tpu.memref_slice %arg7[%dma_wait3A_1679, %dma_wait3A_1680] : memref<32x1024xf32, #tpu.memory_space<vmem>> -> memref<16x1024xf32, #tpu.memory_space<vmem>>
        %dma_wait3A_1682 = arith.constant 0 : i32
        %dma_wait3A_1683 = arith.constant 0 : i32
        %dma_wait3A_1684 = tpu.memref_slice %arg4[%dma_wait3A_1682, %dma_wait3A_1683] : memref<16383x1024xf32, #tpu.memory_space<hbm>> -> memref<16383x1024xf32, #tpu.memory_space<hbm>>
        tpu.wait_indirect_dma semaphore(%run_scoped3A : memref<!tpu.dma_semaphore, #tpu.memory_space<semaphore_mem>>) src(%dma_wait3A_1681 : memref<16x1024xf32, #tpu.memory_space<vmem>>) dst(%dma_wait3A_1684 : memref<16383x1024xf32, #tpu.memory_space<hbm>>)
        tpu.yield
      }) : () -> ()
    } else {
    }
    %not3A_948 = arith.constant true
    %not3A_949 = arith.xori %eq3A_3, %not3A_948 : i1
    %convert_element_type3A_950 = arith.extui %not3A_949 : i1 to i32
    %cond3A_951 = arith.constant 0 : i32
    %cond3A_952 = arith.cmpi ne, %convert_element_type3A_950, %cond3A_951 : i32
    scf.if %cond3A_952 {
      %add3A_961 = arith.constant 480 : i32
      %add3A_962 = arith.addi %mul3A_2, %add3A_961 : i32
      "tpu.region"() ({
        %run_scoped3A = tpu.sem_alloc : memref<!tpu.dma_semaphore, #tpu.memory_space<semaphore_mem>>
        %dma_start3A_963 = arith.constant 0 : i32
        %dma_start3A_964 = tpu.memref_slice %arg4[%add3A_962, %dma_start3A_963] : memref<16383x1024xf32, #tpu.memory_space<hbm>> -> memref<32x1024xf32, #tpu.memory_space<hbm>>
        %dma_start3A_965 = arith.constant 0 : i32
        %dma_start3A_966 = tpu.memref_slice %arg4[%add3A_962, %dma_start3A_965] : memref<16383x1024xf32, #tpu.memory_space<hbm>> -> memref<32x1024xf32, #tpu.memory_space<hbm>>
        tpu.enqueue_dma source(%arg7 : memref<32x1024xf32, #tpu.memory_space<vmem>>) target(%dma_start3A_966 : memref<32x1024xf32, #tpu.memory_space<hbm>>) target_semaphore(%run_scoped3A : memref<!tpu.dma_semaphore, #tpu.memory_space<semaphore_mem>>)
        %dma_wait3A_967 = arith.constant 0 : i32
        %dma_wait3A_968 = tpu.memref_slice %arg4[%add3A_962, %dma_wait3A_967] : memref<16383x1024xf32, #tpu.memory_space<hbm>> -> memref<32x1024xf32, #tpu.memory_space<hbm>>
        %dma_wait3A_969 = arith.constant 0 : i32
        %dma_wait3A_970 = tpu.memref_slice %arg4[%add3A_962, %dma_wait3A_969] : memref<16383x1024xf32, #tpu.memory_space<hbm>> -> memref<32x1024xf32, #tpu.memory_space<hbm>>
        tpu.wait_dma2 semaphore(%run_scoped3A : memref<!tpu.dma_semaphore, #tpu.memory_space<semaphore_mem>>) src(%arg7 : memref<32x1024xf32, #tpu.memory_space<vmem>>) dst(%dma_wait3A_970 : memref<32x1024xf32, #tpu.memory_space<hbm>>)
        tpu.yield
      }) : () -> ()
    } else {
    }
    %dma_wait3A_953 = arith.constant 0 : i32
    %dma_wait3A_954 = tpu.memref_slice %arg4[%add3A_909, %dma_wait3A_953] : memref<16383x1024xf32, #tpu.memory_space<hbm>> -> memref<32x1024xf32, #tpu.memory_space<hbm>>
    %dma_wait3A_955 = arith.constant 0 : i32
    %dma_wait3A_956 = tpu.memref_slice %arg4[%add3A_909, %dma_wait3A_955] : memref<16383x1024xf32, #tpu.memory_space<hbm>> -> memref<32x1024xf32, #tpu.memory_space<hbm>>
    tpu.wait_dma2 semaphore(%arg14 : memref<!tpu.dma_semaphore, #tpu.memory_space<semaphore_mem>>) src(%arg8 : memref<32x1024xf32, #tpu.memory_space<vmem>>) dst(%dma_wait3A_956 : memref<32x1024xf32, #tpu.memory_space<hbm>>)
    %dma_wait3A_957 = arith.constant 0 : i32
    %dma_wait3A_958 = tpu.memref_slice %arg4[%add3A_933, %dma_wait3A_957] : memref<16383x1024xf32, #tpu.memory_space<hbm>> -> memref<32x1024xf32, #tpu.memory_space<hbm>>
    %dma_wait3A_959 = arith.constant 0 : i32
    %dma_wait3A_960 = tpu.memref_slice %arg4[%add3A_933, %dma_wait3A_959] : memref<16383x1024xf32, #tpu.memory_space<hbm>> -> memref<32x1024xf32, #tpu.memory_space<hbm>>
    tpu.wait_dma2 semaphore(%arg15 : memref<!tpu.dma_semaphore, #tpu.memory_space<semaphore_mem>>) src(%arg9 : memref<32x1024xf32, #tpu.memory_space<vmem>>) dst(%dma_wait3A_960 : memref<32x1024xf32, #tpu.memory_space<hbm>>)
    return
  }
}

</mosaic_0001>

<sc_bundles>
// kernel: kernel.3.cloned.1.call-start
scs
__scs_entry_jumppad:
0x0: {  	(pc) =	sbr.rel $0x88, $3  }
0x1: {  	(tag) =	ssettag $0x0;
	lr =	simm.s32 $0x1  }
0x2: {  	[smem:$0x3F9F] =	sst lr;
	_ =	strace $0xD0000000  }
0x3: {  	_ = 	snop  }
0x4: {  	_ = 	snop  }
0x5: {  	_ = 	snop  }
0x6: {  	_ = 	snop  }
0x7: {  	_ = 	snop  }
__scs_overlays_trampoline_lowered:
0x8: {  	[smem:$0x3FAE] =	sst s0  }
0x9: {  	[smem:$0x3FAF] =	sst s1  }
0xa: {  	[smem:$0x3FB0] =	sst s2  }
0xb: {  	[smem:$0x3FB1] =	sst s3  }
0xc: {  	[smem:$0x3FB2] =	sst s4  }
0xd: {  	[smem:$0x3FB3] =	sst s5  }
0xe: {  	[smem:$0x3FB4] =	sst s6  }
0xf: {  	[smem:$0x3FB5] =	sst s7  }
0x10: {  	[smem:$0x3FB6] =	sst s8  }
0x11: {  	[smem:$0x3FB7] =	sst s9;
	s0 =	simm.s32 @!p0 $0x0  }
0x12: {  	s1 =	sld [smem:$0x3F9D];
	s0 =	simm.s32 @p0 $0x1  }
0x13: {  	[smem:$0x3FB8] =	sst s0;
	s0 =	simm.s32 @!p1 $0x0  }
0x14: {  	s2 =	sld [smem:$0x3F9C];
	s0 =	simm.s32 @p1 $0x1  }
0x15: {  	[smem:$0x3FB9] =	sst s0;
	s0 =	simm.s32 @!p2 $0x0  }
0x16: {  	s3 =	sld [smem:$0x3FDB];
	s0 =	simm.s32 @p2 $0x1  }
0x17: {  	s4 =	simm.s32 $0x1BF5;
	[smem:$0x3FBB] =	sst s0  }
0x18: {  	s0 =	sld [smem:$0x3F9E];
	_ =	swait.ge [sflag:s4], $0x0  }
0x19: {  	s7 =	sld [smem:$0x3F9F]  }
0x1a: {  	s8 =	sadd.s32 $0xFFFFE003, lr  }
0x1b: {  	s9 =	sadd.s32 $0xFFFFFEF7, lr;
	s5 =	simm.s32 $0xFFFFFFFF;
	p2 =	slt.u32 s8, $0xFFFFF086  }
0x1c: {  	p1 =	slt.u32 s9, $0xF7A;
	s5 =	simm.s32 @!p2 $0x0  }
0x1d: {  	s5 =	simm.s32 @p1 $0x1;
	p0 =	seq.s32 s7, s2  }
0x1e: {  	s7 =	smul.u32 @!p0 $0xF7A, s2;
	p2 =	seq.s32 @!p0 s5, $0x0  }
0x1f: {  	s9 =	smul.u32 $0xF7A, s1;
	s8 =	simm.s32 @!p0 $0x1BF5;
	p2 =	por !p2, p0  }
0x20: {  	[sflag:s8] =	ssyncset.s32 @!p0 $0xFFFFF086;
	s6 =	sadd.s32 @!p0 s3, s7;
	s7 =	simm.s32 @!p0 $0x108  }
0x21: {  	s3 =	sadd.s32 s3, s9;
	s6 =	sadd.s32 @!p0 $0x88, s6;
	s7 =	simm.s32 @p2 $0x1082  }
0x22: {  	[simem:s7], [sflag:s8] =	dma.local @!p0 [hbm:s6], $0xF7A  }
0x23: {  	s9 =	sor.u32 $0xD0000000, s2;
	s6 =	simm.s32 $0x108;
	_ =	swait.ge @!p0 [sflag:s8], $0x0  }
0x24: {  	s3 =	sadd.s32 $0x88, s3;
	s6 =	simm.s32 @!p1 $0x1082;
	[sflag:s4] =	ssyncset.s32 $0xFFFFF086  }
0x25: {  	[simem:s6], [sflag:s4] =	dma.local [hbm:s3], $0xF7A  }
0x26: {  	[smem:$0x3F9F] =	sst s1;
	(tag) =	ssettag s2;
	_ =	strace s9  }
0x27: {  	s1 =	sld [smem:$0x3FAF]  }
0x28: {  	s2 =	sld [smem:$0x3FB0]  }
0x29: {  	s4 =	sld [smem:$0x3FB2]  }
0x2a: {  	p0 =	seq.s32 s5, $0x0;
	s5 =	sld [smem:$0x3FB3]  }
0x2b: {  	s6 =	sld [smem:$0x3FB4]  }
0x2c: {  	s7 =	sld [smem:$0x3FB5]  }
0x2d: {  	s3 =	simm.s32 $0x108;
	s8 =	sld [smem:$0x3FB6]  }
0x2e: {  	s3 =	simm.s32 @!p0 $0x1082;
	s9 =	sld [smem:$0x3FB7]  }
0x2f: {  	lr =	sadd.s32 s0, s3;
	s0 =	sld [smem:$0x3FAE]  }
0x30: {  	s3 =	sld [smem:$0x3FB1]  }
0x31: {  	[smem:$0x3FBA] =	sst s10  }
0x32: {  	s10 =	sld [smem:$0x3FB8];
	_ =	sdelay $0x3  }
0x33: {  	p0 =	seq.s32 s10, $0x1;
	s10 =	sld [smem:$0x3FBA];
	_ =	sdelay $0x3  }
0x34: {  	[smem:$0x3FBA] =	sst s10  }
0x35: {  	s10 =	sld [smem:$0x3FB9];
	_ =	sdelay $0x3  }
0x36: {  	p1 =	seq.s32 s10, $0x1;
	s10 =	sld [smem:$0x3FBA];
	_ =	sdelay $0x3  }
0x37: {  	[smem:$0x3FBA] =	sst s10  }
0x38: {  	s10 =	sld [smem:$0x3FBB]  }
0x39: {  	_ = 	snop;
	(pc) =	sbr.ind lr, $3  }
0x3a: {  	_ = 	snop  }
0x3b: {  	_ = 	snop  }
0x3c: {  	p2 =	seq.s32 s10, $0x1;
	s10 =	sld [smem:$0x3FBA]  }
0x3d: {  	_ =	shalt  }
0x3e: {  	_ =	shalt  }
0x3f: {  	_ =	shalt  }
0x40: {  	_ =	shalt  }
0x41: {  	_ =	shalt  }
0x42: {  	_ =	shalt  }
0x43: {  	_ =	shalt  }
0x44: {  	_ =	shalt  }
0x45: {  	_ =	shalt  }
0x46: {  	_ =	shalt  }
0x47: {  	_ =	shalt  }
0x48: {  	_ =	shalt  }
0x49: {  	_ =	shalt  }
0x4a: {  	_ =	shalt  }
0x4b: {  	_ =	shalt  }
0x4c: {  	_ =	shalt  }
0x4d: {  	_ =	shalt  }
0x4e: {  	_ =	shalt  }
0x4f: {  	_ =	shalt  }
0x50: {  	_ =	shalt  }
0x51: {  	_ =	shalt  }
0x52: {  	_ =	shalt  }
0x53: {  	_ =	shalt  }
0x54: {  	_ =	shalt  }
0x55: {  	_ =	shalt  }
0x56: {  	_ =	shalt  }
0x57: {  	_ =	shalt  }
0x58: {  	_ =	shalt  }
0x59: {  	_ =	shalt  }
0x5a: {  	_ =	shalt  }
0x5b: {  	_ =	shalt  }
0x5c: {  	_ =	shalt  }
0x5d: {  	_ =	shalt  }
0x5e: {  	_ =	shalt  }
0x5f: {  	_ =	shalt  }
0x60: {  	_ =	shalt  }
0x61: {  	_ =	shalt  }
0x62: {  	_ =	shalt  }
0x63: {  	_ =	shalt  }
0x64: {  	_ =	shalt  }
0x65: {  	_ =	shalt  }
0x66: {  	_ =	shalt  }
0x67: {  	_ =	shalt  }
0x68: {  	_ =	shalt  }
0x69: {  	_ =	shalt  }
0x6a: {  	_ =	shalt  }
0x6b: {  	_ =	shalt  }
0x6c: {  	_ =	shalt  }
0x6d: {  	_ =	shalt  }
0x6e: {  	_ =	shalt  }
0x6f: {  	_ =	shalt  }
0x70: {  	_ =	shalt  }
0x71: {  	_ =	shalt  }
0x72: {  	_ =	shalt  }
0x73: {  	_ =	shalt  }
0x74: {  	_ =	shalt  }
0x75: {  	_ =	shalt  }
0x76: {  	_ =	shalt  }
0x77: {  	_ =	shalt  }
0x78: {  	_ =	shalt  }
0x79: {  	_ =	shalt  }
0x7a: {  	_ =	shalt  }
0x7b: {  	_ =	shalt  }
0x7c: {  	_ =	shalt  }
0x7d: {  	_ =	shalt  }
0x7e: {  	_ =	shalt  }
0x7f: {  	_ =	shalt  }
0x80: {  	_ =	shalt  }
0x81: {  	_ =	shalt  }
0x82: {  	_ =	shalt  }
0x83: {  	_ =	shalt  }
0x84: {  	_ =	shalt  }
0x85: {  	_ =	shalt  }
0x86: {  	_ =	shalt  }
0x87: {  	_ =	shalt  }
.Lfunc_end0:
.L_simem_size_0:
called_computation_lowered:
.L_overlay_start_0:
0x88: {  	s2 =	sld [smem:$0x3FD9]  }
0x89: {  	s3 =	sld [smem:$0x3FFE];
	_ =	sdelay $0x1  }
0x8a: {  	s1 =	srdreg.scid  }
0x8b: {  	s0 =	sand.u32 $0x1, s1  }
0x8c: {  	s18 =	sshll.u32 s0, $0xA;
	s2 =	sadd.s32 s3, s2  }
0x8d: {  	s2 =	sadd.s32 s2, s18  }
0x8e: {  	[smem:$0x3FC6] =	sst s2  }
0x8f: {  	_ = 	snop  }
0x90: {  	s2 =	sld [smem:$0x3FC9]  }
0x91: {  	s19 =	sld [smem:$0x3FC8]  }
0x92: {  	s4 =	sld [smem:$0x3FD0];
	(tm) =	ssettm $0x1  }
0x93: {  	s5 =	sld [smem:$0x3FFB];
	_ =	sdelay $0x3  }
0x94: {  	_ =	strace s5  }
0x95: {  	s5 =	sld [smem:$0x3FFC];
	_ =	sdelay $0x3  }
0x96: {  	_ =	strace s5  }
0x97: {  	s5 =	sld [smem:$0x3FFD];
	_ =	sdelay $0x3  }
0x98: {  	_ =	strace s5  }
0x99: {  	_ =	strace $0x8FFFFFFF  }
0x9a: {  	s20 =	sld [smem:$0x3FDB];
	_ =	sdelay $0x1  }
0x9b: {  	s6 =	simm.s32 $_scs_section_size  }
0x9c: {  	s7 =	simm.s32 $_size__tile_overlayer_lowered;
	s8 =	simm.s32 $_tile_overlayer_lowered  }
0x9d: {  	s23 =	simm.s32 $0x1BFF;
	s22 =	sshll.u32 s8, $0x1;
	s5 =	sadd.s32 s6, s20  }
0x9e: {  	s9 =	simm.s32 $0x0;
	s21 =	sshll.u32 s7, $0x1;
	s7 =	sadd.s32 s22, s5  }
0x9f: {  	[timem:s9], [sflag:s23] =	dma.local [hbm:s7], s21  }
0xa0: {  	_ =	swait.ge [sflag:s23], s21  }
0xa1: {  	s6 =	ssub.s32 $0x0, s21;
	[sflag:s23] =	ssyncset.done $0x0  }
0xa2: {  	[sflag:s23] =	ssyncadd.s32 s6;
	_ =	sdelay $0x1  }
0xa3: {  	s24 =	simm.s32 $0x1B8B  }
0xa4: {  	_ =	swait.ge [sflag:s24], $0x1  }
0xa5: {  	[sflag:s24] =	ssyncset.done $0x0  }
0xa6: {  	s25 =	simm.s32 $0x1B8E;
	[sflag:s24] =	ssyncadd.s32 $0xFFFFFFFF  }
0xa7: {  	s26 =	simm.s32 $execute0_lowered;
	[smem:$0x3FD2] =	sst s25  }
0xa8: {  	s6 =	sshll.u32 s26, $0x1;
	_ =	strace $0x80000046;
	[dreg:$0x1] =	wrdreg $0xFFFFFFFF  }
0xa9: {  	s28 =	simm.s32 $_size_execute0_lowered;
	s5 =	sadd.s32 s5, s6;
	[dreg:$0x0] =	wrdreg $0x0  }
0xaa: {  	s6 =	sshll.u32 s28, $0x1;
	[dreg:$0x2] =	wrdreg s5  }
0xab: {  	[dreg:$0x3] =	wrdreg s6  }
0xac: {  	[dreg:$0x4] =	wrdreg $0xC0  }
0xad: {  	_ =	task [dreg:s9], $0x5FFFF  }
0xae: {  	[dreg:$0x1] =	wrdreg $0xFFFFFFFF  }
0xaf: {  	[dreg:$0x0] =	wrdreg $0x60  }
0xb0: {  	[dreg:$0x2] =	wrdreg s19  }
0xb1: {  	[dreg:$0x3] =	wrdreg s2  }
0xb2: {  	[dreg:$0x4] =	wrdreg s4  }
0xb3: {  	[dreg:$0x5] =	wrdreg $0x9  }
0xb4: {  	_ =	task.clear_ibuf [dreg:s9], $0x6FFFF;
	_ =	strace $0x90000046  }
0xb5: {  	s29 =	simm.s32 $0x9;
	_ =	strace $0x80000048  }
0xb6: {  	_ =	swait.ge [sflag:s29], $0x1  }
0xb7: {  	[sflag:s29] =	ssyncadd.s32 $0xFFFFFFFF  }
0xb8: {  	_ =	strace $0x90000048  }
0xb9: {  	_ =	sfence  }
0xba: {  	s30 =	sld [smem:$0x0];
	_ =	sdelay $0x2  }
0xbb: {  	s31 =	sshll.u32 s1, $0xD;
	s1 =	sshrl.u32 s1, $0x2  }
0xbc: {  	s3 =	sand.u32 $0x4000, s31;
	s1 =	sadd.s32 s1, s30  }
0xbd: {  	s0 =	sor.u32 s3, s0;
	s1 =	sshll.u32 s1, $0x11  }
0xbe: {  	s0 =	sor.u32 s1, s0  }
0xbf: {  	s0 =	sadd.s32 $0x8F2B, s0  }
0xc0: {  	[sflag:s0] =	ssyncadd.remote.s32 $0x1  }
0xc1: {  	_ =	sfence.sel $0xFFFF  }
0xc2: {  	[dreg:$0x0] =	wrdreg $0xFFFFFFFF;
	(pc) =	sbr.abs _section_cstart, $3  }
0xc3: {  	[dreg:$0x1] =	wrdreg $0xFFFFFFFF  }
0xc4: {  	_ =	task.clear_ibuf [dreg:s9], $0x2FFFF;
	_ =	strace $0x9FFFFFFF  }
0xc5: {  	(tm) =	ssettm $0x7FFFFFFF  }
tec
execute0_lowered:
.L_overlay_start_1:
0x0: {  	(tag) =	ssettag $0x1  }
0x1: {  	s1 =	rddreg [dreg:$0x0]  }
0x2: {  	s0 =	rddreg [dreg:$0x1]  }
0x3: {  	s8 =	rddreg [dreg:$0x2]  }
0x4: {  	s2 =	srdreg.scid;
	s3 =	stileid.u32  }
0x5: {  	s4 =	simm.s32 $0x0;
	s2 =	sand.u32 $0x1, s2;
	s3 =	sshll.u32 s3, $0x1  }
0x6: {  	[smem:$0x7FF] =	sst s4;
	s25 =	sadd.s32 $0x1FF000, s8;
	s26 =	sadd.s32 $0x100, s8  }
0x7: {  	s28 =	sadd.s32 $0x200, s8;
	_ =	strace $0x80000047;
	[dreg:$0x16] =	wrdreg s25  }
0x8: {  	s5 =	ssub.s32 $0x2, s2;
	s2 =	sor.u32 s2, s3;
	[dreg:$0x17] =	wrdreg s26  }
0x9: {  	s29 =	sadd.s32 $0x300, s8;
	[dreg:$0x18] =	wrdreg s28;
	s6 =	sshll.u32 s2, $0x6  }
0xa: {  	[dreg:$0x19] =	wrdreg s29;
	s9 =	sadd.s32 s0, s6  }
0xb: {  	s10 =	sshll.u32 s2, $0x10;
	s0 =	sadd.s32 $0x7C0, s0;
	[dreg:$0x4] =	wrdreg s9  }
0xc: {  	s7 =	sshrl.u32 s5, $0x1;
	s11 =	sadd.s32 s8, s10;
	[dreg:$0x5] =	wrdreg s0  }
0xd: {  	s3 =	ssub.s32 s5, s7;
	s5 =	sadd.s32 $0x1000, s11;
	[dreg:$0x6] =	wrdreg s11  }
0xe: {  	s12 =	sadd.s32 $0x2000, s11;
	[dreg:$0x7] =	wrdreg s5  }
0xf: {  	s13 =	sadd.s32 $0x3000, s11;
	[dreg:$0x8] =	wrdreg s12  }
0x10: {  	s14 =	sadd.s32 $0x4000, s11;
	[dreg:$0x9] =	wrdreg s13  }
0x11: {  	v0 =	vimm.s32 $0x1FFC6;
	vm0 =	vcmask $0x300;
	s15 =	sadd.s32 $0x5000, s11;
	[dreg:$0xa] =	wrdreg s14  }
0x12: {  	v0 =	vsel vm0, $0x1FF80, v0;
	vm0 =	vcmask $0x704;
	s16 =	sadd.s32 $0x6000, s11;
	[dreg:$0xb] =	wrdreg s15  }
0x13: {  	s30 =	simm.s32 $0x2;
	v0 =	vsel vm0, $0x1FF81, v0;
	vm0 =	vcmask $0xB08;
	s17 =	sadd.s32 $0x7000, s11;
	[dreg:$0xc] =	wrdreg s16  }
0x14: {  	s31 =	simm.s32 $0x4;
	v0 =	vsel vm0, $0x1FF82, v0;
	vm0 =	vcmask $0xF0C;
	s18 =	sadd.s32 $0x8000, s11;
	[dreg:$0xd] =	wrdreg s17  }
0x15: {  	p0 =	sne.s32 s2, $0x1F;
	v0 =	vsel vm0, $0x1FF83, v0;
	vm0 =	vcmask $0x1310;
	s19 =	sadd.s32 $0x9000, s11;
	[dreg:$0xe] =	wrdreg s18  }
0x16: {  	s7 =	sadd.s32 $0x100, s1;
	s20 =	sadd.s32 $0xA000, s11;
	v0 =	vsel vm0, $0x1FF84, v0;
	vm0 =	vcmask $0x1714;
	[dreg:$0xf] =	wrdreg s19  }
0x17: {  	s10 =	sadd.s32 $0x300, s1;
	s21 =	sadd.s32 $0xB000, s11;
	[dreg:$0x10] =	wrdreg s20;
	v0 =	vsel vm0, $0x1FF85, v0;
	vm0 =	vcmask $0x1B18  }
0x18: {  	s6 =	simm.s32 $0x7A00;
	s22 =	sadd.s32 $0xC000, s11;
	[dreg:$0x11] =	wrdreg s21;
	v0 =	vsel vm0, $0x1FF86, v0;
	vm0 =	vcmask $0x1F1C  }
0x19: {  	s8 =	simm.s32 $0x1;
	s23 =	sadd.s32 $0xD000, s11;
	[dreg:$0x12] =	wrdreg s22;
	v0 =	vsel vm0, $0x1FF87, v0;
	vm0 =	vcmask $0x2320  }
0x1a: {  	s9 =	sadd.s32 $0x200, s1;
	s24 =	sadd.s32 $0xE000, s11;
	[dreg:$0x13] =	wrdreg s23;
	v0 =	vsel vm0, $0x1FFC0, v0;
	vm0 =	vcmask $0x2724  }
.Ltmp0:
0x1b: {  	v2 =	vlaneseq.u32;
	s0 =	sadd.s32 $0xF000, s11;
	[dreg:$0x14] =	wrdreg s24;
	v1 =	vsel vm0, $0x1FFC1, v0;
	vm0 =	vcmask $0x2B28;
	(pc) =	sbr.rel .LBB2_1-.Ltmp0, $4  }
0x1c: {  	vm1 =	vcmask $0x3734;
	s2 =	smax.u32 s3, $0x1;
	s11 =	simm.s32 $0x5200;
	[dreg:$0x15] =	wrdreg s0;
	v1 =	vsel vm0, $0x1FFC2, v1;
	vm0 =	vcmask $0x2F2C  }
0x1d: {  	v3 =	vshrl.u32 v2, $0x3;
	s0 =	simm.s32 $0xA00;
	s12 =	simm.s32 $0x4A00;
	s18 =	simm.s32 $0x5A00;
	v4 =	vsel vm0, $0x1FFC3, v1;
	vm0 =	vcmask $0x3330  }
0x1e: {  	s15 =	simm.s32 $0x6200;
	s16 =	simm.s32 $0x6A00;
	s13 =	simm.s32 $0x7200;
	v0 =	vand.u32 $0x7, v2;
	v1 =	vmul.u32 $0x8, v3;
	v3 =	vsel vm0, $0x1FFC4, v4  }
0x1f: {  	s19 =	simm.s32 $0x8200;
	s21 =	simm.s32 $0x8A00;
	s22 =	simm.s32 $0x3;
	v2 =	vor.u32 $0x8, v2;
	vm0 =	vmmov $0xffff;
	v3 =	vsel vm1, $0x1FFC5, v3  }
.LBB2_3:
0x20: {  	s2 =	rddreg [dreg:$0x15];
	s29 =	simm.s32 $0x7  }
0x21: {  	[hbm4b:s2+s4] =	stream.linear.scatter [tilespmem:s0], [sflag:$0x7], $0x8000, $0x38;
	[tilespmem:$0x18A00] =	vst v63  }
0x22: {  	_ =	swait.ge [sflag:s29], $0x8000  }
0x23: {  	[sflag:s29] =	ssyncset.done $0x0  }
0x24: {  	s2 =	rddreg [dreg:$0x1a];
	[sflag:s29] =	ssyncadd.s32 $0xFFFF8000  }
.LBB2_4:
0x25: {  	s2 =	sadd.s32 $0xFFFFFFFF, s2  }
0x26: {  	_ =	swait.ge [sflag:s5], $0x8000;
	p1 =	sne.s32 s2, $0x0  }
.Ltmp1:
0x27: {  	[sflag:s5] =	ssyncset.done $0x0;
	(pc) =	sbr.rel @!p1 .LBB2_5-.Ltmp1, $4  }
0x28: {  	[sflag:s5] =	ssyncadd.s32 $0xFFFF8000  }
0x29: {  	_ =	swait.ge [sflag:s14], $0x8000  }
0x2a: {  	[sflag:s14] =	ssyncset.done $0x0  }
0x2b: {  	[sflag:s14] =	ssyncadd.s32 $0xFFFF8000  }
.LBB2_1:
0x2c: {  	[dreg:$0x1a] =	wrdreg s2  }
0x2d: {  	s24 =	simm.s32 @p0 $0x0;
	s2 =	rddreg [dreg:$0x4]  }
0x2e: {  	[tilespmem:s24], [sflag:$0x7] =	stream.linear.gather @p0 [hbm4b:s2+s24], $0x200, $0x38;
	[tilespmem:$0x18A00] =	vst v63  }
0x2f: {  	s24 =	simm.s32 @p0 $0x7  }
0x30: {  	_ =	swait.ge @p0 [sflag:s24], $0x200  }
0x31: {  	[sflag:s24] =	ssyncset.done @p0 $0x0  }
0x32: {  	s2 =	rddreg [dreg:$0x5];
	[sflag:s24] =	ssyncadd.s32 @p0 $0xFFFFFE00;
	s24 =	simm.s32 @!p0 $0x0  }
0x33: {  	[tilespmem:s24], [sflag:$0x7] =	stream.linear.gather @!p0 [hbm4b:s2+s24], $0x1FF, $0x38;
	[tilespmem:$0x18A00] =	vst v63  }
0x34: {  	s24 =	simm.s32 @!p0 $0x7  }
0x35: {  	_ =	swait.ge @!p0 [sflag:s24], $0x1FF  }
0x36: {  	[sflag:s24] =	ssyncset.done @!p0 $0x0  }
0x37: {  	[sflag:s24] =	ssyncadd.s32 @!p0 $0xFFFFFE01  }
0x38: {  	v4 =	vld [tilespmem:$0x0]  }
0x39: {  	v5 =	vld [tilespmem:$0x10]  }
0x3a: {  	v6 =	vld [tilespmem:$0x20];
	_ =	sdelay $0x1  }
0x3b: {  	v7 =	vld [tilespmem:$0x30]  }
0x3c: {  	v8 =	vld [tilespmem:$0x40]  }
0x3d: {  	v9 =	vld [tilespmem:$0x50];
	vm1 =	vgt.s32 v4, $0xFFFFE000  }
0x3e: {  	vm2 =	vgt.s32 v6, $0xFFFFE000;
	v4 =	vnsel vm1, $0xFFFFE000, v4;
	vm1 =	vgt.s32 v5, $0xFFFFE000  }
0x3f: {  	v6 =	vnsel vm2, $0xFFFFE000, v6;
	v5 =	vnsel vm1, $0xFFFFE000, v5;
	vm1 =	vlt.s32 v4, $0x1FFF  }
0x40: {  	v10 =	vld [tilespmem:$0x60];
	vm2 =	vlt.s32 v6, $0x1FFF;
	v4 =	vnsel vm1, $0x1FFF, v4;
	vm1 =	vlt.s32 v5, $0x1FFF  }
0x41: {  	v11 =	vld [tilespmem:$0x70];
	v6 =	vnsel vm2, $0x1FFF, v6;
	v5 =	vnsel vm1, $0x1FFF, v5;
	vm1 =	vgt.s32 v7, $0xFFFFE000  }
0x42: {  	vm2 =	vgt.s32 v9, $0xFFFFE000;
	v7 =	vnsel vm1, $0xFFFFE000, v7;
	vm1 =	vgt.s32 v8, $0xFFFFE000  }
0x43: {  	v9 =	vnsel vm2, $0xFFFFE000, v9;
	v8 =	vnsel vm1, $0xFFFFE000, v8;
	vm1 =	vlt.s32 v7, $0x1FFF  }
0x44: {  	v13 =	vld [tilespmem:$0x90];
	v23 =	vadd.s32 $0x2000, v4;
	v7 =	vnsel vm1, $0x1FFF, v7;
	vm1 =	vlt.s32 v8, $0x1FFF  }
0x45: {  	v14 =	vld [tilespmem:$0xA0];
	v6 =	vadd.s32 $0x2000, v6;
	v8 =	vnsel vm1, $0x1FFF, v8;
	vm1 =	vgt.s32 v10, $0xFFFFE000  }
0x46: {  	v12 =	vld [tilespmem:$0x80];
	v4 =	vand.u32 $0x7, v4;
	v10 =	vnsel vm1, $0xFFFFE000, v10;
	vm1 =	vgt.s32 v11, $0xFFFFE000  }
0x47: {  	vm2 =	vlt.s32 v9, $0x1FFF;
	v11 =	vnsel vm1, $0xFFFFE000, v11;
	vm1 =	vlt.s32 v10, $0x1FFF  }
0x48: {  	v16 =	vld [tilespmem:$0xC0];
	v5 =	vadd.s32 $0x2000, v5;
	v10 =	vnsel vm1, $0x1FFF, v10;
	vm1 =	vlt.s32 v11, $0x1FFF  }
0x49: {  	v17 =	vld [tilespmem:$0xD0];
	v51 =	vshll.u32 v23, $0x3;
	v11 =	vnsel vm1, $0x1FFF, v11;
	vm1 =	vgt.s32 v13, $0xFFFFE000  }
0x4a: {  	v9 =	vnsel vm2, $0x1FFF, v9;
	v13 =	vnsel vm1, $0xFFFFE000, v13;
	vm1 =	vgt.s32 v14, $0xFFFFE000  }
0x4b: {  	v15 =	vld [tilespmem:$0xB0];
	vm2 =	vgt.s32 v12, $0xFFFFE000;
	v14 =	vnsel vm1, $0xFFFFE000, v14;
	vm1 =	vlt.s32 v13, $0x1FFF  }
0x4c: {  	v19 =	vld [tilespmem:$0xF0];
	v12 =	vnsel vm2, $0xFFFFE000, v12;
	v13 =	vnsel vm1, $0x1FFF, v13;
	vm1 =	vlt.s32 v14, $0x1FFF  }
0x4d: {  	v20 =	vld [tilespmem:$0x100];
	[tilespmem:$0x210] =	vst v5;
	v5 =	vadd.s32 $0x2000, v9;
	v14 =	vnsel vm1, $0x1FFF, v14;
	vm1 =	vgt.s32 v16, $0xFFFFE000  }
0x4e: {  	vm2 =	vlt.s32 v12, $0x1FFF;
	v16 =	vnsel vm1, $0xFFFFE000, v16;
	vm1 =	vgt.s32 v17, $0xFFFFE000  }
0x4f: {  	v7 =	vadd.s32 $0x2000, v7;
	v17 =	vnsel vm1, $0xFFFFE000, v17;
	vm1 =	vlt.s32 v16, $0x1FFF  }
0x50: {  	v21 =	vld [tilespmem:$0x110];
	v12 =	vnsel vm2, $0x1FFF, v12;
	v16 =	vnsel vm1, $0x1FFF, v16;
	vm1 =	vlt.s32 v17, $0x1FFF  }
0x51: {  	v22 =	vld [tilespmem:$0x120];
	vm2 =	vgt.s32 v15, $0xFFFFE000;
	v17 =	vnsel vm1, $0x1FFF, v17;
	vm1 =	vgt.s32 v19, $0xFFFFE000  }
0x52: {  	v18 =	vld [tilespmem:$0xE0];
	v8 =	vadd.s32 $0x2000, v8;
	v19 =	vnsel vm1, $0xFFFFE000, v19;
	vm1 =	vgt.s32 v20, $0xFFFFE000  }
0x53: {  	v15 =	vnsel vm2, $0xFFFFE000, v15;
	v20 =	vnsel vm1, $0xFFFFE000, v20;
	vm1 =	vlt.s32 v19, $0x1FFF  }
0x54: {  	v24 =	vld [tilespmem:$0x130];
	v63 =	vadd.s32 $0x2000, v12;
	v19 =	vnsel vm1, $0x1FFF, v19;
	vm1 =	vlt.s32 v20, $0x1FFF  }
0x55: {  	v25 =	vld [tilespmem:$0x140];
	vm2 =	vlt.s32 v15, $0x1FFF;
	v20 =	vnsel vm1, $0x1FFF, v20;
	vm1 =	vgt.s32 v21, $0xFFFFE000  }
0x56: {  	v15 =	vnsel vm2, $0x1FFF, v15;
	v21 =	vnsel vm1, $0xFFFFE000, v21;
	vm1 =	vgt.s32 v22, $0xFFFFE000  }
0x57: {  	vm2 =	vgt.s32 v18, $0xFFFFE000;
	v57 =	vnsel vm1, $0xFFFFE000, v22;
	vm1 =	vlt.s32 v21, $0x1FFF  }
0x58: {  	v60 =	vld [tilespmem:$0x150];
	[tilespmem:$0x280] =	vst v6;
	v58 =	vadd.s32 $0x2000, v10;
	v59 =	vnsel vm1, $0x1FFF, v21;
	vm1 =	vlt.s32 v57, $0x1FFF  }
0x59: {  	v62 =	vld [tilespmem:$0x160];
	[tilespmem:$0x200] =	vst v23;
	v18 =	vnsel vm2, $0xFFFFE000, v18;
	v9 =	vnsel vm1, $0x1FFF, v57;
	vm1 =	vgt.s32 v24, $0xFFFFE000  }
0x5a: {  	[tilespmem:$0x310] =	vst v5;
	v61 =	vadd.s32 $0x2000, v11;
	v22 =	vnsel vm1, $0xFFFFE000, v24;
	vm1 =	vgt.s32 v25, $0xFFFFE000  }
0x5b: {  	[tilespmem:$0x290] =	vst v7;
	v27 =	vadd.s32 $0x2000, v15;
	v24 =	vnsel vm1, $0xFFFFE000, v25;
	vm1 =	vlt.s32 v22, $0x1FFF  }
0x5c: {  	v26 =	vld [tilespmem:$0x170];
	[tilespmem:$0x300] =	vst v8;
	vm2 =	vlt.s32 v18, $0x1FFF;
	v12 =	vnsel vm1, $0x1FFF, v22;
	vm1 =	vlt.s32 v24, $0x1FFF  }
0x5d: {  	v28 =	vld [tilespmem:$0x180];
	[tilespmem:$0x400] =	vst v63;
	v5 =	vadd.s32 $0x2000, v13;
	v13 =	vnsel vm1, $0x1FFF, v24;
	vm1 =	vgt.s32 v60, $0xFFFFE000  }
0x5e: {  	[tilespmem:$0x380] =	vst v58;
	v18 =	vnsel vm2, $0x1FFF, v18;
	v30 =	vnsel vm1, $0xFFFFE000, v60;
	vm1 =	vgt.s32 v62, $0xFFFFE000  }
0x5f: {  	[tilespmem:$0x390] =	vst v61;
	v31 =	vadd.s32 $0x2000, v18;
	v11 =	vnsel vm1, $0xFFFFE000, v62;
	vm1 =	vlt.s32 v30, $0x1FFF  }
0x60: {  	v32 =	vld [tilespmem:$0x190];
	[tilespmem:$0x490] =	vst v27;
	v29 =	vadd.s32 $0x2000, v16;
	v16 =	vnsel vm1, $0x1FFF, v30;
	vm1 =	vlt.s32 v11, $0x1FFF  }
0x61: {  	v34 =	vld [tilespmem:$0x1A0];
	[tilespmem:$0x410] =	vst v5;
	v5 =	vadd.s32 $0x2000, v17;
	v11 =	vnsel vm1, $0x1FFF, v11;
	vm1 =	vgt.s32 v26, $0xFFFFE000  }
0x62: {  	[tilespmem:$0x580] =	vst v31;
	v25 =	vadd.s32 $0x2000, v14;
	v14 =	vnsel vm1, $0xFFFFE000, v26;
	vm1 =	vgt.s32 v28, $0xFFFFE000  }
0x63: {  	[tilespmem:$0x500] =	vst v29;
	v33 =	vadd.s32 $0x2000, v19;
	v36 =	vnsel vm1, $0xFFFFE000, v28;
	vm1 =	vlt.s32 v14, $0x1FFF  }
0x64: {  	v39 =	vld [tilespmem:$0x1B0];
	[tilespmem:$0x510] =	vst v5;
	v35 =	vadd.s32 $0x2000, v20;
	v38 =	vnsel vm1, $0x1FFF, v14;
	vm1 =	vlt.s32 v36, $0x1FFF  }
0x65: {  	[tilespmem:$0x590] =	vst v33;
	v5 =	vadd.s32 $0x2000, v59;
	v10 =	vnsel vm1, $0x1FFF, v36;
	vm1 =	vgt.s32 v32, $0xFFFFE000  }
0x66: {  	[tilespmem:$0x600] =	vst v35;
	v37 =	vadd.s32 $0x2000, v9;
	v42 =	vnsel vm1, $0xFFFFE000, v32;
	vm1 =	vgt.s32 v34, $0xFFFFE000  }
0x67: {  	v44 =	vld [tilespmem:$0x1C0];
	[tilespmem:$0x610] =	vst v5;
	v40 =	vadd.s32 $0x2000, v12;
	v43 =	vnsel vm1, $0xFFFFE000, v34;
	vm1 =	vlt.s32 v42, $0x1FFF  }
0x68: {  	v47 =	vld [tilespmem:$0x1D0];
	[tilespmem:$0x680] =	vst v37;
	v41 =	vadd.s32 $0x2000, v13;
	v46 =	vnsel vm1, $0x1FFF, v42;
	vm1 =	vlt.s32 v43, $0x1FFF  }
0x69: {  	[tilespmem:$0x480] =	vst v25;
	v5 =	vadd.s32 $0x2000, v16;
	v49 =	vnsel vm1, $0x1FFF, v43;
	vm1 =	vgt.s32 v39, $0xFFFFE000  }
0x6a: {  	[tilespmem:$0x690] =	vst v40;
	v45 =	vadd.s32 $0x2000, v11;
	v14 =	vand.u32 $0x7FFFFFC0, v51;
	v50 =	vnsel vm1, $0xFFFFE000, v39  }
0x6b: {  	v52 =	vld [tilespmem:$0x1E0];
	[tilespmem:$0x700] =	vst v41;
	v48 =	vadd.s32 $0x2000, v38;
	v4 =	vor.u32 v4, v14;
	vm1 =	vlt.s32 v50, $0x1FFF  }
0x6c: {  	v53 =	vld [tilespmem:$0x1F0];
	[tilespmem:$0x710] =	vst v5;
	v60 =	vperm.xlane v4, v0;
	v5 =	vnsel vm1, $0x1FFF, v50;
	vm1 =	vgt.s32 v44, $0xFFFFE000  }
0x6d: {  	[tilespmem:$0x780] =	vst v45;
	v10 =	vadd.s32 $0x2000, v10;
	v55 =	vnsel vm1, $0xFFFFE000, v44;
	vm1 =	vgt.s32 v47, $0xFFFFE000  }
0x6e: {  	[tilespmem:$0x790] =	vst v48;
	v9 =	vadd.s32 v1, v60;
	v57 =	vnsel vm1, $0xFFFFE000, v47;
	vm1 =	vlt.s32 v55, $0x1FFF  }
0x6f: {  	[tilespmem:$0x800] =	vst v10;
	v54 =	vadd.s32 $0x2000, v46;
	v58 =	vnsel vm1, $0x1FFF, v55;
	vm1 =	vlt.s32 v57, $0x1FFF  }
0x70: {  	v56 =	vadd.s32 $0x2000, v49;
	[tilespmem:$0x810] =	vst v54;
	v59 =	vnsel vm1, $0x1FFF, v57;
	vm1 =	vgt.s32 v52, $0xFFFFE000  }
0x71: {  	[tilespmem:$0x880] =	vst v56;
	v5 =	vadd.s32 $0x2000, v5;
	v8 =	vnsel vm1, $0xFFFFE000, v52;
	vm1 =	vgt.s32 v53, $0xFFFFE000  }
0x72: {  	[tilespmem:$0x890] =	vst v5;
	v61 =	vadd.s32 $0x2000, v58;
	v5 =	vnsel vm1, $0xFFFFE000, v53;
	vm1 =	vlt.s32 v8, $0x1FFF  }
0x73: {  	[tilespmem:$0x900] =	vst v61;
	v6 =	vadd.s32 $0x2000, v59;
	v62 =	vnsel vm1, $0x1FFF, v8;
	vm1 =	vlt.s32 v5, $0x1FFF  }
0x74: {  	[tilespmem:$0x910] =	vst v6;
	v5 =	vnsel vm1, $0x1FFF, v5;
	v63 =	vadd.s32 $0x2000, v62  }
0x75: {  	[tilespmem:$0x980] =	vst v63;
	v5 =	vadd.s32 $0x2000, v5  }
0x76: {  	[tilespmem:$0x990] =	vst v5  }
0x77: {  	[tilespmem:s0], [sflag:$0x1] =	stream.indirect_vreg.gather [hbm4b:s1+s4], $0x80, v9, vm0, $0xb8;
	[tilespmem:$0x18A00] =	vst v63  }
0x78: {  	s26 =	simm.s32 $0x1200;
	v4 =	vperm.xlane v4, v2  }
0x79: {  	[tilespmem:s26], [sflag:$0x1] =	stream.indirect_vreg.gather [hbm4b:s7+s4], $0x80, v9, vm0, $0xb8;
	[tilespmem:$0x18A00] =	vst v63  }
0x7a: {  	s28 =	simm.s32 $0x1A00;
	v4 =	vadd.s32 v1, v4  }
0x7b: {  	[tilespmem:s28], [sflag:$0x1] =	stream.indirect_vreg.gather [hbm4b:s9+s4], $0x80, v9, vm0, $0xb8;
	[tilespmem:$0x18A00] =	vst v63  }
0x7c: {  	s29 =	simm.s32 $0x2200  }
0x7d: {  	[tilespmem:s29], [sflag:$0x1] =	stream.indirect_vreg.gather [hbm4b:s10+s4], $0x80, v9, vm0, $0xb8;
	[tilespmem:$0x18A00] =	vst v63  }
0x7e: {  	s2 =	simm.s32 $0x2A00  }
0x7f: {  	[tilespmem:s2], [sflag:$0x1] =	stream.indirect_vreg.gather [hbm4b:s1+s4], $0x80, v4, vm0, $0xb8;
	[tilespmem:$0x18A00] =	vst v63  }
0x80: {  	s3 =	simm.s32 $0x3200  }
0x81: {  	[tilespmem:s3], [sflag:$0x1] =	stream.indirect_vreg.gather [hbm4b:s7+s4], $0x80, v4, vm0, $0xb8;
	[tilespmem:$0x18A00] =	vst v63  }
0x82: {  	s5 =	simm.s32 $0x3A00  }
0x83: {  	[tilespmem:s5], [sflag:$0x1] =	stream.indirect_vreg.gather [hbm4b:s9+s4], $0x80, v4, vm0, $0xb8;
	[tilespmem:$0x18A00] =	vst v63  }
0x84: {  	s14 =	simm.s32 $0x4200  }
0x85: {  	[tilespmem:s14], [sflag:$0x1] =	stream.indirect_vreg.gather [hbm4b:s10+s4], $0x80, v4, vm0, $0xb8;
	[tilespmem:$0x18A00] =	vst v63  }
0x86: {  	v4 =	vld [tilespmem:$0x210];
	_ =	sdelay $0x4  }
0x87: {  	v5 =	vshll.u32 v4, $0x3  }
0x88: {  	v4 =	vand.u32 $0x7, v4;
	v5 =	vand.u32 $0xFFFFFFC0, v5  }
0x89: {  	v4 =	vor.u32 v4, v5  }
0x8a: {  	v5 =	vperm.xlane v4, v0;
	_ =	sdelay $0x1  }
0x8b: {  	v5 =	vadd.s32 v1, v5;
	_ =	sdelay $0x4  }
0x8c: {  	[tilespmem:s12], [sflag:$0x1] =	stream.indirect_vreg.gather [hbm4b:s1+s4], $0x80, v5, vm0, $0xb8;
	[tilespmem:$0x18A00] =	vst v63  }
0x8d: {  	v4 =	vperm.xlane v4, v2  }
0x8e: {  	[tilespmem:s11], [sflag:$0x1] =	stream.indirect_vreg.gather [hbm4b:s7+s4], $0x80, v5, vm0, $0xb8;
	[tilespmem:$0x18A00] =	vst v63  }
0x8f: {  	v4 =	vadd.s32 v1, v4  }
0x90: {  	[tilespmem:s18], [sflag:$0x1] =	stream.indirect_vreg.gather [hbm4b:s9+s4], $0x80, v5, vm0, $0xb8;
	[tilespmem:$0x18A00] =	vst v63  }
0x91: {  	_ = 	snop  }
0x92: {  	[tilespmem:s15], [sflag:$0x1] =	stream.indirect_vreg.gather [hbm4b:s10+s4], $0x80, v5, vm0, $0xb8;
	[tilespmem:$0x18A00] =	vst v63  }
0x93: {  	_ = 	snop  }
0x94: {  	[tilespmem:s16], [sflag:$0x1] =	stream.indirect_vreg.gather [hbm4b:s1+s4], $0x80, v4, vm0, $0xb8;
	[tilespmem:$0x18A00] =	vst v63  }
0x95: {  	_ = 	snop  }
0x96: {  	[tilespmem:s13], [sflag:$0x1] =	stream.indirect_vreg.gather [hbm4b:s7+s4], $0x80, v4, vm0, $0xb8;
	[tilespmem:$0x18A00] =	vst v63  }
0x97: {  	_ = 	snop  }
0x98: {  	[tilespmem:s6], [sflag:$0x1] =	stream.indirect_vreg.gather [hbm4b:s9+s4], $0x80, v4, vm0, $0xb8;
	[tilespmem:$0x18A00] =	vst v63  }
0x99: {  	_ = 	snop  }
0x9a: {  	[tilespmem:s19], [sflag:$0x1] =	stream.indirect_vreg.gather [hbm4b:s10+s4], $0x80, v4, vm0, $0xb8;
	[tilespmem:$0x18A00] =	vst v63  }
0x9b: {  	v4 =	vld [tilespmem:$0x280];
	_ =	sdelay $0x4  }
0x9c: {  	v5 =	vshll.u32 v4, $0x3  }
0x9d: {  	v4 =	vand.u32 $0x7, v4;
	v5 =	vand.u32 $0xFFFFFFC0, v5  }
0x9e: {  	v4 =	vor.u32 v4, v5  }
0x9f: {  	v5 =	vperm.xlane v4, v0;
	_ =	sdelay $0x1  }
0xa0: {  	v5 =	vadd.s32 v1, v5;
	_ =	sdelay $0x4  }
0xa1: {  	[tilespmem:s21], [sflag:$0x2] =	stream.indirect_vreg.gather [hbm4b:s1+s4], $0x80, v5, vm0, $0xb8;
	[tilespmem:$0x18A00] =	vst v63  }
0xa2: {  	s19 =	simm.s32 $0x9200;
	v4 =	vperm.xlane v4, v2  }
0xa3: {  	[tilespmem:s19], [sflag:$0x2] =	stream.indirect_vreg.gather [hbm4b:s7+s4], $0x80, v5, vm0, $0xb8;
	[tilespmem:$0x18A00] =	vst v63  }
0xa4: {  	s20 =	simm.s32 $0x9A00;
	v4 =	vadd.s32 v1, v4  }
0xa5: {  	[tilespmem:s20], [sflag:$0x2] =	stream.indirect_vreg.gather [hbm4b:s9+s4], $0x80, v5, vm0, $0xb8;
	[tilespmem:$0x18A00] =	vst v63  }
0xa6: {  	s24 =	simm.s32 $0xA200  }
0xa7: {  	[tilespmem:s24], [sflag:$0x2] =	stream.indirect_vreg.gather [hbm4b:s10+s4], $0x80, v5, vm0, $0xb8;
	[tilespmem:$0x18A00] =	vst v63  }
0xa8: {  	s26 =	simm.s32 $0xAA00  }
0xa9: {  	[tilespmem:s26], [sflag:$0x2] =	stream.indirect_vreg.gather [hbm4b:s1+s4], $0x80, v4, vm0, $0xb8;
	[tilespmem:$0x18A00] =	vst v63  }
0xaa: {  	s28 =	simm.s32 $0xB200  }
0xab: {  	[tilespmem:s28], [sflag:$0x2] =	stream.indirect_vreg.gather [hbm4b:s7+s4], $0x80, v4, vm0, $0xb8;
	[tilespmem:$0x18A00] =	vst v63  }
0xac: {  	s29 =	simm.s32 $0xBA00  }
0xad: {  	[tilespmem:s29], [sflag:$0x2] =	stream.indirect_vreg.gather [hbm4b:s9+s4], $0x80, v4, vm0, $0xb8;
	[tilespmem:$0x18A00] =	vst v63  }
0xae: {  	s3 =	simm.s32 $0xC200  }
0xaf: {  	[tilespmem:s3], [sflag:$0x2] =	stream.indirect_vreg.gather [hbm4b:s10+s4], $0x80, v4, vm0, $0xb8;
	[tilespmem:$0x18A00] =	vst v63  }
0xb0: {  	v4 =	vld [tilespmem:$0x290];
	_ =	sdelay $0x4  }
0xb1: {  	v5 =	vshll.u32 v4, $0x3  }
0xb2: {  	v4 =	vand.u32 $0x7, v4;
	v5 =	vand.u32 $0xFFFFFFC0, v5  }
0xb3: {  	v4 =	vor.u32 v4, v5  }
0xb4: {  	v5 =	vperm.xlane v4, v0;
	_ =	sdelay $0x1  }
0xb5: {  	v5 =	vadd.s32 v1, v5;
	_ =	sdelay $0x3  }
0xb6: {  	s6 =	simm.s32 $0xCA00  }
0xb7: {  	[tilespmem:s6], [sflag:$0x2] =	stream.indirect_vreg.gather [hbm4b:s1+s4], $0x80, v5, vm0, $0xb8;
	[tilespmem:$0x18A00] =	vst v63  }
0xb8: {  	s12 =	simm.s32 $0xD200;
	v4 =	vperm.xlane v4, v2  }
0xb9: {  	[tilespmem:s12], [sflag:$0x2] =	stream.indirect_vreg.gather [hbm4b:s7+s4], $0x80, v5, vm0, $0xb8;
	[tilespmem:$0x18A00] =	vst v63  }
0xba: {  	s20 =	simm.s32 $0xDA00;
	v4 =	vadd.s32 v1, v4  }
0xbb: {  	[tilespmem:s20], [sflag:$0x2] =	stream.indirect_vreg.gather [hbm4b:s9+s4], $0x80, v5, vm0, $0xb8;
	[tilespmem:$0x18A00] =	vst v63  }
0xbc: {  	s28 =	simm.s32 $0xE200  }
0xbd: {  	[tilespmem:s28], [sflag:$0x2] =	stream.indirect_vreg.gather [hbm4b:s10+s4], $0x80, v5, vm0, $0xb8;
	[tilespmem:$0x18A00] =	vst v63  }
0xbe: {  	s3 =	simm.s32 $0xEA00  }
0xbf: {  	[tilespmem:s3], [sflag:$0x2] =	stream.indirect_vreg.gather [hbm4b:s1+s4], $0x80, v4, vm0, $0xb8;
	[tilespmem:$0x18A00] =	vst v63  }
0xc0: {  	s6 =	simm.s32 $0xF200  }
0xc1: {  	[tilespmem:s6], [sflag:$0x2] =	stream.indirect_vreg.gather [hbm4b:s7+s4], $0x80, v4, vm0, $0xb8;
	[tilespmem:$0x18A00] =	vst v63  }
0xc2: {  	s12 =	simm.s32 $0xFA00  }
0xc3: {  	[tilespmem:s12], [sflag:$0x2] =	stream.indirect_vreg.gather [hbm4b:s9+s4], $0x80, v4, vm0, $0xb8;
	[tilespmem:$0x18A00] =	vst v63  }
0xc4: {  	s20 =	simm.s32 $0x10200  }
0xc5: {  	[tilespmem:s20], [sflag:$0x2] =	stream.indirect_vreg.gather [hbm4b:s10+s4], $0x80, v4, vm0, $0xb8;
	[tilespmem:$0x18A00] =	vst v63  }
0xc6: {  	_ =	swait.ge [sflag:s8], $0x8000  }
0xc7: {  	[sflag:s8] =	ssyncset.done $0x0  }
0xc8: {  	s0 =	simm.s32 $0xA00;
	s3 =	rddreg [dreg:$0x6];
	[sflag:s8] =	ssyncadd.s32 $0xFFFF8000  }
0xc9: {  	[hbm4b:s3+s4] =	stream.linear.scatter [tilespmem:s0], [sflag:$0x4], $0x8000, $0x38;
	[tilespmem:$0x18A00] =	vst v63  }
0xca: {  	v4 =	vld [tilespmem:$0x300];
	_ =	sdelay $0x4  }
0xcb: {  	v5 =	vshll.u32 v4, $0x3  }
0xcc: {  	v4 =	vand.u32 $0x7, v4;
	v5 =	vand.u32 $0xFFFFFFC0, v5  }
0xcd: {  	v4 =	vor.u32 v4, v5  }
0xce: {  	v5 =	vperm.xlane v4, v0;
	_ =	sdelay $0x1  }
0xcf: {  	v5 =	vadd.s32 v1, v5;
	_ =	sdelay $0x3  }
0xd0: {  	s3 =	simm.s32 $0x10A00  }
0xd1: {  	[tilespmem:s3], [sflag:$0x3] =	stream.indirect_vreg.gather [hbm4b:s1+s4], $0x80, v5, vm0, $0xb8;
	[tilespmem:$0x18A00] =	vst v63  }
0xd2: {  	s6 =	simm.s32 $0x11200;
	v4 =	vperm.xlane v4, v2  }
0xd3: {  	[tilespmem:s6], [sflag:$0x3] =	stream.indirect_vreg.gather [hbm4b:s7+s4], $0x80, v5, vm0, $0xb8;
	[tilespmem:$0x18A00] =	vst v63  }
0xd4: {  	s12 =	simm.s32 $0x11A00;
	v4 =	vadd.s32 v1, v4  }
0xd5: {  	[tilespmem:s12], [sflag:$0x3] =	stream.indirect_vreg.gather [hbm4b:s9+s4], $0x80, v5, vm0, $0xb8;
	[tilespmem:$0x18A00] =	vst v63  }
0xd6: {  	s6 =	simm.s32 $0x12200  }
0xd7: {  	[tilespmem:s6], [sflag:$0x3] =	stream.indirect_vreg.gather [hbm4b:s10+s4], $0x80, v5, vm0, $0xb8;
	[tilespmem:$0x18A00] =	vst v63  }
0xd8: {  	s12 =	simm.s32 $0x12A00  }
0xd9: {  	[tilespmem:s12], [sflag:$0x3] =	stream.indirect_vreg.gather [hbm4b:s1+s4], $0x80, v4, vm0, $0xb8;
	[tilespmem:$0x18A00] =	vst v63  }
0xda: {  	s6 =	simm.s32 $0x13200  }
0xdb: {  	[tilespmem:s6], [sflag:$0x3] =	stream.indirect_vreg.gather [hbm4b:s7+s4], $0x80, v4, vm0, $0xb8;
	[tilespmem:$0x18A00] =	vst v63  }
0xdc: {  	s12 =	simm.s32 $0x13A00  }
0xdd: {  	[tilespmem:s12], [sflag:$0x3] =	stream.indirect_vreg.gather [hbm4b:s9+s4], $0x80, v4, vm0, $0xb8;
	[tilespmem:$0x18A00] =	vst v63  }
0xde: {  	s6 =	simm.s32 $0x14200  }
0xdf: {  	[tilespmem:s6], [sflag:$0x3] =	stream.indirect_vreg.gather [hbm4b:s10+s4], $0x80, v4, vm0, $0xb8;
	[tilespmem:$0x18A00] =	vst v63  }
0xe0: {  	v4 =	vld [tilespmem:$0x310];
	_ =	sdelay $0x4  }
0xe1: {  	v5 =	vshll.u32 v4, $0x3  }
0xe2: {  	v4 =	vand.u32 $0x7, v4;
	v5 =	vand.u32 $0xFFFFFFC0, v5  }
0xe3: {  	v4 =	vor.u32 v4, v5  }
0xe4: {  	v5 =	vperm.xlane v4, v0;
	_ =	sdelay $0x1  }
0xe5: {  	v5 =	vadd.s32 v1, v5;
	_ =	sdelay $0x3  }
0xe6: {  	s12 =	simm.s32 $0x14A00  }
0xe7: {  	[tilespmem:s12], [sflag:$0x3] =	stream.indirect_vreg.gather [hbm4b:s1+s4], $0x80, v5, vm0, $0xb8;
	[tilespmem:$0x18A00] =	vst v63  }
0xe8: {  	s6 =	simm.s32 $0x15200;
	v4 =	vperm.xlane v4, v2  }
0xe9: {  	[tilespmem:s6], [sflag:$0x3] =	stream.indirect_vreg.gather [hbm4b:s7+s4], $0x80, v5, vm0, $0xb8;
	[tilespmem:$0x18A00] =	vst v63  }
0xea: {  	v4 =	vadd.s32 v1, v4;
	s12 =	simm.s32 $0x15A00  }
0xeb: {  	[tilespmem:s12], [sflag:$0x3] =	stream.indirect_vreg.gather [hbm4b:s9+s4], $0x80, v5, vm0, $0xb8;
	[tilespmem:$0x18A00] =	vst v63  }
0xec: {  	s6 =	simm.s32 $0x16200  }
0xed: {  	[tilespmem:s6], [sflag:$0x3] =	stream.indirect_vreg.gather [hbm4b:s10+s4], $0x80, v5, vm0, $0xb8;
	[tilespmem:$0x18A00] =	vst v63  }
0xee: {  	s12 =	simm.s32 $0x16A00  }
0xef: {  	[tilespmem:s12], [sflag:$0x3] =	stream.indirect_vreg.gather [hbm4b:s1+s4], $0x80, v4, vm0, $0xb8;
	[tilespmem:$0x18A00] =	vst v63  }
0xf0: {  	s6 =	simm.s32 $0x17200  }
0xf1: {  	[tilespmem:s6], [sflag:$0x3] =	stream.indirect_vreg.gather [hbm4b:s7+s4], $0x80, v4, vm0, $0xb8;
	[tilespmem:$0x18A00] =	vst v63  }
0xf2: {  	s12 =	simm.s32 $0x17A00  }
0xf3: {  	[tilespmem:s12], [sflag:$0x3] =	stream.indirect_vreg.gather [hbm4b:s9+s4], $0x80, v4, vm0, $0xb8;
	[tilespmem:$0x18A00] =	vst v63  }
0xf4: {  	s6 =	simm.s32 $0x18200  }
0xf5: {  	[tilespmem:s6], [sflag:$0x3] =	stream.indirect_vreg.gather [hbm4b:s10+s4], $0x80, v4, vm0, $0xb8;
	[tilespmem:$0x18A00] =	vst v63  }
0xf6: {  	_ =	swait.ge [sflag:s30], $0x8000  }
0xf7: {  	[sflag:s30] =	ssyncset.done $0x0  }
0xf8: {  	s12 =	rddreg [dreg:$0x7];
	[sflag:s30] =	ssyncadd.s32 $0xFFFF8000  }
0xf9: {  	[hbm4b:s12+s4] =	stream.linear.scatter [tilespmem:s21], [sflag:$0x5], $0x8000, $0x38;
	[tilespmem:$0x18A00] =	vst v63  }
0xfa: {  	_ =	swait.ge [sflag:s31], $0x8000  }
0xfb: {  	[sflag:s31] =	ssyncset.done $0x0  }
0xfc: {  	[sflag:s31] =	ssyncadd.s32 $0xFFFF8000  }
0xfd: {  	v4 =	vld [tilespmem:$0x380];
	_ =	sdelay $0x4  }
0xfe: {  	v5 =	vshll.u32 v4, $0x3  }
0xff: {  	v4 =	vand.u32 $0x7, v4;
	v5 =	vand.u32 $0xFFFFFFC0, v5  }
0x100: {  	v4 =	vor.u32 v4, v5  }
0x101: {  	v5 =	vperm.xlane v4, v0;
	_ =	sdelay $0x1  }
0x102: {  	v5 =	vadd.s32 v1, v5;
	_ =	sdelay $0x4  }
0x103: {  	[tilespmem:s0], [sflag:$0x1] =	stream.indirect_vreg.gather [hbm4b:s1+s4], $0x80, v5, vm0, $0xb8;
	[tilespmem:$0x18A00] =	vst v63  }
0x104: {  	s17 =	simm.s32 $0x1200;
	v4 =	vperm.xlane v4, v2  }
0x105: {  	[tilespmem:s17], [sflag:$0x1] =	stream.indirect_vreg.gather [hbm4b:s7+s4], $0x80, v5, vm0, $0xb8;
	[tilespmem:$0x18A00] =	vst v63  }
0x106: {  	s25 =	simm.s32 $0x1A00;
	v4 =	vadd.s32 v1, v4  }
0x107: {  	[tilespmem:s25], [sflag:$0x1] =	stream.indirect_vreg.gather [hbm4b:s9+s4], $0x80, v5, vm0, $0xb8;
	[tilespmem:$0x18A00] =	vst v63  }
0x108: {  	s25 =	simm.s32 $0x2200  }
0x109: {  	[tilespmem:s25], [sflag:$0x1] =	stream.indirect_vreg.gather [hbm4b:s10+s4], $0x80, v5, vm0, $0xb8;
	[tilespmem:$0x18A00] =	vst v63  }
0x10a: {  	s17 =	simm.s32 $0x2A00  }
0x10b: {  	[tilespmem:s17], [sflag:$0x1] =	stream.indirect_vreg.gather [hbm4b:s1+s4], $0x80, v4, vm0, $0xb8;
	[tilespmem:$0x18A00] =	vst v63  }
0x10c: {  	s12 =	simm.s32 $0x3200  }
0x10d: {  	[tilespmem:s12], [sflag:$0x1] =	stream.indirect_vreg.gather [hbm4b:s7+s4], $0x80, v4, vm0, $0xb8;
	[tilespmem:$0x18A00] =	vst v63  }
0x10e: {  	s6 =	simm.s32 $0x3A00  }
0x10f: {  	[tilespmem:s6], [sflag:$0x1] =	stream.indirect_vreg.gather [hbm4b:s9+s4], $0x80, v4, vm0, $0xb8;
	[tilespmem:$0x18A00] =	vst v63  }
0x110: {  	s5 =	simm.s32 $0x4200  }
0x111: {  	[tilespmem:s5], [sflag:$0x1] =	stream.indirect_vreg.gather [hbm4b:s10+s4], $0x80, v4, vm0, $0xb8;
	[tilespmem:$0x18A00] =	vst v63  }
0x112: {  	v4 =	vld [tilespmem:$0x390];
	_ =	sdelay $0x4  }
0x113: {  	v5 =	vshll.u32 v4, $0x3  }
0x114: {  	v4 =	vand.u32 $0x7, v4;
	v5 =	vand.u32 $0xFFFFFFC0, v5  }
0x115: {  	v4 =	vor.u32 v4, v5  }
0x116: {  	v5 =	vperm.xlane v4, v0;
	_ =	sdelay $0x1  }
0x117: {  	v5 =	vadd.s32 v1, v5;
	_ =	sdelay $0x3  }
0x118: {  	s2 =	simm.s32 $0x4A00  }
0x119: {  	[tilespmem:s2], [sflag:$0x1] =	stream.indirect_vreg.gather [hbm4b:s1+s4], $0x80, v5, vm0, $0xb8;
	[tilespmem:$0x18A00] =	vst v63  }
0x11a: {  	v4 =	vperm.xlane v4, v2;
	s2 =	simm.s32 $0x5200  }
0x11b: {  	[tilespmem:s2], [sflag:$0x1] =	stream.indirect_vreg.gather [hbm4b:s7+s4], $0x80, v5, vm0, $0xb8;
	[tilespmem:$0x18A00] =	vst v63  }
0x11c: {  	v4 =	vadd.s32 v1, v4;
	s2 =	simm.s32 $0x5A00  }
0x11d: {  	[tilespmem:s2], [sflag:$0x1] =	stream.indirect_vreg.gather [hbm4b:s9+s4], $0x80, v5, vm0, $0xb8;
	[tilespmem:$0x18A00] =	vst v63  }
0x11e: {  	s16 =	simm.s32 $0x6200  }
0x11f: {  	[tilespmem:s16], [sflag:$0x1] =	stream.indirect_vreg.gather [hbm4b:s10+s4], $0x80, v5, vm0, $0xb8;
	[tilespmem:$0x18A00] =	vst v63  }
0x120: {  	s16 =	simm.s32 $0x6A00  }
0x121: {  	[tilespmem:s16], [sflag:$0x1] =	stream.indirect_vreg.gather [hbm4b:s1+s4], $0x80, v4, vm0, $0xb8;
	[tilespmem:$0x18A00] =	vst v63  }
0x122: {  	s2 =	simm.s32 $0x7200  }
0x123: {  	[tilespmem:s2], [sflag:$0x1] =	stream.indirect_vreg.gather [hbm4b:s7+s4], $0x80, v4, vm0, $0xb8;
	[tilespmem:$0x18A00] =	vst v63  }
0x124: {  	s2 =	simm.s32 $0x7A00  }
0x125: {  	[tilespmem:s2], [sflag:$0x1] =	stream.indirect_vreg.gather [hbm4b:s9+s4], $0x80, v4, vm0, $0xb8;
	[tilespmem:$0x18A00] =	vst v63  }
0x126: {  	s2 =	simm.s32 $0x8200  }
0x127: {  	[tilespmem:s2], [sflag:$0x1] =	stream.indirect_vreg.gather [hbm4b:s10+s4], $0x80, v4, vm0, $0xb8;
	[tilespmem:$0x18A00] =	vst v63  }
0x128: {  	_ =	swait.ge [sflag:s22], $0x8000  }
0x129: {  	[sflag:s22] =	ssyncset.done $0x0  }
0x12a: {  	s23 =	simm.s32 $0x5;
	s2 =	rddreg [dreg:$0x8];
	[sflag:s22] =	ssyncadd.s32 $0xFFFF8000  }
0x12b: {  	[hbm4b:s2+s4] =	stream.linear.scatter [tilespmem:s3], [sflag:$0x6], $0x8000, $0x38;
	[tilespmem:$0x18A00] =	vst v63  }
0x12c: {  	_ =	swait.ge [sflag:s23], $0x8000  }
0x12d: {  	[sflag:s23] =	ssyncset.done $0x0  }
0x12e: {  	[sflag:s23] =	ssyncadd.s32 $0xFFFF8000  }
0x12f: {  	v4 =	vld [tilespmem:$0x400];
	_ =	sdelay $0x4  }
0x130: {  	v5 =	vshll.u32 v4, $0x3  }
0x131: {  	v4 =	vand.u32 $0x7, v4;
	v5 =	vand.u32 $0xFFFFFFC0, v5  }
0x132: {  	v4 =	vor.u32 v4, v5  }
0x133: {  	v5 =	vperm.xlane v4, v0;
	_ =	sdelay $0x1  }
0x134: {  	v5 =	vadd.s32 v1, v5;
	_ =	sdelay $0x4  }
0x135: {  	[tilespmem:s21], [sflag:$0x2] =	stream.indirect_vreg.gather [hbm4b:s1+s4], $0x80, v5, vm0, $0xb8;
	[tilespmem:$0x18A00] =	vst v63  }
0x136: {  	s19 =	simm.s32 $0x9200;
	v4 =	vperm.xlane v4, v2  }
0x137: {  	[tilespmem:s19], [sflag:$0x2] =	stream.indirect_vreg.gather [hbm4b:s7+s4], $0x80, v5, vm0, $0xb8;
	[tilespmem:$0x18A00] =	vst v63  }
0x138: {  	s14 =	simm.s32 $0x9A00;
	v4 =	vadd.s32 v1, v4  }
0x139: {  	[tilespmem:s14], [sflag:$0x2] =	stream.indirect_vreg.gather [hbm4b:s9+s4], $0x80, v5, vm0, $0xb8;
	[tilespmem:$0x18A00] =	vst v63  }
0x13a: {  	s13 =	simm.s32 $0xA200  }
0x13b: {  	[tilespmem:s13], [sflag:$0x2] =	stream.indirect_vreg.gather [hbm4b:s10+s4], $0x80, v5, vm0, $0xb8;
	[tilespmem:$0x18A00] =	vst v63  }
0x13c: {  	s11 =	simm.s32 $0xAA00  }
0x13d: {  	[tilespmem:s11], [sflag:$0x2] =	stream.indirect_vreg.gather [hbm4b:s1+s4], $0x80, v4, vm0, $0xb8;
	[tilespmem:$0x18A00] =	vst v63  }
0x13e: {  	s18 =	simm.s32 $0xB200  }
0x13f: {  	[tilespmem:s18], [sflag:$0x2] =	stream.indirect_vreg.gather [hbm4b:s7+s4], $0x80, v4, vm0, $0xb8;
	[tilespmem:$0x18A00] =	vst v63  }
0x140: {  	s29 =	simm.s32 $0xBA00  }
0x141: {  	[tilespmem:s29], [sflag:$0x2] =	stream.indirect_vreg.gather [hbm4b:s9+s4], $0x80, v4, vm0, $0xb8;
	[tilespmem:$0x18A00] =	vst v63  }
0x142: {  	s15 =	simm.s32 $0xC200  }
0x143: {  	[tilespmem:s15], [sflag:$0x2] =	stream.indirect_vreg.gather [hbm4b:s10+s4], $0x80, v4, vm0, $0xb8;
	[tilespmem:$0x18A00] =	vst v63  }
0x144: {  	v4 =	vld [tilespmem:$0x410];
	_ =	sdelay $0x4  }
0x145: {  	v5 =	vshll.u32 v4, $0x3  }
0x146: {  	v4 =	vand.u32 $0x7, v4;
	v5 =	vand.u32 $0xFFFFFFC0, v5  }
0x147: {  	v4 =	vor.u32 v4, v5  }
0x148: {  	v5 =	vperm.xlane v4, v0;
	_ =	sdelay $0x1  }
0x149: {  	v5 =	vadd.s32 v1, v5;
	_ =	sdelay $0x3  }
0x14a: {  	s24 =	simm.s32 $0xCA00  }
0x14b: {  	[tilespmem:s24], [sflag:$0x2] =	stream.indirect_vreg.gather [hbm4b:s1+s4], $0x80, v5, vm0, $0xb8;
	[tilespmem:$0x18A00] =	vst v63  }
0x14c: {  	s26 =	simm.s32 $0xD200;
	v4 =	vperm.xlane v4, v2  }
0x14d: {  	[tilespmem:s26], [sflag:$0x2] =	stream.indirect_vreg.gather [hbm4b:s7+s4], $0x80, v5, vm0, $0xb8;
	[tilespmem:$0x18A00] =	vst v63  }
0x14e: {  	s13 =	simm.s32 $0xDA00;
	v4 =	vadd.s32 v1, v4  }
0x14f: {  	[tilespmem:s13], [sflag:$0x2] =	stream.indirect_vreg.gather [hbm4b:s9+s4], $0x80, v5, vm0, $0xb8;
	[tilespmem:$0x18A00] =	vst v63  }
0x150: {  	s15 =	simm.s32 $0xE200  }
0x151: {  	[tilespmem:s15], [sflag:$0x2] =	stream.indirect_vreg.gather [hbm4b:s10+s4], $0x80, v5, vm0, $0xb8;
	[tilespmem:$0x18A00] =	vst v63  }
0x152: {  	s18 =	simm.s32 $0xEA00  }
0x153: {  	[tilespmem:s18], [sflag:$0x2] =	stream.indirect_vreg.gather [hbm4b:s1+s4], $0x80, v4, vm0, $0xb8;
	[tilespmem:$0x18A00] =	vst v63  }
0x154: {  	s19 =	simm.s32 $0xF200  }
0x155: {  	[tilespmem:s19], [sflag:$0x2] =	stream.indirect_vreg.gather [hbm4b:s7+s4], $0x80, v4, vm0, $0xb8;
	[tilespmem:$0x18A00] =	vst v63  }
0x156: {  	s28 =	simm.s32 $0xFA00  }
0x157: {  	[tilespmem:s28], [sflag:$0x2] =	stream.indirect_vreg.gather [hbm4b:s9+s4], $0x80, v4, vm0, $0xb8;
	[tilespmem:$0x18A00] =	vst v63  }
0x158: {  	s20 =	simm.s32 $0x10200  }
0x159: {  	[tilespmem:s20], [sflag:$0x2] =	stream.indirect_vreg.gather [hbm4b:s10+s4], $0x80, v4, vm0, $0xb8;
	[tilespmem:$0x18A00] =	vst v63  }
0x15a: {  	_ =	swait.ge [sflag:s8], $0x8000  }
0x15b: {  	[sflag:s8] =	ssyncset.done $0x0  }
0x15c: {  	s14 =	simm.s32 $0x6;
	s23 =	rddreg [dreg:$0x9];
	[sflag:s8] =	ssyncadd.s32 $0xFFFF8000  }
0x15d: {  	[hbm4b:s23+s4] =	stream.linear.scatter [tilespmem:s0], [sflag:$0x4], $0x8000, $0x38;
	[tilespmem:$0x18A00] =	vst v63  }
0x15e: {  	_ =	swait.ge [sflag:s14], $0x8000  }
0x15f: {  	[sflag:s14] =	ssyncset.done $0x0  }
0x160: {  	[sflag:s14] =	ssyncadd.s32 $0xFFFF8000  }
0x161: {  	v4 =	vld [tilespmem:$0x480];
	_ =	sdelay $0x4  }
0x162: {  	v5 =	vshll.u32 v4, $0x3  }
0x163: {  	v4 =	vand.u32 $0x7, v4;
	v5 =	vand.u32 $0xFFFFFFC0, v5  }
0x164: {  	v4 =	vor.u32 v4, v5  }
0x165: {  	v5 =	vperm.xlane v4, v0;
	_ =	sdelay $0x1  }
0x166: {  	v5 =	vadd.s32 v1, v5;
	_ =	sdelay $0x4  }
0x167: {  	[tilespmem:s3], [sflag:$0x3] =	stream.indirect_vreg.gather [hbm4b:s1+s4], $0x80, v5, vm0, $0xb8;
	[tilespmem:$0x18A00] =	vst v63  }
0x168: {  	s24 =	simm.s32 $0x11200;
	v4 =	vperm.xlane v4, v2  }
0x169: {  	[tilespmem:s24], [sflag:$0x3] =	stream.indirect_vreg.gather [hbm4b:s7+s4], $0x80, v5, vm0, $0xb8;
	[tilespmem:$0x18A00] =	vst v63  }
0x16a: {  	s26 =	simm.s32 $0x11A00;
	v4 =	vadd.s32 v1, v4  }
0x16b: {  	[tilespmem:s26], [sflag:$0x3] =	stream.indirect_vreg.gather [hbm4b:s9+s4], $0x80, v5, vm0, $0xb8;
	[tilespmem:$0x18A00] =	vst v63  }
0x16c: {  	s28 =	simm.s32 $0x12200  }
0x16d: {  	[tilespmem:s28], [sflag:$0x3] =	stream.indirect_vreg.gather [hbm4b:s10+s4], $0x80, v5, vm0, $0xb8;
	[tilespmem:$0x18A00] =	vst v63  }
0x16e: {  	s29 =	simm.s32 $0x12A00  }
0x16f: {  	[tilespmem:s29], [sflag:$0x3] =	stream.indirect_vreg.gather [hbm4b:s1+s4], $0x80, v4, vm0, $0xb8;
	[tilespmem:$0x18A00] =	vst v63  }
0x170: {  	s13 =	simm.s32 $0x13200  }
0x171: {  	[tilespmem:s13], [sflag:$0x3] =	stream.indirect_vreg.gather [hbm4b:s7+s4], $0x80, v4, vm0, $0xb8;
	[tilespmem:$0x18A00] =	vst v63  }
0x172: {  	s15 =	simm.s32 $0x13A00  }
0x173: {  	[tilespmem:s15], [sflag:$0x3] =	stream.indirect_vreg.gather [hbm4b:s9+s4], $0x80, v4, vm0, $0xb8;
	[tilespmem:$0x18A00] =	vst v63  }
0x174: {  	s19 =	simm.s32 $0x14200  }
0x175: {  	[tilespmem:s19], [sflag:$0x3] =	stream.indirect_vreg.gather [hbm4b:s10+s4], $0x80, v4, vm0, $0xb8;
	[tilespmem:$0x18A00] =	vst v63  }
0x176: {  	v4 =	vld [tilespmem:$0x490];
	_ =	sdelay $0x4  }
0x177: {  	v5 =	vshll.u32 v4, $0x3  }
0x178: {  	v4 =	vand.u32 $0x7, v4;
	v5 =	vand.u32 $0xFFFFFFC0, v5  }
0x179: {  	v4 =	vor.u32 v4, v5  }
0x17a: {  	v5 =	vperm.xlane v4, v0;
	_ =	sdelay $0x1  }
0x17b: {  	v5 =	vadd.s32 v1, v5;
	_ =	sdelay $0x3  }
0x17c: {  	s23 =	simm.s32 $0x14A00  }
0x17d: {  	[tilespmem:s23], [sflag:$0x3] =	stream.indirect_vreg.gather [hbm4b:s1+s4], $0x80, v5, vm0, $0xb8;
	[tilespmem:$0x18A00] =	vst v63  }
0x17e: {  	s28 =	simm.s32 $0x15200;
	v4 =	vperm.xlane v4, v2  }
0x17f: {  	[tilespmem:s28], [sflag:$0x3] =	stream.indirect_vreg.gather [hbm4b:s7+s4], $0x80, v5, vm0, $0xb8;
	[tilespmem:$0x18A00] =	vst v63  }
0x180: {  	s29 =	simm.s32 $0x15A00;
	v4 =	vadd.s32 v1, v4  }
0x181: {  	[tilespmem:s29], [sflag:$0x3] =	stream.indirect_vreg.gather [hbm4b:s9+s4], $0x80, v5, vm0, $0xb8;
	[tilespmem:$0x18A00] =	vst v63  }
0x182: {  	s13 =	simm.s32 $0x16200  }
0x183: {  	[tilespmem:s13], [sflag:$0x3] =	stream.indirect_vreg.gather [hbm4b:s10+s4], $0x80, v5, vm0, $0xb8;
	[tilespmem:$0x18A00] =	vst v63  }
0x184: {  	s15 =	simm.s32 $0x16A00  }
0x185: {  	[tilespmem:s15], [sflag:$0x3] =	stream.indirect_vreg.gather [hbm4b:s1+s4], $0x80, v4, vm0, $0xb8;
	[tilespmem:$0x18A00] =	vst v63  }
0x186: {  	s19 =	simm.s32 $0x17200  }
0x187: {  	[tilespmem:s19], [sflag:$0x3] =	stream.indirect_vreg.gather [hbm4b:s7+s4], $0x80, v4, vm0, $0xb8;
	[tilespmem:$0x18A00] =	vst v63  }
0x188: {  	s23 =	simm.s32 $0x17A00  }
0x189: {  	[tilespmem:s23], [sflag:$0x3] =	stream.indirect_vreg.gather [hbm4b:s9+s4], $0x80, v4, vm0, $0xb8;
	[tilespmem:$0x18A00] =	vst v63  }
0x18a: {  	s13 =	simm.s32 $0x18200  }
0x18b: {  	[tilespmem:s13], [sflag:$0x3] =	stream.indirect_vreg.gather [hbm4b:s10+s4], $0x80, v4, vm0, $0xb8;
	[tilespmem:$0x18A00] =	vst v63  }
0x18c: {  	_ =	swait.ge [sflag:s30], $0x8000  }
0x18d: {  	[sflag:s30] =	ssyncset.done $0x0  }
0x18e: {  	s15 =	rddreg [dreg:$0xa];
	[sflag:s30] =	ssyncadd.s32 $0xFFFF8000  }
0x18f: {  	[hbm4b:s15+s4] =	stream.linear.scatter [tilespmem:s21], [sflag:$0x5], $0x8000, $0x38;
	[tilespmem:$0x18A00] =	vst v63  }
0x190: {  	_ =	swait.ge [sflag:s31], $0x8000  }
0x191: {  	[sflag:s31] =	ssyncset.done $0x0  }
0x192: {  	[sflag:s31] =	ssyncadd.s32 $0xFFFF8000  }
0x193: {  	v4 =	vld [tilespmem:$0x500];
	_ =	sdelay $0x4  }
0x194: {  	v5 =	vshll.u32 v4, $0x3  }
0x195: {  	v4 =	vand.u32 $0x7, v4;
	v5 =	vand.u32 $0xFFFFFFC0, v5  }
0x196: {  	v4 =	vor.u32 v4, v5  }
0x197: {  	v5 =	vperm.xlane v4, v0;
	_ =	sdelay $0x1  }
0x198: {  	v5 =	vadd.s32 v1, v5;
	_ =	sdelay $0x4  }
0x199: {  	[tilespmem:s0], [sflag:$0x1] =	stream.indirect_vreg.gather [hbm4b:s1+s4], $0x80, v5, vm0, $0xb8;
	[tilespmem:$0x18A00] =	vst v63  }
0x19a: {  	s19 =	simm.s32 $0x1200;
	v4 =	vperm.xlane v4, v2  }
0x19b: {  	[tilespmem:s19], [sflag:$0x1] =	stream.indirect_vreg.gather [hbm4b:s7+s4], $0x80, v5, vm0, $0xb8;
	[tilespmem:$0x18A00] =	vst v63  }
0x19c: {  	s23 =	simm.s32 $0x1A00;
	v4 =	vadd.s32 v1, v4  }
0x19d: {  	[tilespmem:s23], [sflag:$0x1] =	stream.indirect_vreg.gather [hbm4b:s9+s4], $0x80, v5, vm0, $0xb8;
	[tilespmem:$0x18A00] =	vst v63  }
0x19e: {  	_ = 	snop  }
0x19f: {  	[tilespmem:s25], [sflag:$0x1] =	stream.indirect_vreg.gather [hbm4b:s10+s4], $0x80, v5, vm0, $0xb8;
	[tilespmem:$0x18A00] =	vst v63  }
0x1a0: {  	_ = 	snop  }
0x1a1: {  	[tilespmem:s17], [sflag:$0x1] =	stream.indirect_vreg.gather [hbm4b:s1+s4], $0x80, v4, vm0, $0xb8;
	[tilespmem:$0x18A00] =	vst v63  }
0x1a2: {  	_ = 	snop  }
0x1a3: {  	[tilespmem:s12], [sflag:$0x1] =	stream.indirect_vreg.gather [hbm4b:s7+s4], $0x80, v4, vm0, $0xb8;
	[tilespmem:$0x18A00] =	vst v63  }
0x1a4: {  	_ = 	snop  }
0x1a5: {  	[tilespmem:s6], [sflag:$0x1] =	stream.indirect_vreg.gather [hbm4b:s9+s4], $0x80, v4, vm0, $0xb8;
	[tilespmem:$0x18A00] =	vst v63  }
0x1a6: {  	s5 =	simm.s32 $0x4200  }
0x1a7: {  	[tilespmem:s5], [sflag:$0x1] =	stream.indirect_vreg.gather [hbm4b:s10+s4], $0x80, v4, vm0, $0xb8;
	[tilespmem:$0x18A00] =	vst v63  }
0x1a8: {  	v4 =	vld [tilespmem:$0x510];
	_ =	sdelay $0x4  }
0x1a9: {  	v5 =	vshll.u32 v4, $0x3  }
0x1aa: {  	v4 =	vand.u32 $0x7, v4;
	v5 =	vand.u32 $0xFFFFFFC0, v5  }
0x1ab: {  	v4 =	vor.u32 v4, v5  }
0x1ac: {  	v5 =	vperm.xlane v4, v0;
	_ =	sdelay $0x1  }
0x1ad: {  	v5 =	vadd.s32 v1, v5;
	_ =	sdelay $0x3  }
0x1ae: {  	s12 =	simm.s32 $0x4A00  }
0x1af: {  	[tilespmem:s12], [sflag:$0x1] =	stream.indirect_vreg.gather [hbm4b:s1+s4], $0x80, v5, vm0, $0xb8;
	[tilespmem:$0x18A00] =	vst v63  }
0x1b0: {  	s15 =	simm.s32 $0x5200;
	v4 =	vperm.xlane v4, v2  }
0x1b1: {  	[tilespmem:s15], [sflag:$0x1] =	stream.indirect_vreg.gather [hbm4b:s7+s4], $0x80, v5, vm0, $0xb8;
	[tilespmem:$0x18A00] =	vst v63  }
0x1b2: {  	s25 =	simm.s32 $0x5A00;
	v4 =	vadd.s32 v1, v4  }
0x1b3: {  	[tilespmem:s25], [sflag:$0x1] =	stream.indirect_vreg.gather [hbm4b:s9+s4], $0x80, v5, vm0, $0xb8;
	[tilespmem:$0x18A00] =	vst v63  }
0x1b4: {  	s15 =	simm.s32 $0x6200  }
0x1b5: {  	[tilespmem:s15], [sflag:$0x1] =	stream.indirect_vreg.gather [hbm4b:s10+s4], $0x80, v5, vm0, $0xb8;
	[tilespmem:$0x18A00] =	vst v63  }
0x1b6: {  	_ = 	snop  }
0x1b7: {  	[tilespmem:s16], [sflag:$0x1] =	stream.indirect_vreg.gather [hbm4b:s1+s4], $0x80, v4, vm0, $0xb8;
	[tilespmem:$0x18A00] =	vst v63  }
0x1b8: {  	s12 =	simm.s32 $0x7200  }
0x1b9: {  	[tilespmem:s12], [sflag:$0x1] =	stream.indirect_vreg.gather [hbm4b:s7+s4], $0x80, v4, vm0, $0xb8;
	[tilespmem:$0x18A00] =	vst v63  }
0x1ba: {  	s25 =	simm.s32 $0x7A00  }
0x1bb: {  	[tilespmem:s25], [sflag:$0x1] =	stream.indirect_vreg.gather [hbm4b:s9+s4], $0x80, v4, vm0, $0xb8;
	[tilespmem:$0x18A00] =	vst v63  }
0x1bc: {  	s12 =	simm.s32 $0x8200  }
0x1bd: {  	[tilespmem:s12], [sflag:$0x1] =	stream.indirect_vreg.gather [hbm4b:s10+s4], $0x80, v4, vm0, $0xb8;
	[tilespmem:$0x18A00] =	vst v63  }
0x1be: {  	_ =	swait.ge [sflag:s22], $0x8000  }
0x1bf: {  	[sflag:s22] =	ssyncset.done $0x0  }
0x1c0: {  	s5 =	simm.s32 $0x5;
	s25 =	rddreg [dreg:$0xb];
	[sflag:s22] =	ssyncadd.s32 $0xFFFF8000  }
0x1c1: {  	[hbm4b:s25+s4] =	stream.linear.scatter [tilespmem:s3], [sflag:$0x6], $0x8000, $0x38;
	[tilespmem:$0x18A00] =	vst v63  }
0x1c2: {  	_ =	swait.ge [sflag:s5], $0x8000  }
0x1c3: {  	[sflag:s5] =	ssyncset.done $0x0  }
0x1c4: {  	[sflag:s5] =	ssyncadd.s32 $0xFFFF8000  }
0x1c5: {  	v4 =	vld [tilespmem:$0x580];
	_ =	sdelay $0x4  }
0x1c6: {  	v5 =	vshll.u32 v4, $0x3  }
0x1c7: {  	v4 =	vand.u32 $0x7, v4;
	v5 =	vand.u32 $0xFFFFFFC0, v5  }
0x1c8: {  	v4 =	vor.u32 v4, v5  }
0x1c9: {  	v5 =	vperm.xlane v4, v0;
	_ =	sdelay $0x1  }
0x1ca: {  	v5 =	vadd.s32 v1, v5;
	_ =	sdelay $0x4  }
0x1cb: {  	[tilespmem:s21], [sflag:$0x2] =	stream.indirect_vreg.gather [hbm4b:s1+s4], $0x80, v5, vm0, $0xb8;
	[tilespmem:$0x18A00] =	vst v63  }
0x1cc: {  	s12 =	simm.s32 $0x9200;
	v4 =	vperm.xlane v4, v2  }
0x1cd: {  	[tilespmem:s12], [sflag:$0x2] =	stream.indirect_vreg.gather [hbm4b:s7+s4], $0x80, v5, vm0, $0xb8;
	[tilespmem:$0x18A00] =	vst v63  }
0x1ce: {  	s25 =	simm.s32 $0x9A00;
	v4 =	vadd.s32 v1, v4  }
0x1cf: {  	[tilespmem:s25], [sflag:$0x2] =	stream.indirect_vreg.gather [hbm4b:s9+s4], $0x80, v5, vm0, $0xb8;
	[tilespmem:$0x18A00] =	vst v63  }
0x1d0: {  	s12 =	simm.s32 $0xA200  }
0x1d1: {  	[tilespmem:s12], [sflag:$0x2] =	stream.indirect_vreg.gather [hbm4b:s10+s4], $0x80, v5, vm0, $0xb8;
	[tilespmem:$0x18A00] =	vst v63  }
0x1d2: {  	s25 =	simm.s32 $0xAA00  }
0x1d3: {  	[tilespmem:s25], [sflag:$0x2] =	stream.indirect_vreg.gather [hbm4b:s1+s4], $0x80, v4, vm0, $0xb8;
	[tilespmem:$0x18A00] =	vst v63  }
0x1d4: {  	s12 =	simm.s32 $0xB200  }
0x1d5: {  	[tilespmem:s12], [sflag:$0x2] =	stream.indirect_vreg.gather [hbm4b:s7+s4], $0x80, v4, vm0, $0xb8;
	[tilespmem:$0x18A00] =	vst v63  }
0x1d6: {  	s25 =	simm.s32 $0xBA00  }
0x1d7: {  	[tilespmem:s25], [sflag:$0x2] =	stream.indirect_vreg.gather [hbm4b:s9+s4], $0x80, v4, vm0, $0xb8;
	[tilespmem:$0x18A00] =	vst v63  }
0x1d8: {  	s12 =	simm.s32 $0xC200  }
0x1d9: {  	[tilespmem:s12], [sflag:$0x2] =	stream.indirect_vreg.gather [hbm4b:s10+s4], $0x80, v4, vm0, $0xb8;
	[tilespmem:$0x18A00] =	vst v63  }
0x1da: {  	v4 =	vld [tilespmem:$0x590];
	_ =	sdelay $0x4  }
0x1db: {  	v5 =	vshll.u32 v4, $0x3  }
0x1dc: {  	v4 =	vand.u32 $0x7, v4;
	v5 =	vand.u32 $0xFFFFFFC0, v5  }
0x1dd: {  	v4 =	vor.u32 v4, v5  }
0x1de: {  	v5 =	vperm.xlane v4, v0;
	_ =	sdelay $0x1  }
0x1df: {  	v5 =	vadd.s32 v1, v5;
	_ =	sdelay $0x3  }
0x1e0: {  	s25 =	simm.s32 $0xCA00  }
0x1e1: {  	[tilespmem:s25], [sflag:$0x2] =	stream.indirect_vreg.gather [hbm4b:s1+s4], $0x80, v5, vm0, $0xb8;
	[tilespmem:$0x18A00] =	vst v63  }
0x1e2: {  	s12 =	simm.s32 $0xD200;
	v4 =	vperm.xlane v4, v2  }
0x1e3: {  	[tilespmem:s12], [sflag:$0x2] =	stream.indirect_vreg.gather [hbm4b:s7+s4], $0x80, v5, vm0, $0xb8;
	[tilespmem:$0x18A00] =	vst v63  }
0x1e4: {  	v4 =	vadd.s32 v1, v4;
	s25 =	simm.s32 $0xDA00  }
0x1e5: {  	[tilespmem:s25], [sflag:$0x2] =	stream.indirect_vreg.gather [hbm4b:s9+s4], $0x80, v5, vm0, $0xb8;
	[tilespmem:$0x18A00] =	vst v63  }
0x1e6: {  	s12 =	simm.s32 $0xE200  }
0x1e7: {  	[tilespmem:s12], [sflag:$0x2] =	stream.indirect_vreg.gather [hbm4b:s10+s4], $0x80, v5, vm0, $0xb8;
	[tilespmem:$0x18A00] =	vst v63  }
0x1e8: {  	s25 =	simm.s32 $0xEA00  }
0x1e9: {  	[tilespmem:s25], [sflag:$0x2] =	stream.indirect_vreg.gather [hbm4b:s1+s4], $0x80, v4, vm0, $0xb8;
	[tilespmem:$0x18A00] =	vst v63  }
0x1ea: {  	s12 =	simm.s32 $0xF200  }
0x1eb: {  	[tilespmem:s12], [sflag:$0x2] =	stream.indirect_vreg.gather [hbm4b:s7+s4], $0x80, v4, vm0, $0xb8;
	[tilespmem:$0x18A00] =	vst v63  }
0x1ec: {  	s25 =	simm.s32 $0xFA00  }
0x1ed: {  	[tilespmem:s25], [sflag:$0x2] =	stream.indirect_vreg.gather [hbm4b:s9+s4], $0x80, v4, vm0, $0xb8;
	[tilespmem:$0x18A00] =	vst v63  }
0x1ee: {  	s12 =	simm.s32 $0x10200  }
0x1ef: {  	[tilespmem:s12], [sflag:$0x2] =	stream.indirect_vreg.gather [hbm4b:s10+s4], $0x80, v4, vm0, $0xb8;
	[tilespmem:$0x18A00] =	vst v63  }
0x1f0: {  	_ =	swait.ge [sflag:s8], $0x8000  }
0x1f1: {  	[sflag:s8] =	ssyncset.done $0x0  }
0x1f2: {  	s25 =	rddreg [dreg:$0xc];
	[sflag:s8] =	ssyncadd.s32 $0xFFFF8000  }
0x1f3: {  	[hbm4b:s25+s4] =	stream.linear.scatter [tilespmem:s0], [sflag:$0x4], $0x8000, $0x38;
	[tilespmem:$0x18A00] =	vst v63  }
0x1f4: {  	_ =	swait.ge [sflag:s14], $0x8000  }
0x1f5: {  	[sflag:s14] =	ssyncset.done $0x0  }
0x1f6: {  	[sflag:s14] =	ssyncadd.s32 $0xFFFF8000  }
0x1f7: {  	v4 =	vld [tilespmem:$0x600];
	_ =	sdelay $0x4  }
0x1f8: {  	v5 =	vshll.u32 v4, $0x3  }
0x1f9: {  	v4 =	vand.u32 $0x7, v4;
	v5 =	vand.u32 $0xFFFFFFC0, v5  }
0x1fa: {  	v4 =	vor.u32 v4, v5  }
0x1fb: {  	v5 =	vperm.xlane v4, v0;
	_ =	sdelay $0x1  }
0x1fc: {  	v5 =	vadd.s32 v1, v5;
	_ =	sdelay $0x4  }
0x1fd: {  	[tilespmem:s3], [sflag:$0x3] =	stream.indirect_vreg.gather [hbm4b:s1+s4], $0x80, v5, vm0, $0xb8;
	[tilespmem:$0x18A00] =	vst v63  }
0x1fe: {  	s12 =	simm.s32 $0x11200;
	v4 =	vperm.xlane v4, v2  }
0x1ff: {  	[tilespmem:s12], [sflag:$0x3] =	stream.indirect_vreg.gather [hbm4b:s7+s4], $0x80, v5, vm0, $0xb8;
	[tilespmem:$0x18A00] =	vst v63  }
0x200: {  	s11 =	simm.s32 $0x11A00;
	v4 =	vadd.s32 v1, v4  }
0x201: {  	[tilespmem:s11], [sflag:$0x3] =	stream.indirect_vreg.gather [hbm4b:s9+s4], $0x80, v5, vm0, $0xb8;
	[tilespmem:$0x18A00] =	vst v63  }
0x202: {  	s18 =	simm.s32 $0x12200  }
0x203: {  	[tilespmem:s18], [sflag:$0x3] =	stream.indirect_vreg.gather [hbm4b:s10+s4], $0x80, v5, vm0, $0xb8;
	[tilespmem:$0x18A00] =	vst v63  }
0x204: {  	s20 =	simm.s32 $0x12A00  }
0x205: {  	[tilespmem:s20], [sflag:$0x3] =	stream.indirect_vreg.gather [hbm4b:s1+s4], $0x80, v4, vm0, $0xb8;
	[tilespmem:$0x18A00] =	vst v63  }
0x206: {  	s24 =	simm.s32 $0x13200  }
0x207: {  	[tilespmem:s24], [sflag:$0x3] =	stream.indirect_vreg.gather [hbm4b:s7+s4], $0x80, v4, vm0, $0xb8;
	[tilespmem:$0x18A00] =	vst v63  }
0x208: {  	s26 =	simm.s32 $0x13A00  }
0x209: {  	[tilespmem:s26], [sflag:$0x3] =	stream.indirect_vreg.gather [hbm4b:s9+s4], $0x80, v4, vm0, $0xb8;
	[tilespmem:$0x18A00] =	vst v63  }
0x20a: {  	s20 =	simm.s32 $0x14200  }
0x20b: {  	[tilespmem:s20], [sflag:$0x3] =	stream.indirect_vreg.gather [hbm4b:s10+s4], $0x80, v4, vm0, $0xb8;
	[tilespmem:$0x18A00] =	vst v63  }
0x20c: {  	v4 =	vld [tilespmem:$0x610];
	_ =	sdelay $0x4  }
0x20d: {  	v5 =	vshll.u32 v4, $0x3  }
0x20e: {  	v4 =	vand.u32 $0x7, v4;
	v5 =	vand.u32 $0xFFFFFFC0, v5  }
0x20f: {  	v4 =	vor.u32 v4, v5  }
0x210: {  	v5 =	vperm.xlane v4, v0;
	_ =	sdelay $0x1  }
0x211: {  	v5 =	vadd.s32 v1, v5;
	_ =	sdelay $0x3  }
0x212: {  	s24 =	simm.s32 $0x14A00  }
0x213: {  	[tilespmem:s24], [sflag:$0x3] =	stream.indirect_vreg.gather [hbm4b:s1+s4], $0x80, v5, vm0, $0xb8;
	[tilespmem:$0x18A00] =	vst v63  }
0x214: {  	s18 =	simm.s32 $0x15200;
	v4 =	vperm.xlane v4, v2  }
0x215: {  	[tilespmem:s18], [sflag:$0x3] =	stream.indirect_vreg.gather [hbm4b:s7+s4], $0x80, v5, vm0, $0xb8;
	[tilespmem:$0x18A00] =	vst v63  }
0x216: {  	s29 =	simm.s32 $0x15A00;
	v4 =	vadd.s32 v1, v4  }
0x217: {  	[tilespmem:s29], [sflag:$0x3] =	stream.indirect_vreg.gather [hbm4b:s9+s4], $0x80, v5, vm0, $0xb8;
	[tilespmem:$0x18A00] =	vst v63  }
0x218: {  	s28 =	simm.s32 $0x16200  }
0x219: {  	[tilespmem:s28], [sflag:$0x3] =	stream.indirect_vreg.gather [hbm4b:s10+s4], $0x80, v5, vm0, $0xb8;
	[tilespmem:$0x18A00] =	vst v63  }
0x21a: {  	s20 =	simm.s32 $0x16A00  }
0x21b: {  	[tilespmem:s20], [sflag:$0x3] =	stream.indirect_vreg.gather [hbm4b:s1+s4], $0x80, v4, vm0, $0xb8;
	[tilespmem:$0x18A00] =	vst v63  }
0x21c: {  	s24 =	simm.s32 $0x17200  }
0x21d: {  	[tilespmem:s24], [sflag:$0x3] =	stream.indirect_vreg.gather [hbm4b:s7+s4], $0x80, v4, vm0, $0xb8;
	[tilespmem:$0x18A00] =	vst v63  }
0x21e: {  	s28 =	simm.s32 $0x17A00  }
0x21f: {  	[tilespmem:s28], [sflag:$0x3] =	stream.indirect_vreg.gather [hbm4b:s9+s4], $0x80, v4, vm0, $0xb8;
	[tilespmem:$0x18A00] =	vst v63  }
0x220: {  	s18 =	simm.s32 $0x18200  }
0x221: {  	[tilespmem:s18], [sflag:$0x3] =	stream.indirect_vreg.gather [hbm4b:s10+s4], $0x80, v4, vm0, $0xb8;
	[tilespmem:$0x18A00] =	vst v63  }
0x222: {  	_ =	swait.ge [sflag:s30], $0x8000  }
0x223: {  	[sflag:s30] =	ssyncset.done $0x0  }
0x224: {  	s20 =	rddreg [dreg:$0xd];
	[sflag:s30] =	ssyncadd.s32 $0xFFFF8000  }
0x225: {  	[hbm4b:s20+s4] =	stream.linear.scatter [tilespmem:s21], [sflag:$0x5], $0x8000, $0x38;
	[tilespmem:$0x18A00] =	vst v63  }
0x226: {  	_ =	swait.ge [sflag:s31], $0x8000  }
0x227: {  	[sflag:s31] =	ssyncset.done $0x0  }
0x228: {  	[sflag:s31] =	ssyncadd.s32 $0xFFFF8000  }
0x229: {  	v4 =	vld [tilespmem:$0x680];
	_ =	sdelay $0x4  }
0x22a: {  	v5 =	vshll.u32 v4, $0x3  }
0x22b: {  	v4 =	vand.u32 $0x7, v4;
	v5 =	vand.u32 $0xFFFFFFC0, v5  }
0x22c: {  	v4 =	vor.u32 v4, v5  }
0x22d: {  	v5 =	vperm.xlane v4, v0;
	_ =	sdelay $0x1  }
0x22e: {  	v5 =	vadd.s32 v1, v5;
	_ =	sdelay $0x4  }
0x22f: {  	[tilespmem:s0], [sflag:$0x1] =	stream.indirect_vreg.gather [hbm4b:s1+s4], $0x80, v5, vm0, $0xb8;
	[tilespmem:$0x18A00] =	vst v63  }
0x230: {  	s24 =	simm.s32 $0x1200;
	v4 =	vperm.xlane v4, v2  }
0x231: {  	[tilespmem:s24], [sflag:$0x1] =	stream.indirect_vreg.gather [hbm4b:s7+s4], $0x80, v5, vm0, $0xb8;
	[tilespmem:$0x18A00] =	vst v63  }
0x232: {  	s28 =	simm.s32 $0x1A00;
	v4 =	vadd.s32 v1, v4  }
0x233: {  	[tilespmem:s28], [sflag:$0x1] =	stream.indirect_vreg.gather [hbm4b:s9+s4], $0x80, v5, vm0, $0xb8;
	[tilespmem:$0x18A00] =	vst v63  }
0x234: {  	s13 =	simm.s32 $0x2200  }
0x235: {  	[tilespmem:s13], [sflag:$0x1] =	stream.indirect_vreg.gather [hbm4b:s10+s4], $0x80, v5, vm0, $0xb8;
	[tilespmem:$0x18A00] =	vst v63  }
0x236: {  	s23 =	simm.s32 $0x2A00  }
0x237: {  	[tilespmem:s23], [sflag:$0x1] =	stream.indirect_vreg.gather [hbm4b:s1+s4], $0x80, v4, vm0, $0xb8;
	[tilespmem:$0x18A00] =	vst v63  }
0x238: {  	s19 =	simm.s32 $0x3200  }
0x239: {  	[tilespmem:s19], [sflag:$0x1] =	stream.indirect_vreg.gather [hbm4b:s7+s4], $0x80, v4, vm0, $0xb8;
	[tilespmem:$0x18A00] =	vst v63  }
0x23a: {  	s17 =	simm.s32 $0x3A00  }
0x23b: {  	[tilespmem:s17], [sflag:$0x1] =	stream.indirect_vreg.gather [hbm4b:s9+s4], $0x80, v4, vm0, $0xb8;
	[tilespmem:$0x18A00] =	vst v63  }
0x23c: {  	s6 =	simm.s32 $0x4200  }
0x23d: {  	[tilespmem:s6], [sflag:$0x1] =	stream.indirect_vreg.gather [hbm4b:s10+s4], $0x80, v4, vm0, $0xb8;
	[tilespmem:$0x18A00] =	vst v63  }
0x23e: {  	v4 =	vld [tilespmem:$0x690];
	_ =	sdelay $0x4  }
0x23f: {  	v5 =	vshll.u32 v4, $0x3  }
0x240: {  	v4 =	vand.u32 $0x7, v4;
	v5 =	vand.u32 $0xFFFFFFC0, v5  }
0x241: {  	v4 =	vor.u32 v4, v5  }
0x242: {  	v5 =	vperm.xlane v4, v0;
	_ =	sdelay $0x1  }
0x243: {  	v5 =	vadd.s32 v1, v5;
	_ =	sdelay $0x3  }
0x244: {  	s17 =	simm.s32 $0x4A00  }
0x245: {  	[tilespmem:s17], [sflag:$0x1] =	stream.indirect_vreg.gather [hbm4b:s1+s4], $0x80, v5, vm0, $0xb8;
	[tilespmem:$0x18A00] =	vst v63  }
0x246: {  	s18 =	simm.s32 $0x5200;
	v4 =	vperm.xlane v4, v2  }
0x247: {  	[tilespmem:s18], [sflag:$0x1] =	stream.indirect_vreg.gather [hbm4b:s7+s4], $0x80, v5, vm0, $0xb8;
	[tilespmem:$0x18A00] =	vst v63  }
0x248: {  	v4 =	vadd.s32 v1, v4;
	s18 =	simm.s32 $0x5A00  }
0x249: {  	[tilespmem:s18], [sflag:$0x1] =	stream.indirect_vreg.gather [hbm4b:s9+s4], $0x80, v5, vm0, $0xb8;
	[tilespmem:$0x18A00] =	vst v63  }
0x24a: {  	_ = 	snop  }
0x24b: {  	[tilespmem:s15], [sflag:$0x1] =	stream.indirect_vreg.gather [hbm4b:s10+s4], $0x80, v5, vm0, $0xb8;
	[tilespmem:$0x18A00] =	vst v63  }
0x24c: {  	_ = 	snop  }
0x24d: {  	[tilespmem:s16], [sflag:$0x1] =	stream.indirect_vreg.gather [hbm4b:s1+s4], $0x80, v4, vm0, $0xb8;
	[tilespmem:$0x18A00] =	vst v63  }
0x24e: {  	s19 =	simm.s32 $0x7200  }
0x24f: {  	[tilespmem:s19], [sflag:$0x1] =	stream.indirect_vreg.gather [hbm4b:s7+s4], $0x80, v4, vm0, $0xb8;
	[tilespmem:$0x18A00] =	vst v63  }
0x250: {  	s23 =	simm.s32 $0x7A00  }
0x251: {  	[tilespmem:s23], [sflag:$0x1] =	stream.indirect_vreg.gather [hbm4b:s9+s4], $0x80, v4, vm0, $0xb8;
	[tilespmem:$0x18A00] =	vst v63  }
0x252: {  	s19 =	simm.s32 $0x8200  }
0x253: {  	[tilespmem:s19], [sflag:$0x1] =	stream.indirect_vreg.gather [hbm4b:s10+s4], $0x80, v4, vm0, $0xb8;
	[tilespmem:$0x18A00] =	vst v63  }
0x254: {  	_ =	swait.ge [sflag:s22], $0x8000  }
0x255: {  	[sflag:s22] =	ssyncset.done $0x0  }
0x256: {  	s17 =	rddreg [dreg:$0xe];
	[sflag:s22] =	ssyncadd.s32 $0xFFFF8000  }
0x257: {  	[hbm4b:s17+s4] =	stream.linear.scatter [tilespmem:s3], [sflag:$0x6], $0x8000, $0x38;
	[tilespmem:$0x18A00] =	vst v63  }
0x258: {  	_ =	swait.ge [sflag:s5], $0x8000  }
0x259: {  	[sflag:s5] =	ssyncset.done $0x0  }
0x25a: {  	[sflag:s5] =	ssyncadd.s32 $0xFFFF8000  }
0x25b: {  	v4 =	vld [tilespmem:$0x700];
	_ =	sdelay $0x4  }
0x25c: {  	v5 =	vshll.u32 v4, $0x3  }
0x25d: {  	v4 =	vand.u32 $0x7, v4;
	v5 =	vand.u32 $0xFFFFFFC0, v5  }
0x25e: {  	v4 =	vor.u32 v4, v5  }
0x25f: {  	v5 =	vperm.xlane v4, v0;
	_ =	sdelay $0x1  }
0x260: {  	v5 =	vadd.s32 v1, v5;
	_ =	sdelay $0x4  }
0x261: {  	[tilespmem:s21], [sflag:$0x2] =	stream.indirect_vreg.gather [hbm4b:s1+s4], $0x80, v5, vm0, $0xb8;
	[tilespmem:$0x18A00] =	vst v63  }
0x262: {  	s23 =	simm.s32 $0x9200;
	v4 =	vperm.xlane v4, v2  }
0x263: {  	[tilespmem:s23], [sflag:$0x2] =	stream.indirect_vreg.gather [hbm4b:s7+s4], $0x80, v5, vm0, $0xb8;
	[tilespmem:$0x18A00] =	vst v63  }
0x264: {  	s17 =	simm.s32 $0x9A00;
	v4 =	vadd.s32 v1, v4  }
0x265: {  	[tilespmem:s17], [sflag:$0x2] =	stream.indirect_vreg.gather [hbm4b:s9+s4], $0x80, v5, vm0, $0xb8;
	[tilespmem:$0x18A00] =	vst v63  }
0x266: {  	s23 =	simm.s32 $0xA200  }
0x267: {  	[tilespmem:s23], [sflag:$0x2] =	stream.indirect_vreg.gather [hbm4b:s10+s4], $0x80, v5, vm0, $0xb8;
	[tilespmem:$0x18A00] =	vst v63  }
0x268: {  	s17 =	simm.s32 $0xAA00  }
0x269: {  	[tilespmem:s17], [sflag:$0x2] =	stream.indirect_vreg.gather [hbm4b:s1+s4], $0x80, v4, vm0, $0xb8;
	[tilespmem:$0x18A00] =	vst v63  }
0x26a: {  	s23 =	simm.s32 $0xB200  }
0x26b: {  	[tilespmem:s23], [sflag:$0x2] =	stream.indirect_vreg.gather [hbm4b:s7+s4], $0x80, v4, vm0, $0xb8;
	[tilespmem:$0x18A00] =	vst v63  }
0x26c: {  	s17 =	simm.s32 $0xBA00  }
0x26d: {  	[tilespmem:s17], [sflag:$0x2] =	stream.indirect_vreg.gather [hbm4b:s9+s4], $0x80, v4, vm0, $0xb8;
	[tilespmem:$0x18A00] =	vst v63  }
0x26e: {  	s23 =	simm.s32 $0xC200  }
0x26f: {  	[tilespmem:s23], [sflag:$0x2] =	stream.indirect_vreg.gather [hbm4b:s10+s4], $0x80, v4, vm0, $0xb8;
	[tilespmem:$0x18A00] =	vst v63  }
0x270: {  	v4 =	vld [tilespmem:$0x710];
	_ =	sdelay $0x4  }
0x271: {  	v5 =	vshll.u32 v4, $0x3  }
0x272: {  	v4 =	vand.u32 $0x7, v4;
	v5 =	vand.u32 $0xFFFFFFC0, v5  }
0x273: {  	v4 =	vor.u32 v4, v5  }
0x274: {  	v5 =	vperm.xlane v4, v0;
	_ =	sdelay $0x1  }
0x275: {  	v5 =	vadd.s32 v1, v5;
	_ =	sdelay $0x3  }
0x276: {  	s17 =	simm.s32 $0xCA00  }
0x277: {  	[tilespmem:s17], [sflag:$0x2] =	stream.indirect_vreg.gather [hbm4b:s1+s4], $0x80, v5, vm0, $0xb8;
	[tilespmem:$0x18A00] =	vst v63  }
0x278: {  	s23 =	simm.s32 $0xD200;
	v4 =	vperm.xlane v4, v2  }
0x279: {  	[tilespmem:s23], [sflag:$0x2] =	stream.indirect_vreg.gather [hbm4b:s7+s4], $0x80, v5, vm0, $0xb8;
	[tilespmem:$0x18A00] =	vst v63  }
0x27a: {  	v4 =	vadd.s32 v1, v4;
	s17 =	simm.s32 $0xDA00  }
0x27b: {  	[tilespmem:s17], [sflag:$0x2] =	stream.indirect_vreg.gather [hbm4b:s9+s4], $0x80, v5, vm0, $0xb8;
	[tilespmem:$0x18A00] =	vst v63  }
0x27c: {  	s23 =	simm.s32 $0xE200  }
0x27d: {  	[tilespmem:s23], [sflag:$0x2] =	stream.indirect_vreg.gather [hbm4b:s10+s4], $0x80, v5, vm0, $0xb8;
	[tilespmem:$0x18A00] =	vst v63  }
0x27e: {  	s17 =	simm.s32 $0xEA00  }
0x27f: {  	[tilespmem:s17], [sflag:$0x2] =	stream.indirect_vreg.gather [hbm4b:s1+s4], $0x80, v4, vm0, $0xb8;
	[tilespmem:$0x18A00] =	vst v63  }
0x280: {  	s23 =	simm.s32 $0xF200  }
0x281: {  	[tilespmem:s23], [sflag:$0x2] =	stream.indirect_vreg.gather [hbm4b:s7+s4], $0x80, v4, vm0, $0xb8;
	[tilespmem:$0x18A00] =	vst v63  }
0x282: {  	s17 =	simm.s32 $0xFA00  }
0x283: {  	[tilespmem:s17], [sflag:$0x2] =	stream.indirect_vreg.gather [hbm4b:s9+s4], $0x80, v4, vm0, $0xb8;
	[tilespmem:$0x18A00] =	vst v63  }
0x284: {  	s23 =	simm.s32 $0x10200  }
0x285: {  	[tilespmem:s23], [sflag:$0x2] =	stream.indirect_vreg.gather [hbm4b:s10+s4], $0x80, v4, vm0, $0xb8;
	[tilespmem:$0x18A00] =	vst v63  }
0x286: {  	_ =	swait.ge [sflag:s8], $0x8000  }
0x287: {  	[sflag:s8] =	ssyncset.done $0x0  }
0x288: {  	s17 =	rddreg [dreg:$0xf];
	[sflag:s8] =	ssyncadd.s32 $0xFFFF8000  }
0x289: {  	[hbm4b:s17+s4] =	stream.linear.scatter [tilespmem:s0], [sflag:$0x4], $0x8000, $0x38;
	[tilespmem:$0x18A00] =	vst v63  }
0x28a: {  	_ =	swait.ge [sflag:s14], $0x8000  }
0x28b: {  	[sflag:s14] =	ssyncset.done $0x0  }
0x28c: {  	[sflag:s14] =	ssyncadd.s32 $0xFFFF8000  }
0x28d: {  	v4 =	vld [tilespmem:$0x780];
	_ =	sdelay $0x4  }
0x28e: {  	v5 =	vshll.u32 v4, $0x3  }
0x28f: {  	v4 =	vand.u32 $0x7, v4;
	v5 =	vand.u32 $0xFFFFFFC0, v5  }
0x290: {  	v4 =	vor.u32 v4, v5  }
0x291: {  	v5 =	vperm.xlane v4, v0;
	_ =	sdelay $0x1  }
0x292: {  	v5 =	vadd.s32 v1, v5;
	_ =	sdelay $0x4  }
0x293: {  	[tilespmem:s3], [sflag:$0x3] =	stream.indirect_vreg.gather [hbm4b:s1+s4], $0x80, v5, vm0, $0xb8;
	[tilespmem:$0x18A00] =	vst v63  }
0x294: {  	s23 =	simm.s32 $0x11200;
	v4 =	vperm.xlane v4, v2  }
0x295: {  	[tilespmem:s23], [sflag:$0x3] =	stream.indirect_vreg.gather [hbm4b:s7+s4], $0x80, v5, vm0, $0xb8;
	[tilespmem:$0x18A00] =	vst v63  }
0x296: {  	s12 =	simm.s32 $0x11A00;
	v4 =	vadd.s32 v1, v4  }
0x297: {  	[tilespmem:s12], [sflag:$0x3] =	stream.indirect_vreg.gather [hbm4b:s9+s4], $0x80, v5, vm0, $0xb8;
	[tilespmem:$0x18A00] =	vst v63  }
0x298: {  	s25 =	simm.s32 $0x12200  }
0x299: {  	[tilespmem:s25], [sflag:$0x3] =	stream.indirect_vreg.gather [hbm4b:s10+s4], $0x80, v5, vm0, $0xb8;
	[tilespmem:$0x18A00] =	vst v63  }
0x29a: {  	s25 =	simm.s32 $0x12A00  }
0x29b: {  	[tilespmem:s25], [sflag:$0x3] =	stream.indirect_vreg.gather [hbm4b:s1+s4], $0x80, v4, vm0, $0xb8;
	[tilespmem:$0x18A00] =	vst v63  }
0x29c: {  	s11 =	simm.s32 $0x13200  }
0x29d: {  	[tilespmem:s11], [sflag:$0x3] =	stream.indirect_vreg.gather [hbm4b:s7+s4], $0x80, v4, vm0, $0xb8;
	[tilespmem:$0x18A00] =	vst v63  }
0x29e: {  	s26 =	simm.s32 $0x13A00  }
0x29f: {  	[tilespmem:s26], [sflag:$0x3] =	stream.indirect_vreg.gather [hbm4b:s9+s4], $0x80, v4, vm0, $0xb8;
	[tilespmem:$0x18A00] =	vst v63  }
0x2a0: {  	s26 =	simm.s32 $0x14200  }
0x2a1: {  	[tilespmem:s26], [sflag:$0x3] =	stream.indirect_vreg.gather [hbm4b:s10+s4], $0x80, v4, vm0, $0xb8;
	[tilespmem:$0x18A00] =	vst v63  }
0x2a2: {  	v4 =	vld [tilespmem:$0x790];
	_ =	sdelay $0x4  }
0x2a3: {  	v5 =	vshll.u32 v4, $0x3  }
0x2a4: {  	v4 =	vand.u32 $0x7, v4;
	v5 =	vand.u32 $0xFFFFFFC0, v5  }
0x2a5: {  	v4 =	vor.u32 v4, v5  }
0x2a6: {  	v5 =	vperm.xlane v4, v0;
	_ =	sdelay $0x1  }
0x2a7: {  	v5 =	vadd.s32 v1, v5;
	_ =	sdelay $0x3  }
0x2a8: {  	s25 =	simm.s32 $0x14A00  }
0x2a9: {  	[tilespmem:s25], [sflag:$0x3] =	stream.indirect_vreg.gather [hbm4b:s1+s4], $0x80, v5, vm0, $0xb8;
	[tilespmem:$0x18A00] =	vst v63  }
0x2aa: {  	s26 =	simm.s32 $0x15200;
	v4 =	vperm.xlane v4, v2  }
0x2ab: {  	[tilespmem:s26], [sflag:$0x3] =	stream.indirect_vreg.gather [hbm4b:s7+s4], $0x80, v5, vm0, $0xb8;
	[tilespmem:$0x18A00] =	vst v63  }
0x2ac: {  	s29 =	simm.s32 $0x15A00;
	v4 =	vadd.s32 v1, v4  }
0x2ad: {  	[tilespmem:s29], [sflag:$0x3] =	stream.indirect_vreg.gather [hbm4b:s9+s4], $0x80, v5, vm0, $0xb8;
	[tilespmem:$0x18A00] =	vst v63  }
0x2ae: {  	s29 =	simm.s32 $0x16200  }
0x2af: {  	[tilespmem:s29], [sflag:$0x3] =	stream.indirect_vreg.gather [hbm4b:s10+s4], $0x80, v5, vm0, $0xb8;
	[tilespmem:$0x18A00] =	vst v63  }
0x2b0: {  	s25 =	simm.s32 $0x16A00  }
0x2b1: {  	[tilespmem:s25], [sflag:$0x3] =	stream.indirect_vreg.gather [hbm4b:s1+s4], $0x80, v4, vm0, $0xb8;
	[tilespmem:$0x18A00] =	vst v63  }
0x2b2: {  	s26 =	simm.s32 $0x17200  }
0x2b3: {  	[tilespmem:s26], [sflag:$0x3] =	stream.indirect_vreg.gather [hbm4b:s7+s4], $0x80, v4, vm0, $0xb8;
	[tilespmem:$0x18A00] =	vst v63  }
0x2b4: {  	s29 =	simm.s32 $0x17A00  }
0x2b5: {  	[tilespmem:s29], [sflag:$0x3] =	stream.indirect_vreg.gather [hbm4b:s9+s4], $0x80, v4, vm0, $0xb8;
	[tilespmem:$0x18A00] =	vst v63  }
0x2b6: {  	s25 =	simm.s32 $0x18200  }
0x2b7: {  	[tilespmem:s25], [sflag:$0x3] =	stream.indirect_vreg.gather [hbm4b:s10+s4], $0x80, v4, vm0, $0xb8;
	[tilespmem:$0x18A00] =	vst v63  }
0x2b8: {  	_ =	swait.ge [sflag:s30], $0x8000  }
0x2b9: {  	[sflag:s30] =	ssyncset.done $0x0  }
0x2ba: {  	s26 =	rddreg [dreg:$0x10];
	[sflag:s30] =	ssyncadd.s32 $0xFFFF8000  }
0x2bb: {  	[hbm4b:s26+s4] =	stream.linear.scatter [tilespmem:s21], [sflag:$0x5], $0x8000, $0x38;
	[tilespmem:$0x18A00] =	vst v63  }
0x2bc: {  	_ =	swait.ge [sflag:s31], $0x8000  }
0x2bd: {  	[sflag:s31] =	ssyncset.done $0x0  }
0x2be: {  	[sflag:s31] =	ssyncadd.s32 $0xFFFF8000  }
0x2bf: {  	v4 =	vld [tilespmem:$0x800];
	_ =	sdelay $0x4  }
0x2c0: {  	v5 =	vshll.u32 v4, $0x3  }
0x2c1: {  	v4 =	vand.u32 $0x7, v4;
	v5 =	vand.u32 $0xFFFFFFC0, v5  }
0x2c2: {  	v4 =	vor.u32 v4, v5  }
0x2c3: {  	v5 =	vperm.xlane v4, v0;
	_ =	sdelay $0x1  }
0x2c4: {  	v5 =	vadd.s32 v1, v5;
	_ =	sdelay $0x4  }
0x2c5: {  	[tilespmem:s0], [sflag:$0x1] =	stream.indirect_vreg.gather [hbm4b:s1+s4], $0x80, v5, vm0, $0xb8;
	[tilespmem:$0x18A00] =	vst v63  }
0x2c6: {  	s29 =	simm.s32 $0x1200;
	v4 =	vperm.xlane v4, v2  }
0x2c7: {  	[tilespmem:s29], [sflag:$0x1] =	stream.indirect_vreg.gather [hbm4b:s7+s4], $0x80, v5, vm0, $0xb8;
	[tilespmem:$0x18A00] =	vst v63  }
0x2c8: {  	s2 =	simm.s32 $0x1A00;
	v4 =	vadd.s32 v1, v4  }
0x2c9: {  	[tilespmem:s2], [sflag:$0x1] =	stream.indirect_vreg.gather [hbm4b:s9+s4], $0x80, v5, vm0, $0xb8;
	[tilespmem:$0x18A00] =	vst v63  }
0x2ca: {  	s13 =	simm.s32 $0x2200  }
0x2cb: {  	[tilespmem:s13], [sflag:$0x1] =	stream.indirect_vreg.gather [hbm4b:s10+s4], $0x80, v5, vm0, $0xb8;
	[tilespmem:$0x18A00] =	vst v63  }
0x2cc: {  	s28 =	simm.s32 $0x2A00  }
0x2cd: {  	[tilespmem:s28], [sflag:$0x1] =	stream.indirect_vreg.gather [hbm4b:s1+s4], $0x80, v4, vm0, $0xb8;
	[tilespmem:$0x18A00] =	vst v63  }
0x2ce: {  	s24 =	simm.s32 $0x3200  }
0x2cf: {  	[tilespmem:s24], [sflag:$0x1] =	stream.indirect_vreg.gather [hbm4b:s7+s4], $0x80, v4, vm0, $0xb8;
	[tilespmem:$0x18A00] =	vst v63  }
0x2d0: {  	s20 =	simm.s32 $0x3A00  }
0x2d1: {  	[tilespmem:s20], [sflag:$0x1] =	stream.indirect_vreg.gather [hbm4b:s9+s4], $0x80, v4, vm0, $0xb8;
	[tilespmem:$0x18A00] =	vst v63  }
0x2d2: {  	s6 =	simm.s32 $0x4200  }
0x2d3: {  	[tilespmem:s6], [sflag:$0x1] =	stream.indirect_vreg.gather [hbm4b:s10+s4], $0x80, v4, vm0, $0xb8;
	[tilespmem:$0x18A00] =	vst v63  }
0x2d4: {  	v4 =	vld [tilespmem:$0x810];
	_ =	sdelay $0x4  }
0x2d5: {  	v5 =	vshll.u32 v4, $0x3  }
0x2d6: {  	v4 =	vand.u32 $0x7, v4;
	v5 =	vand.u32 $0xFFFFFFC0, v5  }
0x2d7: {  	v4 =	vor.u32 v4, v5  }
0x2d8: {  	v5 =	vperm.xlane v4, v0;
	_ =	sdelay $0x1  }
0x2d9: {  	v5 =	vadd.s32 v1, v5;
	_ =	sdelay $0x3  }
0x2da: {  	s20 =	simm.s32 $0x4A00  }
0x2db: {  	[tilespmem:s20], [sflag:$0x1] =	stream.indirect_vreg.gather [hbm4b:s1+s4], $0x80, v5, vm0, $0xb8;
	[tilespmem:$0x18A00] =	vst v63  }
0x2dc: {  	s29 =	simm.s32 $0x5200;
	v4 =	vperm.xlane v4, v2  }
0x2dd: {  	[tilespmem:s29], [sflag:$0x1] =	stream.indirect_vreg.gather [hbm4b:s7+s4], $0x80, v5, vm0, $0xb8;
	[tilespmem:$0x18A00] =	vst v63  }
0x2de: {  	v4 =	vadd.s32 v1, v4  }
0x2df: {  	[tilespmem:s18], [sflag:$0x1] =	stream.indirect_vreg.gather [hbm4b:s9+s4], $0x80, v5, vm0, $0xb8;
	[tilespmem:$0x18A00] =	vst v63  }
0x2e0: {  	_ = 	snop  }
0x2e1: {  	[tilespmem:s15], [sflag:$0x1] =	stream.indirect_vreg.gather [hbm4b:s10+s4], $0x80, v5, vm0, $0xb8;
	[tilespmem:$0x18A00] =	vst v63  }
0x2e2: {  	_ = 	snop  }
0x2e3: {  	[tilespmem:s16], [sflag:$0x1] =	stream.indirect_vreg.gather [hbm4b:s1+s4], $0x80, v4, vm0, $0xb8;
	[tilespmem:$0x18A00] =	vst v63  }
0x2e4: {  	s24 =	simm.s32 $0x7200  }
0x2e5: {  	[tilespmem:s24], [sflag:$0x1] =	stream.indirect_vreg.gather [hbm4b:s7+s4], $0x80, v4, vm0, $0xb8;
	[tilespmem:$0x18A00] =	vst v63  }
0x2e6: {  	s6 =	simm.s32 $0x7A00  }
0x2e7: {  	[tilespmem:s6], [sflag:$0x1] =	stream.indirect_vreg.gather [hbm4b:s9+s4], $0x80, v4, vm0, $0xb8;
	[tilespmem:$0x18A00] =	vst v63  }
0x2e8: {  	_ = 	snop  }
0x2e9: {  	[tilespmem:s19], [sflag:$0x1] =	stream.indirect_vreg.gather [hbm4b:s10+s4], $0x80, v4, vm0, $0xb8;
	[tilespmem:$0x18A00] =	vst v63  }
0x2ea: {  	_ =	swait.ge [sflag:s22], $0x8000  }
0x2eb: {  	[sflag:s22] =	ssyncset.done $0x0  }
0x2ec: {  	s0 =	rddreg [dreg:$0x11];
	[sflag:s22] =	ssyncadd.s32 $0xFFFF8000  }
0x2ed: {  	[hbm4b:s0+s4] =	stream.linear.scatter [tilespmem:s3], [sflag:$0x6], $0x8000, $0x38;
	[tilespmem:$0x18A00] =	vst v63  }
0x2ee: {  	_ =	swait.ge [sflag:s5], $0x8000  }
0x2ef: {  	[sflag:s5] =	ssyncset.done $0x0  }
0x2f0: {  	[sflag:s5] =	ssyncadd.s32 $0xFFFF8000  }
0x2f1: {  	v4 =	vld [tilespmem:$0x880];
	_ =	sdelay $0x4  }
0x2f2: {  	v5 =	vshll.u32 v4, $0x3  }
0x2f3: {  	v4 =	vand.u32 $0x7, v4;
	v5 =	vand.u32 $0xFFFFFFC0, v5  }
0x2f4: {  	v4 =	vor.u32 v4, v5  }
0x2f5: {  	v5 =	vperm.xlane v4, v0;
	_ =	sdelay $0x1  }
0x2f6: {  	v5 =	vadd.s32 v1, v5;
	_ =	sdelay $0x4  }
0x2f7: {  	[tilespmem:s21], [sflag:$0x2] =	stream.indirect_vreg.gather [hbm4b:s1+s4], $0x80, v5, vm0, $0xb8;
	[tilespmem:$0x18A00] =	vst v63  }
0x2f8: {  	s20 =	simm.s32 $0x9200;
	v4 =	vperm.xlane v4, v2  }
0x2f9: {  	[tilespmem:s20], [sflag:$0x2] =	stream.indirect_vreg.gather [hbm4b:s7+s4], $0x80, v5, vm0, $0xb8;
	[tilespmem:$0x18A00] =	vst v63  }
0x2fa: {  	s24 =	simm.s32 $0x9A00;
	v4 =	vadd.s32 v1, v4  }
0x2fb: {  	[tilespmem:s24], [sflag:$0x2] =	stream.indirect_vreg.gather [hbm4b:s9+s4], $0x80, v5, vm0, $0xb8;
	[tilespmem:$0x18A00] =	vst v63  }
0x2fc: {  	s2 =	simm.s32 $0xA200  }
0x2fd: {  	[tilespmem:s2], [sflag:$0x2] =	stream.indirect_vreg.gather [hbm4b:s10+s4], $0x80, v5, vm0, $0xb8;
	[tilespmem:$0x18A00] =	vst v63  }
0x2fe: {  	s2 =	simm.s32 $0xAA00  }
0x2ff: {  	[tilespmem:s2], [sflag:$0x2] =	stream.indirect_vreg.gather [hbm4b:s1+s4], $0x80, v4, vm0, $0xb8;
	[tilespmem:$0x18A00] =	vst v63  }
0x300: {  	s2 =	simm.s32 $0xB200  }
0x301: {  	[tilespmem:s2], [sflag:$0x2] =	stream.indirect_vreg.gather [hbm4b:s7+s4], $0x80, v4, vm0, $0xb8;
	[tilespmem:$0x18A00] =	vst v63  }
0x302: {  	s2 =	simm.s32 $0xBA00  }
0x303: {  	[tilespmem:s2], [sflag:$0x2] =	stream.indirect_vreg.gather [hbm4b:s9+s4], $0x80, v4, vm0, $0xb8;
	[tilespmem:$0x18A00] =	vst v63  }
0x304: {  	s2 =	simm.s32 $0xC200  }
0x305: {  	[tilespmem:s2], [sflag:$0x2] =	stream.indirect_vreg.gather [hbm4b:s10+s4], $0x80, v4, vm0, $0xb8;
	[tilespmem:$0x18A00] =	vst v63  }
0x306: {  	v4 =	vld [tilespmem:$0x890];
	_ =	sdelay $0x4  }
0x307: {  	v5 =	vshll.u32 v4, $0x3  }
0x308: {  	v4 =	vand.u32 $0x7, v4;
	v5 =	vand.u32 $0xFFFFFFC0, v5  }
0x309: {  	v4 =	vor.u32 v4, v5  }
0x30a: {  	v5 =	vperm.xlane v4, v0;
	_ =	sdelay $0x1  }
0x30b: {  	v5 =	vadd.s32 v1, v5;
	_ =	sdelay $0x3  }
0x30c: {  	s2 =	simm.s32 $0xCA00  }
0x30d: {  	[tilespmem:s2], [sflag:$0x2] =	stream.indirect_vreg.gather [hbm4b:s1+s4], $0x80, v5, vm0, $0xb8;
	[tilespmem:$0x18A00] =	vst v63  }
0x30e: {  	v4 =	vperm.xlane v4, v2;
	s2 =	simm.s32 $0xD200  }
0x30f: {  	[tilespmem:s2], [sflag:$0x2] =	stream.indirect_vreg.gather [hbm4b:s7+s4], $0x80, v5, vm0, $0xb8;
	[tilespmem:$0x18A00] =	vst v63  }
0x310: {  	v4 =	vadd.s32 v1, v4;
	s2 =	simm.s32 $0xDA00  }
0x311: {  	[tilespmem:s2], [sflag:$0x2] =	stream.indirect_vreg.gather [hbm4b:s9+s4], $0x80, v5, vm0, $0xb8;
	[tilespmem:$0x18A00] =	vst v63  }
0x312: {  	s2 =	simm.s32 $0xE200  }
0x313: {  	[tilespmem:s2], [sflag:$0x2] =	stream.indirect_vreg.gather [hbm4b:s10+s4], $0x80, v5, vm0, $0xb8;
	[tilespmem:$0x18A00] =	vst v63  }
0x314: {  	s2 =	simm.s32 $0xEA00  }
0x315: {  	[tilespmem:s2], [sflag:$0x2] =	stream.indirect_vreg.gather [hbm4b:s1+s4], $0x80, v4, vm0, $0xb8;
	[tilespmem:$0x18A00] =	vst v63  }
0x316: {  	s2 =	simm.s32 $0xF200  }
0x317: {  	[tilespmem:s2], [sflag:$0x2] =	stream.indirect_vreg.gather [hbm4b:s7+s4], $0x80, v4, vm0, $0xb8;
	[tilespmem:$0x18A00] =	vst v63  }
0x318: {  	s2 =	simm.s32 $0xFA00  }
0x319: {  	[tilespmem:s2], [sflag:$0x2] =	stream.indirect_vreg.gather [hbm4b:s9+s4], $0x80, v4, vm0, $0xb8;
	[tilespmem:$0x18A00] =	vst v63  }
0x31a: {  	s2 =	simm.s32 $0x10200  }
0x31b: {  	[tilespmem:s2], [sflag:$0x2] =	stream.indirect_vreg.gather [hbm4b:s10+s4], $0x80, v4, vm0, $0xb8;
	[tilespmem:$0x18A00] =	vst v63  }
0x31c: {  	_ =	swait.ge [sflag:s8], $0x8000  }
0x31d: {  	[sflag:s8] =	ssyncset.done $0x0  }
0x31e: {  	s0 =	simm.s32 $0xA00;
	s2 =	rddreg [dreg:$0x12];
	[sflag:s8] =	ssyncadd.s32 $0xFFFF8000  }
0x31f: {  	[hbm4b:s2+s4] =	stream.linear.scatter [tilespmem:s0], [sflag:$0x4], $0x8000, $0x38;
	[tilespmem:$0x18A00] =	vst v63  }
0x320: {  	_ =	swait.ge [sflag:s14], $0x8000  }
0x321: {  	[sflag:s14] =	ssyncset.done $0x0  }
0x322: {  	[sflag:s14] =	ssyncadd.s32 $0xFFFF8000  }
0x323: {  	v4 =	vld [tilespmem:$0x900];
	_ =	sdelay $0x4  }
0x324: {  	v5 =	vshll.u32 v4, $0x3  }
0x325: {  	v4 =	vand.u32 $0x7, v4;
	v5 =	vand.u32 $0xFFFFFFC0, v5  }
0x326: {  	v4 =	vor.u32 v4, v5  }
0x327: {  	v5 =	vperm.xlane v4, v0;
	_ =	sdelay $0x1  }
0x328: {  	v5 =	vadd.s32 v1, v5;
	_ =	sdelay $0x4  }
0x329: {  	[tilespmem:s3], [sflag:$0x3] =	stream.indirect_vreg.gather [hbm4b:s1+s4], $0x80, v5, vm0, $0xb8;
	[tilespmem:$0x18A00] =	vst v63  }
0x32a: {  	s2 =	simm.s32 $0x11200;
	v4 =	vperm.xlane v4, v2  }
0x32b: {  	[tilespmem:s2], [sflag:$0x3] =	stream.indirect_vreg.gather [hbm4b:s7+s4], $0x80, v5, vm0, $0xb8;
	[tilespmem:$0x18A00] =	vst v63  }
0x32c: {  	s12 =	simm.s32 $0x11A00;
	v4 =	vadd.s32 v1, v4  }
0x32d: {  	[tilespmem:s12], [sflag:$0x3] =	stream.indirect_vreg.gather [hbm4b:s9+s4], $0x80, v5, vm0, $0xb8;
	[tilespmem:$0x18A00] =	vst v63  }
0x32e: {  	s17 =	simm.s32 $0x12200  }
0x32f: {  	[tilespmem:s17], [sflag:$0x3] =	stream.indirect_vreg.gather [hbm4b:s10+s4], $0x80, v5, vm0, $0xb8;
	[tilespmem:$0x18A00] =	vst v63  }
0x330: {  	s23 =	simm.s32 $0x12A00  }
0x331: {  	[tilespmem:s23], [sflag:$0x3] =	stream.indirect_vreg.gather [hbm4b:s1+s4], $0x80, v4, vm0, $0xb8;
	[tilespmem:$0x18A00] =	vst v63  }
0x332: {  	s11 =	simm.s32 $0x13200  }
0x333: {  	[tilespmem:s11], [sflag:$0x3] =	stream.indirect_vreg.gather [hbm4b:s7+s4], $0x80, v4, vm0, $0xb8;
	[tilespmem:$0x18A00] =	vst v63  }
0x334: {  	s23 =	simm.s32 $0x13A00  }
0x335: {  	[tilespmem:s23], [sflag:$0x3] =	stream.indirect_vreg.gather [hbm4b:s9+s4], $0x80, v4, vm0, $0xb8;
	[tilespmem:$0x18A00] =	vst v63  }
0x336: {  	s11 =	simm.s32 $0x14200  }
0x337: {  	[tilespmem:s11], [sflag:$0x3] =	stream.indirect_vreg.gather [hbm4b:s10+s4], $0x80, v4, vm0, $0xb8;
	[tilespmem:$0x18A00] =	vst v63  }
0x338: {  	v4 =	vld [tilespmem:$0x910];
	_ =	sdelay $0x4  }
0x339: {  	v5 =	vshll.u32 v4, $0x3  }
0x33a: {  	v4 =	vand.u32 $0x7, v4;
	v5 =	vand.u32 $0xFFFFFFC0, v5  }
0x33b: {  	v4 =	vor.u32 v4, v5  }
0x33c: {  	v5 =	vperm.xlane v4, v0;
	_ =	sdelay $0x1  }
0x33d: {  	v5 =	vadd.s32 v1, v5;
	_ =	sdelay $0x3  }
0x33e: {  	s12 =	simm.s32 $0x14A00  }
0x33f: {  	[tilespmem:s12], [sflag:$0x3] =	stream.indirect_vreg.gather [hbm4b:s1+s4], $0x80, v5, vm0, $0xb8;
	[tilespmem:$0x18A00] =	vst v63  }
0x340: {  	s17 =	simm.s32 $0x15200;
	v4 =	vperm.xlane v4, v2  }
0x341: {  	[tilespmem:s17], [sflag:$0x3] =	stream.indirect_vreg.gather [hbm4b:s7+s4], $0x80, v5, vm0, $0xb8;
	[tilespmem:$0x18A00] =	vst v63  }
0x342: {  	s23 =	simm.s32 $0x15A00;
	v4 =	vadd.s32 v1, v4  }
0x343: {  	[tilespmem:s23], [sflag:$0x3] =	stream.indirect_vreg.gather [hbm4b:s9+s4], $0x80, v5, vm0, $0xb8;
	[tilespmem:$0x18A00] =	vst v63  }
0x344: {  	s11 =	simm.s32 $0x16200  }
0x345: {  	[tilespmem:s11], [sflag:$0x3] =	stream.indirect_vreg.gather [hbm4b:s10+s4], $0x80, v5, vm0, $0xb8;
	[tilespmem:$0x18A00] =	vst v63  }
0x346: {  	s12 =	simm.s32 $0x16A00  }
0x347: {  	[tilespmem:s12], [sflag:$0x3] =	stream.indirect_vreg.gather [hbm4b:s1+s4], $0x80, v4, vm0, $0xb8;
	[tilespmem:$0x18A00] =	vst v63  }
0x348: {  	s17 =	simm.s32 $0x17200  }
0x349: {  	[tilespmem:s17], [sflag:$0x3] =	stream.indirect_vreg.gather [hbm4b:s7+s4], $0x80, v4, vm0, $0xb8;
	[tilespmem:$0x18A00] =	vst v63  }
0x34a: {  	s23 =	simm.s32 $0x17A00  }
0x34b: {  	[tilespmem:s23], [sflag:$0x3] =	stream.indirect_vreg.gather [hbm4b:s9+s4], $0x80, v4, vm0, $0xb8;
	[tilespmem:$0x18A00] =	vst v63  }
0x34c: {  	s11 =	simm.s32 $0x18200  }
0x34d: {  	[tilespmem:s11], [sflag:$0x3] =	stream.indirect_vreg.gather [hbm4b:s10+s4], $0x80, v4, vm0, $0xb8;
	[tilespmem:$0x18A00] =	vst v63  }
0x34e: {  	_ =	swait.ge [sflag:s30], $0x8000  }
0x34f: {  	[sflag:s30] =	ssyncset.done $0x0  }
0x350: {  	s12 =	rddreg [dreg:$0x13];
	[sflag:s30] =	ssyncadd.s32 $0xFFFF8000  }
0x351: {  	[hbm4b:s12+s4] =	stream.linear.scatter [tilespmem:s21], [sflag:$0x5], $0x8000, $0x38;
	[tilespmem:$0x18A00] =	vst v63  }
0x352: {  	_ =	swait.ge [sflag:s31], $0x8000  }
0x353: {  	[sflag:s31] =	ssyncset.done $0x0  }
0x354: {  	[sflag:s31] =	ssyncadd.s32 $0xFFFF8000  }
0x355: {  	v4 =	vld [tilespmem:$0x980];
	_ =	sdelay $0x4  }
0x356: {  	v5 =	vshll.u32 v4, $0x3  }
0x357: {  	v4 =	vand.u32 $0x7, v4;
	v5 =	vand.u32 $0xFFFFFFC0, v5  }
0x358: {  	v4 =	vor.u32 v4, v5  }
0x359: {  	v5 =	vperm.xlane v4, v0;
	_ =	sdelay $0x1  }
0x35a: {  	v5 =	vadd.s32 v1, v5;
	_ =	sdelay $0x4  }
0x35b: {  	[tilespmem:s0], [sflag:$0x1] =	stream.indirect_vreg.gather [hbm4b:s1+s4], $0x80, v5, vm0, $0xb8;
	[tilespmem:$0x18A00] =	vst v63  }
0x35c: {  	s17 =	simm.s32 $0x1200;
	v4 =	vperm.xlane v4, v2  }
0x35d: {  	[tilespmem:s17], [sflag:$0x1] =	stream.indirect_vreg.gather [hbm4b:s7+s4], $0x80, v5, vm0, $0xb8;
	[tilespmem:$0x18A00] =	vst v63  }
0x35e: {  	s23 =	simm.s32 $0x1A00;
	v4 =	vadd.s32 v1, v4  }
0x35f: {  	[tilespmem:s23], [sflag:$0x1] =	stream.indirect_vreg.gather [hbm4b:s9+s4], $0x80, v5, vm0, $0xb8;
	[tilespmem:$0x18A00] =	vst v63  }
0x360: {  	s26 =	simm.s32 $0x2200  }
0x361: {  	[tilespmem:s26], [sflag:$0x1] =	stream.indirect_vreg.gather [hbm4b:s10+s4], $0x80, v5, vm0, $0xb8;
	[tilespmem:$0x18A00] =	vst v63  }
0x362: {  	s28 =	simm.s32 $0x2A00  }
0x363: {  	[tilespmem:s28], [sflag:$0x1] =	stream.indirect_vreg.gather [hbm4b:s1+s4], $0x80, v4, vm0, $0xb8;
	[tilespmem:$0x18A00] =	vst v63  }
0x364: {  	s13 =	simm.s32 $0x3200  }
0x365: {  	[tilespmem:s13], [sflag:$0x1] =	stream.indirect_vreg.gather [hbm4b:s7+s4], $0x80, v4, vm0, $0xb8;
	[tilespmem:$0x18A00] =	vst v63  }
0x366: {  	s25 =	simm.s32 $0x3A00  }
0x367: {  	[tilespmem:s25], [sflag:$0x1] =	stream.indirect_vreg.gather [hbm4b:s9+s4], $0x80, v4, vm0, $0xb8;
	[tilespmem:$0x18A00] =	vst v63  }
0x368: {  	s28 =	simm.s32 $0x4200  }
0x369: {  	[tilespmem:s28], [sflag:$0x1] =	stream.indirect_vreg.gather [hbm4b:s10+s4], $0x80, v4, vm0, $0xb8;
	[tilespmem:$0x18A00] =	vst v63  }
0x36a: {  	v4 =	vld [tilespmem:$0x990];
	_ =	sdelay $0x4  }
0x36b: {  	v5 =	vshll.u32 v4, $0x3  }
0x36c: {  	v4 =	vand.u32 $0x7, v4;
	v5 =	vand.u32 $0xFFFFFFC0, v5  }
0x36d: {  	v4 =	vor.u32 v4, v5  }
0x36e: {  	v5 =	vperm.xlane v4, v0;
	_ =	sdelay $0x1  }
0x36f: {  	v5 =	vadd.s32 v1, v5;
	_ =	sdelay $0x3  }
0x370: {  	s20 =	simm.s32 $0x4A00  }
0x371: {  	[tilespmem:s20], [sflag:$0x1] =	stream.indirect_vreg.gather [hbm4b:s1+s4], $0x80, v5, vm0, $0xb8;
	[tilespmem:$0x18A00] =	vst v63  }
0x372: {  	v4 =	vperm.xlane v4, v2  }
0x373: {  	[tilespmem:s29], [sflag:$0x1] =	stream.indirect_vreg.gather [hbm4b:s7+s4], $0x80, v5, vm0, $0xb8;
	[tilespmem:$0x18A00] =	vst v63  }
0x374: {  	v4 =	vadd.s32 v1, v4  }
0x375: {  	[tilespmem:s18], [sflag:$0x1] =	stream.indirect_vreg.gather [hbm4b:s9+s4], $0x80, v5, vm0, $0xb8;
	[tilespmem:$0x18A00] =	vst v63  }
0x376: {  	_ = 	snop  }
0x377: {  	[tilespmem:s15], [sflag:$0x1] =	stream.indirect_vreg.gather [hbm4b:s10+s4], $0x80, v5, vm0, $0xb8;
	[tilespmem:$0x18A00] =	vst v63  }
0x378: {  	_ = 	snop  }
0x379: {  	[tilespmem:s16], [sflag:$0x1] =	stream.indirect_vreg.gather [hbm4b:s1+s4], $0x80, v4, vm0, $0xb8;
	[tilespmem:$0x18A00] =	vst v63  }
0x37a: {  	s24 =	simm.s32 $0x7200  }
0x37b: {  	[tilespmem:s24], [sflag:$0x1] =	stream.indirect_vreg.gather [hbm4b:s7+s4], $0x80, v4, vm0, $0xb8;
	[tilespmem:$0x18A00] =	vst v63  }
0x37c: {  	_ = 	snop  }
0x37d: {  	[tilespmem:s6], [sflag:$0x1] =	stream.indirect_vreg.gather [hbm4b:s9+s4], $0x80, v4, vm0, $0xb8;
	[tilespmem:$0x18A00] =	vst v63  }
0x37e: {  	_ = 	snop  }
0x37f: {  	[tilespmem:s19], [sflag:$0x1] =	stream.indirect_vreg.gather [hbm4b:s10+s4], $0x80, v4, vm0, $0xb8;
	[tilespmem:$0x18A00] =	vst v63  }
0x380: {  	_ =	swait.ge [sflag:s22], $0x8000  }
0x381: {  	[sflag:s22] =	ssyncset.done $0x0  }
.Ltmp2:
0x382: {  	s29 =	rddreg [dreg:$0x14];
	[sflag:s22] =	ssyncadd.s32 $0xFFFF8000;
	(pc) =	sbr.rel @p0 .LBB2_3-.Ltmp2, $4  }
0x383: {  	[hbm4b:s29+s4] =	stream.linear.scatter [tilespmem:s3], [sflag:$0x6], $0x8000, $0x38;
	[tilespmem:$0x18A00] =	vst v63  }
0x384: {  	_ =	swait.ge [sflag:s8], $0x8000  }
0x385: {  	s11 =	simm.s32 $0x5200;
	[sflag:s8] =	ssyncset.done $0x0  }
0x386: {  	s12 =	simm.s32 $0x4A00;
	s13 =	simm.s32 $0x7200;
	[sflag:s8] =	ssyncadd.s32 $0xFFFF8000  }
0x387: {  	v4 =	vld [tilespmem:$0x6D00]  }
0x388: {  	v5 =	vld [tilespmem:$0x6D10]  }
0x389: {  	v6 =	vld [tilespmem:$0x6D20]  }
0x38a: {  	v7 =	vld [tilespmem:$0x6D30]  }
0x38b: {  	v8 =	vld [tilespmem:$0x6D40]  }
0x38c: {  	v29 =	vld [tilespmem:$0x6D70];
	[tilespmem:$0x6D80] =	vst v4  }
0x38d: {  	v30 =	vld [tilespmem:$0x7100];
	[tilespmem:$0x6D90] =	vst v5  }
0x38e: {  	v4 =	vld [tilespmem:$0x6D50];
	[tilespmem:$0x6DA0] =	vst v6  }
0x38f: {  	v5 =	vld [tilespmem:$0x6D60];
	[tilespmem:$0x6DB0] =	vst v7  }
0x390: {  	v31 =	vld [tilespmem:$0x7110];
	[tilespmem:$0x6DC0] =	vst v8  }
0x391: {  	v32 =	vld [tilespmem:$0x7140];
	[tilespmem:$0x6DF0] =	vst v29  }
0x392: {  	v33 =	vld [tilespmem:$0x7150];
	[tilespmem:$0x7180] =	vst v30  }
0x393: {  	[tilespmem:$0x6DD0] =	vst v4;
	v4 =	vld [tilespmem:$0x7120]  }
0x394: {  	[tilespmem:$0x6DE0] =	vst v5;
	v5 =	vld [tilespmem:$0x7130]  }
0x395: {  	v34 =	vld [tilespmem:$0x7160];
	[tilespmem:$0x7190] =	vst v31  }
0x396: {  	v35 =	vld [tilespmem:$0x7510];
	[tilespmem:$0x71C0] =	vst v32  }
0x397: {  	v36 =	vld [tilespmem:$0x7520];
	[tilespmem:$0x71D0] =	vst v33  }
0x398: {  	[tilespmem:$0x71A0] =	vst v4;
	v4 =	vld [tilespmem:$0x7170]  }
0x399: {  	[tilespmem:$0x71B0] =	vst v5;
	v5 =	vld [tilespmem:$0x7500]  }
0x39a: {  	v37 =	vld [tilespmem:$0x7530];
	[tilespmem:$0x71E0] =	vst v34  }
0x39b: {  	v38 =	vld [tilespmem:$0x7560];
	[tilespmem:$0x7590] =	vst v35  }
0x39c: {  	v39 =	vld [tilespmem:$0x7570];
	[tilespmem:$0x75A0] =	vst v36  }
0x39d: {  	[tilespmem:$0x71F0] =	vst v4;
	v4 =	vld [tilespmem:$0x7540]  }
0x39e: {  	[tilespmem:$0x7580] =	vst v5;
	v5 =	vld [tilespmem:$0x7550]  }
0x39f: {  	v40 =	vld [tilespmem:$0x7900];
	[tilespmem:$0x75B0] =	vst v37  }
0x3a0: {  	v41 =	vld [tilespmem:$0x7930];
	[tilespmem:$0x75E0] =	vst v38  }
0x3a1: {  	v42 =	vld [tilespmem:$0x7940];
	[tilespmem:$0x75F0] =	vst v39  }
0x3a2: {  	[tilespmem:$0x75C0] =	vst v4;
	v4 =	vld [tilespmem:$0x7910]  }
0x3a3: {  	[tilespmem:$0x75D0] =	vst v5;
	v5 =	vld [tilespmem:$0x7920]  }
0x3a4: {  	v43 =	vld [tilespmem:$0x7950];
	[tilespmem:$0x7980] =	vst v40  }
0x3a5: {  	v44 =	vld [tilespmem:$0x7D00];
	[tilespmem:$0x79B0] =	vst v41  }
0x3a6: {  	v45 =	vld [tilespmem:$0x7D10];
	[tilespmem:$0x79C0] =	vst v42  }
0x3a7: {  	[tilespmem:$0x7990] =	vst v4;
	v4 =	vld [tilespmem:$0x7960]  }
0x3a8: {  	[tilespmem:$0x79A0] =	vst v5;
	v5 =	vld [tilespmem:$0x7970]  }
0x3a9: {  	v46 =	vld [tilespmem:$0x7D20];
	[tilespmem:$0x79D0] =	vst v43  }
0x3aa: {  	v47 =	vld [tilespmem:$0x7D50];
	[tilespmem:$0x7D80] =	vst v44  }
0x3ab: {  	v48 =	vld [tilespmem:$0x7D60];
	[tilespmem:$0x7D90] =	vst v45  }
0x3ac: {  	[tilespmem:$0x79E0] =	vst v4;
	v4 =	vld [tilespmem:$0x7D30]  }
0x3ad: {  	[tilespmem:$0x79F0] =	vst v5;
	v5 =	vld [tilespmem:$0x7D40]  }
0x3ae: {  	v49 =	vld [tilespmem:$0x7D70];
	[tilespmem:$0x7DA0] =	vst v46  }
0x3af: {  	v50 =	vld [tilespmem:$0x8120];
	[tilespmem:$0x7DD0] =	vst v47  }
0x3b0: {  	v51 =	vld [tilespmem:$0x8130];
	[tilespmem:$0x7DE0] =	vst v48  }
0x3b1: {  	[tilespmem:$0x7DB0] =	vst v4;
	v4 =	vld [tilespmem:$0x8100]  }
0x3b2: {  	[tilespmem:$0x7DC0] =	vst v5;
	v5 =	vld [tilespmem:$0x8110]  }
0x3b3: {  	v52 =	vld [tilespmem:$0x8140];
	[tilespmem:$0x7DF0] =	vst v49  }
0x3b4: {  	v53 =	vld [tilespmem:$0x8170];
	[tilespmem:$0x81A0] =	vst v50  }
0x3b5: {  	v54 =	vld [tilespmem:$0x8500];
	[tilespmem:$0x81B0] =	vst v51  }
0x3b6: {  	[tilespmem:$0x8180] =	vst v4;
	v4 =	vld [tilespmem:$0x8150]  }
0x3b7: {  	[tilespmem:$0x8190] =	vst v5;
	v5 =	vld [tilespmem:$0x8160]  }
0x3b8: {  	v55 =	vld [tilespmem:$0x8510];
	[tilespmem:$0x81C0] =	vst v52  }
0x3b9: {  	v56 =	vld [tilespmem:$0x8540];
	[tilespmem:$0x81F0] =	vst v53  }
0x3ba: {  	v57 =	vld [tilespmem:$0x8550];
	[tilespmem:$0x8580] =	vst v54  }
0x3bb: {  	[tilespmem:$0x81D0] =	vst v4;
	v4 =	vld [tilespmem:$0x8520]  }
0x3bc: {  	[tilespmem:$0x81E0] =	vst v5;
	v5 =	vld [tilespmem:$0x8530]  }
0x3bd: {  	v58 =	vld [tilespmem:$0x8560];
	[tilespmem:$0x8590] =	vst v55  }
0x3be: {  	v59 =	vld [tilespmem:$0x8910];
	[tilespmem:$0x85C0] =	vst v56  }
0x3bf: {  	v60 =	vld [tilespmem:$0x8920];
	[tilespmem:$0x85D0] =	vst v57  }
0x3c0: {  	[tilespmem:$0x85A0] =	vst v4;
	v4 =	vld [tilespmem:$0x8570]  }
0x3c1: {  	[tilespmem:$0x85B0] =	vst v5;
	v5 =	vld [tilespmem:$0x8900]  }
0x3c2: {  	v61 =	vld [tilespmem:$0x8930];
	[tilespmem:$0x85E0] =	vst v58  }
0x3c3: {  	v62 =	vld [tilespmem:$0x8960];
	[tilespmem:$0x8990] =	vst v59  }
0x3c4: {  	v63 =	vld [tilespmem:$0x8970];
	[tilespmem:$0x89A0] =	vst v60  }
0x3c5: {  	[tilespmem:$0x85F0] =	vst v4;
	v4 =	vld [tilespmem:$0x8940]  }
0x3c6: {  	[tilespmem:$0x8980] =	vst v5;
	v5 =	vld [tilespmem:$0x8950]  }
0x3c7: {  	[tilespmem:$0x89B0] =	vst v61  }
0x3c8: {  	[tilespmem:$0x89E0] =	vst v62  }
0x3c9: {  	[tilespmem:$0x89F0] =	vst v63  }
0x3ca: {  	[tilespmem:$0x89C0] =	vst v4;
	v4 =	vperm.xlane v3, v0  }
0x3cb: {  	s2 =	rddreg [dreg:$0x16];
	s3 =	simm.s32 $0x7;
	[tilespmem:$0x89D0] =	vst v5  }
0x3cc: {  	[hbm4b:s2+s4] =	stream.linear.scatter [tilespmem:s0], [sflag:$0x7], $0x6000, $0x38;
	v4 =	vadd.s32 v1, v4;
	[tilespmem:$0x18A00] =	vst v63  }
0x3cd: {  	_ =	swait.ge [sflag:s3], $0x6000  }
0x3ce: {  	[sflag:s3] =	ssyncset.done $0x0  }
0x3cf: {  	[sflag:s3] =	ssyncadd.s32 $0xFFFFA000  }
0x3d0: {  	s24 =	rddreg [dreg:$0x2]  }
0x3d1: {  	[hbm4b:s24+s4] =	stream.indirect_vreg.scatter [tilespmem:s12], [sflag:$0x7], $0x80, v4, vm0, $0xb8;
	[tilespmem:$0x18A00] =	vst v63  }
0x3d2: {  	v5 =	vperm.xlane v3, v2;
	s29 =	rddreg [dreg:$0x17]  }
0x3d3: {  	[hbm4b:s29+s4] =	stream.indirect_vreg.scatter [tilespmem:s11], [sflag:$0x7], $0x80, v4, vm0, $0xb8;
	[tilespmem:$0x18A00] =	vst v63  }
0x3d4: {  	v5 =	vadd.s32 v1, v5;
	s26 =	rddreg [dreg:$0x18]  }
0x3d5: {  	[hbm4b:s26+s4] =	stream.indirect_vreg.scatter [tilespmem:s18], [sflag:$0x7], $0x80, v4, vm0, $0xb8;
	[tilespmem:$0x18A00] =	vst v63  }
0x3d6: {  	s28 =	rddreg [dreg:$0x19]  }
0x3d7: {  	[hbm4b:s28+s4] =	stream.indirect_vreg.scatter [tilespmem:s15], [sflag:$0x7], $0x80, v4, vm0, $0xb8;
	[tilespmem:$0x18A00] =	vst v63  }
0x3d8: {  	_ = 	snop  }
0x3d9: {  	[hbm4b:s24+s4] =	stream.indirect_vreg.scatter [tilespmem:s16], [sflag:$0x7], $0x80, v5, vm0, $0xb8;
	[tilespmem:$0x18A00] =	vst v63  }
0x3da: {  	_ = 	snop  }
0x3db: {  	[hbm4b:s29+s4] =	stream.indirect_vreg.scatter [tilespmem:s13], [sflag:$0x7], $0x80, v5, vm0, $0xb8;
	[tilespmem:$0x18A00] =	vst v63  }
0x3dc: {  	_ = 	snop  }
0x3dd: {  	[hbm4b:s26+s4] =	stream.indirect_vreg.scatter [tilespmem:s6], [sflag:$0x7], $0x80, v5, vm0, $0xb8;
	[tilespmem:$0x18A00] =	vst v63  }
.Ltmp3:
0x3de: {  	_ = 	snop;
	(pc) =	sbr.rel .LBB2_4-.Ltmp3, $4  }
0x3df: {  	[hbm4b:s28+s4] =	stream.indirect_vreg.scatter [tilespmem:s19], [sflag:$0x7], $0x80, v5, vm0, $0xb8;
	[tilespmem:$0x18A00] =	vst v63  }
0x3e0: {  	_ =	swait.ge [sflag:s3], $0x4000  }
0x3e1: {  	[sflag:s3] =	ssyncset.done $0x0  }
0x3e2: {  	s2 =	rddreg [dreg:$0x1a];
	[sflag:s3] =	ssyncadd.s32 $0xFFFFC000  }
.LBB2_5:
0x3e3: {  	_ =	sfence.sel $0x180000  }
0x3e4: {  	[bflag:$0x0] =	sbarrier.arrive $0xFFFF  }
0x3e5: {  	_ =	strace $0x90000047  }
0x3e6: {  	s0 =	stileid.u32;
	[bflag:$0x2] =	sbarrier.arrive $0xFFFF  }
0x3e7: {  	p0 =	sne.s32 s0, $0x0;
	s0 =	rddreg [dreg:$0x3]  }
0x3e8: {  	s0 =	sadd.s32 @!p0 $0x100000, s0  }
0x3e9: {  	[sflag:s0] =	ssyncadd.tile.s32 @!p0 $0x1;
	_ =	shalt  }
.Lfunc_end2:
_tile_overlayer_lowered:
.L_overlay_start_2:
0x3ea: {  	(tag) =	ssettag $0x2  }
0x3eb: {  	s0 =	rddreg [dreg:$0x0];
	s2 =	stileid.u32  }
0x3ec: {  	s1 =	rddreg [dreg:$0x1];
	p0 =	sne.s32 s2, $0x0  }
0x3ed: {  	s3 =	rddreg [dreg:$0x2];
	[bflag:$0x3] =	sbarrier.arrive $0xFFFF;
	s2 =	simm.s32 @!p0 $0x1C07  }
0x3ee: {  	[timem:s3], [sflag:s2] =	dma.local @!p0 [hbm:s0], s1  }
0x3ef: {  	s0 =	simm.s32 @!p0 $0x7  }
0x3f0: {  	_ =	swait.ge @!p0 [sflag:s0], s1  }
0x3f1: {  	s1 =	ssub.s32 @!p0 $0x0, s1;
	[sflag:s0] =	ssyncset.done @!p0 $0x0  }
0x3f2: {  	[sflag:s0] =	ssyncadd.s32 @!p0 s1  }
0x3f3: {  	[bflag:$0x3] =	sbarrier.arrive $0xFFFF  }
0x3f4: {  	_ =	shalt  }

</sc_bundles>
